<compile_context>
chip_gen: v7x
topology: tpu7x:2x2x1
jax: 0.10.2.dev20260603
libtpu: 0.0.44.dev20260713+nightly
codegen_flags: <defaults>
</compile_context>

<pallas_src>
import jax
import jax.numpy as jnp
from jax import lax
from jax.experimental import pallas as pl
from jax.experimental.pallas import tpu as pltpu
from jax.experimental.pallas import tpu_sc as plsc

_B, _L, _H, _D = 8, 4096, 8, 128
_Q = 8
_RD = _H * _D
_N = _B * _L * _RD
_NW = 32
_RPW = _B * _L // _NW
_C = 16
_NCHUNK = _RPW // _C
_NB = 4
_LA = 2
_BLK = 1024
assert _NCHUNK % _NB == 0 and _LA < _NB


def _sc_v_body(v_hbm, nv_hbm, len_hbm, nlen_hbm, ov_hbm,
               vbuf, len_v, nlen_v, siv, sov):
    wid = lax.axis_index("s") * 2 + lax.axis_index("c")
    base = wid * _RPW * _RD
    row0 = wid * _RPW

    def in_v(c, j):
        return pltpu.make_async_copy(
            v_hbm.at[pl.ds(base + c * _C * _RD, _C * _RD)], vbuf.at[j], siv[j])

    def out_v(c, j):
        return pltpu.make_async_copy(
            vbuf.at[j], ov_hbm.at[pl.ds(base + c * _C * _RD, _C * _RD)], sov[j])

    for j in range(_LA):
        in_v(j, j).start()

    pltpu.sync_copy(len_hbm, len_v.at[pl.ds(0, _B)])
    pltpu.sync_copy(nlen_hbm, nlen_v.at[pl.ds(0, _B)])

    def step(g, _):
        for j in range(_NB):
            c = _NB * g + j
            in_v(c, j).wait()
            out_v(c, j).start()

            p = c + _LA
            jp = (j + _LA) % _NB

            @pl.when(p < _NCHUNK)
            def _(p=p, jp=jp):
                @pl.when(p >= _NB)
                def _():
                    out_v(p - _NB, jp).wait()
                in_v(p, jp).start()
        return _

    lax.fori_loop(0, _NCHUNK // _NB, step, None)

    for t in range(_NB):
        c = _NCHUNK - _NB + t
        out_v(c, t).wait()

    lv = len_v[...]
    nlv = nlen_v[...]
    for b in range(_B):
        l = lv[b]
        nl = nlv[b]
        for q in range(_Q):
            row = b * _L + l + q
            hit = (q < nl) & (row >= row0) & (row < row0 + _RPW)

            @pl.when(hit)
            def _(row=row, b=b, q=q):
                pltpu.sync_copy(
                    nv_hbm.at[pl.ds((b * _Q + q) * _RD, _RD)],
                    ov_hbm.at[pl.ds(row * _RD, _RD)])


def _tc_k_body(lengths_ref, new_lengths_ref, k_ref, nk_ref,
               ok_ref, olen_ref):
    b = pl.program_id(0)
    j = pl.program_id(1)
    base = j * _BLK
    l = lengths_ref[b]
    nl = new_lengths_ref[b]

    ok_ref[...] = k_ref[...]

    for q in range(_Q):
        pos = l + q
        hit = (q < nl) & (pos >= base) & (pos < base + _BLK)

        @pl.when(hit)
        def _():
            ok_ref[0, pl.ds(pos - base, 1), :, :] = nk_ref[0, pl.ds(q, 1), :, :]

    @pl.when(j == 0)
    def _():
        olen_ref[b] = l + nl


@jax.jit
def kernel(keys, values, lengths, new_keys, new_values, new_lengths):
    B, L, H, D = keys.shape

    sc_v = pl.kernel(
        _sc_v_body,
        out_type=jax.ShapeDtypeStruct((_N,), values.dtype),
        mesh=plsc.VectorSubcoreMesh(core_axis_name="c", subcore_axis_name="s"),
        scratch_types=[
            pltpu.VMEM((_NB, _C * _RD), jnp.float32),
            pltpu.VMEM((16,), jnp.int32),
            pltpu.VMEM((16,), jnp.int32),
            [pltpu.SemaphoreType.DMA] * _NB,
            [pltpu.SemaphoreType.DMA] * _NB,
        ],
    )
    out_v = sc_v(values.reshape(_N), new_values.reshape(-1),
                 lengths, new_lengths)

    kv_spec = pl.BlockSpec((1, _BLK, H, D), lambda b, j, *_: (b, j, 0, 0))
    new_spec = pl.BlockSpec((1, _Q, H, D), lambda b, j, *_: (b, 0, 0, 0))

    out_k, out_len = pl.pallas_call(
        _tc_k_body,
        grid_spec=pltpu.PrefetchScalarGridSpec(
            num_scalar_prefetch=2,
            grid=(B, L // _BLK),
            in_specs=[kv_spec, new_spec],
            out_specs=[
                kv_spec,
                pl.BlockSpec(memory_space=pltpu.SMEM),
            ],
        ),
        out_shape=[
            jax.ShapeDtypeStruct((B, L, H, D), keys.dtype),
            jax.ShapeDtypeStruct((B,), jnp.int32),
        ],
        compiler_params=pltpu.CompilerParams(
            dimension_semantics=("arbitrary", "arbitrary"),
        ),
    )(lengths, new_lengths, keys, new_keys)

    return (out_k, out_v.reshape(B, L, H, D), out_len)

# --- scband reference (transcript-rebuilt; emitter-appended) ---
"""Pipeline reference for scband-kv-cache-16621523436389 (READ-ONLY COPY).

The authoritative reference and input builder live on the scoring server;
editing this copy changes nothing except your own understanding.
"""

import jax, jax.numpy as jnp
import numpy as np


def setup_inputs(seed: int = 0) -> dict:
    key = jax.random.key(seed)
    ks = jax.random.split(key, 6)
    B, L, H, D = 8, 4096, 8, 128
    Q = 8
    keys = jax.random.normal(ks[0], (B, L, H, D), dtype=jnp.float32)
    values = jax.random.normal(ks[1], (B, L, H, D), dtype=jnp.float32)
    lengths = jax.random.randint(ks[2], (B,), 0, 4088, dtype=jnp.int32)
    new_keys = jax.random.normal(ks[3], (B, Q, H, D), dtype=jnp.float32)
    new_values = jax.random.normal(ks[4], (B, Q, H, D), dtype=jnp.float32)
    new_lengths = jax.random.randint(ks[5], (B,), 0, 9, dtype=jnp.int32)
    return {
        "keys": keys,
        "values": values,
        "lengths": lengths,
        "new_keys": new_keys,
        "new_values": new_values,
        "new_lengths": new_lengths,
    }


def reference(keys, values, lengths, new_keys, new_values, new_lengths):
    max_new_tokens = new_values.shape[1]
    max_len = keys.shape[1]
    operands = (keys, values, lengths, new_keys, new_values, new_lengths)

    def specialized_path(ops):
        k, v, l, nk, nv, nl = ops
        batch_size = k.shape[0]
        batch_idx = jnp.arange(batch_size)
        pos_idx = l
        update_vals_k = nk[:, 0]
        update_vals_v = nv[:, 0]
        should_update = (nl == 1)[:, None, None]
        original_vals_k = k[batch_idx, pos_idx]
        original_vals_v = v[batch_idx, pos_idx]
        vals_to_set_k = jnp.where(should_update, update_vals_k, original_vals_k)
        vals_to_set_v = jnp.where(should_update, update_vals_v, original_vals_v)
        updated_k = k.at[batch_idx, pos_idx].set(vals_to_set_k)
        updated_v = v.at[batch_idx, pos_idx].set(vals_to_set_v)
        return (updated_k, updated_v)

    def general_path(ops):
        k, v, l, nk, nv, nl = ops
        batch_size = k.shape[0]
        b_coords, p_coords = jnp.indices((batch_size, max_len))
        lengths_b = l[:, None]
        new_lengths_b = nl[:, None]
        update_mask = (p_coords >= lengths_b) & (p_coords < lengths_b + new_lengths_b)
        source_indices = p_coords - lengths_b
        clipped_source_indices = jnp.clip(source_indices, 0, max_new_tokens - 1)
        values_to_write_k = nk[b_coords, clipped_source_indices]
        values_to_write_v = nv[b_coords, clipped_source_indices]
        broadcast_mask = update_mask[:, :, None, None]
        updated_k = jnp.where(broadcast_mask, values_to_write_k, k)
        updated_v = jnp.where(broadcast_mask, values_to_write_v, v)
        return (updated_k, updated_v)

    is_special_case = jnp.all(new_lengths <= 1)
    updated_keys, updated_values = jax.lax.cond(
        is_special_case, specialized_path, general_path, operands
    )
    updated_lengths = lengths + new_lengths
    return (updated_keys, updated_values, updated_lengths)

if __name__ == "__main__":
    import jax
    _d = setup_inputs()
    print(jax.jit(kernel)(*tuple(_d.values())))

</pallas_src>

<mosaic_0001>
#map = affine_map<(d0, d1) -> (0)>
module attributes {stable_mosaic.version = 14 : i64} {
  func.func @_sc_v_body(%arg0: i32, %arg1: i32, %arg2: memref<33554432xf32, #tpu.memory_space<hbm>>, %arg3: memref<65536xf32, #tpu.memory_space<hbm>>, %arg4: memref<8xi32, #tpu.memory_space<hbm>>, %arg5: memref<8xi32, #tpu.memory_space<hbm>>, %arg6: memref<33554432xf32, #tpu.memory_space<hbm>>, %arg7: memref<4x16384xf32, #tpu.memory_space<vmem>>, %arg8: memref<16xi32, #tpu.memory_space<vmem>>, %arg9: memref<16xi32, #tpu.memory_space<vmem>>, %arg10: memref<!tpu.dma_semaphore, #tpu.memory_space<semaphore_mem>>, %arg11: memref<!tpu.dma_semaphore, #tpu.memory_space<semaphore_mem>>, %arg12: memref<!tpu.dma_semaphore, #tpu.memory_space<semaphore_mem>>, %arg13: memref<!tpu.dma_semaphore, #tpu.memory_space<semaphore_mem>>, %arg14: memref<!tpu.dma_semaphore, #tpu.memory_space<semaphore_mem>>, %arg15: memref<!tpu.dma_semaphore, #tpu.memory_space<semaphore_mem>>, %arg16: memref<!tpu.dma_semaphore, #tpu.memory_space<semaphore_mem>>, %arg17: memref<!tpu.dma_semaphore, #tpu.memory_space<semaphore_mem>>) attributes {dimension_semantics = [#tpu.dimension_semantics<core_parallel>, #tpu.dimension_semantics<subcore_parallel>], iteration_bounds = array<i64: 2, 16>, scalar_prefetch = 0 : i64, scratch_operands = 11 : i64, tpu.core_type = #tpu.core_type<sc_vector_subcore>, window_params = [{transform_indices = #map}, {transform_indices = #map}, {transform_indices = #map}, {transform_indices = #map}, {transform_indices = #map}]} {
    %mul3A = arith.constant 2 : i32
    %mul3A_0 = arith.muli %arg1, %mul3A : i32
    %add3A = arith.addi %mul3A_0, %arg0 : i32
    %mul3A_1 = arith.constant 1024 : i32
    %mul3A_2 = arith.muli %add3A, %mul3A_1 : i32
    %mul3A_3 = arith.constant 1024 : i32
    %mul3A_4 = arith.muli %mul3A_2, %mul3A_3 : i32
    %mul3A_5 = arith.constant 1024 : i32
    %mul3A_6 = arith.muli %add3A, %mul3A_5 : i32
    %add3A_7 = arith.constant 0 : i32
    %add3A_8 = arith.addi %mul3A_4, %add3A_7 : i32
    %dma_start3A = arith.constant 0 : i32
    %dma_start3A_9 = arith.constant 0 : i32
    %dma_start3A_10 = tpu.memref_slice %arg7[%dma_start3A, %dma_start3A_9] : memref<4x16384xf32, #tpu.memory_space<vmem>> -> memref<1x16384xf32, #tpu.memory_space<vmem>>
    %dma_start3A_11 = tpu.memref_squeeze %dma_start3A_10 : memref<1x16384xf32, #tpu.memory_space<vmem>> -> memref<16384xf32, #tpu.memory_space<vmem>>
    %dma_start3A_12 = tpu.memref_slice %arg2[%add3A_8] : memref<33554432xf32, #tpu.memory_space<hbm>> -> memref<16384xf32, #tpu.memory_space<hbm>>
    %dma_start3A_13 = arith.constant 0 : i32
    %dma_start3A_14 = tpu.memref_slice %arg7[%dma_start3A, %dma_start3A_13] : memref<4x16384xf32, #tpu.memory_space<vmem>> -> memref<1x16384xf32, #tpu.memory_space<vmem>>
    %dma_start3A_15 = tpu.memref_squeeze %dma_start3A_14 : memref<1x16384xf32, #tpu.memory_space<vmem>> -> memref<16384xf32, #tpu.memory_space<vmem>>
    %dma_start3A_16 = tpu.memref_slice %arg2[%add3A_8] : memref<33554432xf32, #tpu.memory_space<hbm>> -> memref<16384xf32, #tpu.memory_space<hbm>>
    tpu.enqueue_dma source(%dma_start3A_16 : memref<16384xf32, #tpu.memory_space<hbm>>) target(%dma_start3A_15 : memref<16384xf32, #tpu.memory_space<vmem>>) target_semaphore(%arg10 : memref<!tpu.dma_semaphore, #tpu.memory_space<semaphore_mem>>)
    %add3A_17 = arith.constant 16384 : i32
    %add3A_18 = arith.addi %mul3A_4, %add3A_17 : i32
    %dma_start3A_19 = arith.constant 1 : i32
    %dma_start3A_20 = arith.constant 0 : i32
    %dma_start3A_21 = tpu.memref_slice %arg7[%dma_start3A_19, %dma_start3A_20] : memref<4x16384xf32, #tpu.memory_space<vmem>> -> memref<1x16384xf32, #tpu.memory_space<vmem>>
    %dma_start3A_22 = tpu.memref_squeeze %dma_start3A_21 : memref<1x16384xf32, #tpu.memory_space<vmem>> -> memref<16384xf32, #tpu.memory_space<vmem>>
    %dma_start3A_23 = tpu.memref_slice %arg2[%add3A_18] : memref<33554432xf32, #tpu.memory_space<hbm>> -> memref<16384xf32, #tpu.memory_space<hbm>>
    %dma_start3A_24 = arith.constant 0 : i32
    %dma_start3A_25 = tpu.memref_slice %arg7[%dma_start3A_19, %dma_start3A_24] : memref<4x16384xf32, #tpu.memory_space<vmem>> -> memref<1x16384xf32, #tpu.memory_space<vmem>>
    %dma_start3A_26 = tpu.memref_squeeze %dma_start3A_25 : memref<1x16384xf32, #tpu.memory_space<vmem>> -> memref<16384xf32, #tpu.memory_space<vmem>>
    %dma_start3A_27 = tpu.memref_slice %arg2[%add3A_18] : memref<33554432xf32, #tpu.memory_space<hbm>> -> memref<16384xf32, #tpu.memory_space<hbm>>
    tpu.enqueue_dma source(%dma_start3A_27 : memref<16384xf32, #tpu.memory_space<hbm>>) target(%dma_start3A_26 : memref<16384xf32, #tpu.memory_space<vmem>>) target_semaphore(%arg11 : memref<!tpu.dma_semaphore, #tpu.memory_space<semaphore_mem>>)
    "tpu.region"() ({
      %run_scoped3A = tpu.sem_alloc : memref<!tpu.dma_semaphore, #tpu.memory_space<semaphore_mem>>
      %dma_start3A_1064 = arith.constant 0 : i32
      %dma_start3A_1065 = tpu.memref_slice %arg8[%dma_start3A_1064] : memref<16xi32, #tpu.memory_space<vmem>> -> memref<8xi32, #tpu.memory_space<vmem>>
      %dma_start3A_1066 = arith.constant 0 : i32
      %dma_start3A_1067 = tpu.memref_slice %arg8[%dma_start3A_1066] : memref<16xi32, #tpu.memory_space<vmem>> -> memref<8xi32, #tpu.memory_space<vmem>>
      tpu.enqueue_dma source(%arg4 : memref<8xi32, #tpu.memory_space<hbm>>) target(%dma_start3A_1067 : memref<8xi32, #tpu.memory_space<vmem>>) target_semaphore(%run_scoped3A : memref<!tpu.dma_semaphore, #tpu.memory_space<semaphore_mem>>)
      %dma_wait3A_1068 = arith.constant 0 : i32
      %dma_wait3A_1069 = tpu.memref_slice %arg8[%dma_wait3A_1068] : memref<16xi32, #tpu.memory_space<vmem>> -> memref<8xi32, #tpu.memory_space<vmem>>
      %dma_wait3A_1070 = arith.constant 0 : i32
      %dma_wait3A_1071 = tpu.memref_slice %arg8[%dma_wait3A_1070] : memref<16xi32, #tpu.memory_space<vmem>> -> memref<8xi32, #tpu.memory_space<vmem>>
      tpu.wait_dma2 semaphore(%run_scoped3A : memref<!tpu.dma_semaphore, #tpu.memory_space<semaphore_mem>>) src(%arg4 : memref<8xi32, #tpu.memory_space<hbm>>) dst(%dma_wait3A_1071 : memref<8xi32, #tpu.memory_space<vmem>>)
      tpu.yield
    }) : () -> ()
    "tpu.region"() ({
      %run_scoped3A = tpu.sem_alloc : memref<!tpu.dma_semaphore, #tpu.memory_space<semaphore_mem>>
      %dma_start3A_1064 = arith.constant 0 : i32
      %dma_start3A_1065 = tpu.memref_slice %arg9[%dma_start3A_1064] : memref<16xi32, #tpu.memory_space<vmem>> -> memref<8xi32, #tpu.memory_space<vmem>>
      %dma_start3A_1066 = arith.constant 0 : i32
      %dma_start3A_1067 = tpu.memref_slice %arg9[%dma_start3A_1066] : memref<16xi32, #tpu.memory_space<vmem>> -> memref<8xi32, #tpu.memory_space<vmem>>
      tpu.enqueue_dma source(%arg5 : memref<8xi32, #tpu.memory_space<hbm>>) target(%dma_start3A_1067 : memref<8xi32, #tpu.memory_space<vmem>>) target_semaphore(%run_scoped3A : memref<!tpu.dma_semaphore, #tpu.memory_space<semaphore_mem>>)
      %dma_wait3A_1068 = arith.constant 0 : i32
      %dma_wait3A_1069 = tpu.memref_slice %arg9[%dma_wait3A_1068] : memref<16xi32, #tpu.memory_space<vmem>> -> memref<8xi32, #tpu.memory_space<vmem>>
      %dma_wait3A_1070 = arith.constant 0 : i32
      %dma_wait3A_1071 = tpu.memref_slice %arg9[%dma_wait3A_1070] : memref<16xi32, #tpu.memory_space<vmem>> -> memref<8xi32, #tpu.memory_space<vmem>>
      tpu.wait_dma2 semaphore(%run_scoped3A : memref<!tpu.dma_semaphore, #tpu.memory_space<semaphore_mem>>) src(%arg5 : memref<8xi32, #tpu.memory_space<hbm>>) dst(%dma_wait3A_1071 : memref<8xi32, #tpu.memory_space<vmem>>)
      tpu.yield
    }) : () -> ()
    %scan3A = arith.constant 0 : i32
    %scan3A_28 = arith.constant 16 : i32
    %scan3A_29 = arith.addi %scan3A, %scan3A_28 : i32
    %scan3A_30 = arith.constant 1 : i32
    scf.for %scan3A_1064 = %scan3A to %scan3A_29 step %scan3A_30  : i32 {
      %mul3A_1065 = arith.constant 4 : i32
      %mul3A_1066 = arith.muli %mul3A_1065, %scan3A_1064 : i32
      %add3A_1067 = arith.constant 0 : i32
      %add3A_1068 = arith.addi %mul3A_1066, %add3A_1067 : i32
      %mul3A_1069 = arith.constant 16 : i32
      %mul3A_1070 = arith.muli %add3A_1068, %mul3A_1069 : i32
      %mul3A_1071 = arith.constant 1024 : i32
      %mul3A_1072 = arith.muli %mul3A_1070, %mul3A_1071 : i32
      %add3A_1073 = arith.addi %mul3A_4, %mul3A_1072 : i32
      %dma_wait3A_1074 = arith.constant 0 : i32
      %dma_wait3A_1075 = arith.constant 0 : i32
      %dma_wait3A_1076 = tpu.memref_slice %arg7[%dma_wait3A_1074, %dma_wait3A_1075] : memref<4x16384xf32, #tpu.memory_space<vmem>> -> memref<1x16384xf32, #tpu.memory_space<vmem>>
      %dma_wait3A_1077 = tpu.memref_squeeze %dma_wait3A_1076 : memref<1x16384xf32, #tpu.memory_space<vmem>> -> memref<16384xf32, #tpu.memory_space<vmem>>
      %dma_wait3A_1078 = tpu.memref_slice %arg2[%add3A_1073] : memref<33554432xf32, #tpu.memory_space<hbm>> -> memref<16384xf32, #tpu.memory_space<hbm>>
      %dma_wait3A_1079 = arith.constant 0 : i32
      %dma_wait3A_1080 = tpu.memref_slice %arg7[%dma_wait3A_1074, %dma_wait3A_1079] : memref<4x16384xf32, #tpu.memory_space<vmem>> -> memref<1x16384xf32, #tpu.memory_space<vmem>>
      %dma_wait3A_1081 = tpu.memref_squeeze %dma_wait3A_1080 : memref<1x16384xf32, #tpu.memory_space<vmem>> -> memref<16384xf32, #tpu.memory_space<vmem>>
      %dma_wait3A_1082 = tpu.memref_slice %arg2[%add3A_1073] : memref<33554432xf32, #tpu.memory_space<hbm>> -> memref<16384xf32, #tpu.memory_space<hbm>>
      tpu.wait_dma2 semaphore(%arg10 : memref<!tpu.dma_semaphore, #tpu.memory_space<semaphore_mem>>) src(%dma_wait3A_1082 : memref<16384xf32, #tpu.memory_space<hbm>>) dst(%dma_wait3A_1081 : memref<16384xf32, #tpu.memory_space<vmem>>)
      %mul3A_1083 = arith.constant 16 : i32
      %mul3A_1084 = arith.muli %add3A_1068, %mul3A_1083 : i32
      %mul3A_1085 = arith.constant 1024 : i32
      %mul3A_1086 = arith.muli %mul3A_1084, %mul3A_1085 : i32
      %add3A_1087 = arith.addi %mul3A_4, %mul3A_1086 : i32
      %dma_start3A_1088 = arith.constant 0 : i32
      %dma_start3A_1089 = arith.constant 0 : i32
      %dma_start3A_1090 = tpu.memref_slice %arg7[%dma_start3A_1088, %dma_start3A_1089] : memref<4x16384xf32, #tpu.memory_space<vmem>> -> memref<1x16384xf32, #tpu.memory_space<vmem>>
      %dma_start3A_1091 = tpu.memref_squeeze %dma_start3A_1090 : memref<1x16384xf32, #tpu.memory_space<vmem>> -> memref<16384xf32, #tpu.memory_space<vmem>>
      %dma_start3A_1092 = tpu.memref_slice %arg6[%add3A_1087] : memref<33554432xf32, #tpu.memory_space<hbm>> -> memref<16384xf32, #tpu.memory_space<hbm>>
      %dma_start3A_1093 = tpu.memref_slice %arg6[%add3A_1087] : memref<33554432xf32, #tpu.memory_space<hbm>> -> memref<16384xf32, #tpu.memory_space<hbm>>
      %dma_start3A_1094 = arith.constant 0 : i32
      %dma_start3A_1095 = tpu.memref_slice %arg7[%dma_start3A_1088, %dma_start3A_1094] : memref<4x16384xf32, #tpu.memory_space<vmem>> -> memref<1x16384xf32, #tpu.memory_space<vmem>>
      %dma_start3A_1096 = tpu.memref_squeeze %dma_start3A_1095 : memref<1x16384xf32, #tpu.memory_space<vmem>> -> memref<16384xf32, #tpu.memory_space<vmem>>
      tpu.enqueue_dma source(%dma_start3A_1096 : memref<16384xf32, #tpu.memory_space<vmem>>) target(%dma_start3A_1093 : memref<16384xf32, #tpu.memory_space<hbm>>) target_semaphore(%arg14 : memref<!tpu.dma_semaphore, #tpu.memory_space<semaphore_mem>>)
      %add3A_1097 = arith.constant 2 : i32
      %add3A_1098 = arith.addi %add3A_1068, %add3A_1097 : i32
      %lt3A_1099 = arith.constant 64 : i32
      %lt3A_1100 = arith.cmpi slt, %add3A_1098, %lt3A_1099 : i32
      %convert_element_type3A_1101 = arith.extui %lt3A_1100 : i1 to i32
      %cond3A_1102 = arith.constant 0 : i32
      %cond3A_1103 = arith.cmpi ne, %convert_element_type3A_1101, %cond3A_1102 : i32
      scf.if %cond3A_1103 {
        %ge3A_1221 = arith.constant 4 : i32
        %ge3A_1222 = arith.cmpi sge, %add3A_1098, %ge3A_1221 : i32
        %convert_element_type3A_1223 = arith.extui %ge3A_1222 : i1 to i32
        %cond3A_1224 = arith.constant 0 : i32
        %cond3A_1225 = arith.cmpi ne, %convert_element_type3A_1223, %cond3A_1224 : i32
        scf.if %cond3A_1225 {
          %sub3A = arith.constant 4 : i32
          %sub3A_1240 = arith.subi %add3A_1098, %sub3A : i32
          %mul3A_1241 = arith.constant 16 : i32
          %mul3A_1242 = arith.muli %sub3A_1240, %mul3A_1241 : i32
          %mul3A_1243 = arith.constant 1024 : i32
          %mul3A_1244 = arith.muli %mul3A_1242, %mul3A_1243 : i32
          %add3A_1245 = arith.addi %mul3A_4, %mul3A_1244 : i32
          %dma_wait3A_1246 = arith.constant 2 : i32
          %dma_wait3A_1247 = arith.constant 0 : i32
          %dma_wait3A_1248 = tpu.memref_slice %arg7[%dma_wait3A_1246, %dma_wait3A_1247] : memref<4x16384xf32, #tpu.memory_space<vmem>> -> memref<1x16384xf32, #tpu.memory_space<vmem>>
          %dma_wait3A_1249 = tpu.memref_squeeze %dma_wait3A_1248 : memref<1x16384xf32, #tpu.memory_space<vmem>> -> memref<16384xf32, #tpu.memory_space<vmem>>
          %dma_wait3A_1250 = tpu.memref_slice %arg6[%add3A_1245] : memref<33554432xf32, #tpu.memory_space<hbm>> -> memref<16384xf32, #tpu.memory_space<hbm>>
          %dma_wait3A_1251 = tpu.memref_slice %arg6[%add3A_1245] : memref<33554432xf32, #tpu.memory_space<hbm>> -> memref<16384xf32, #tpu.memory_space<hbm>>
          %dma_wait3A_1252 = arith.constant 0 : i32
          %dma_wait3A_1253 = tpu.memref_slice %arg7[%dma_wait3A_1246, %dma_wait3A_1252] : memref<4x16384xf32, #tpu.memory_space<vmem>> -> memref<1x16384xf32, #tpu.memory_space<vmem>>
          %dma_wait3A_1254 = tpu.memref_squeeze %dma_wait3A_1253 : memref<1x16384xf32, #tpu.memory_space<vmem>> -> memref<16384xf32, #tpu.memory_space<vmem>>
          tpu.wait_dma2 semaphore(%arg16 : memref<!tpu.dma_semaphore, #tpu.memory_space<semaphore_mem>>) src(%dma_wait3A_1254 : memref<16384xf32, #tpu.memory_space<vmem>>) dst(%dma_wait3A_1251 : memref<16384xf32, #tpu.memory_space<hbm>>)
        } else {
        }
        %mul3A_1226 = arith.constant 16 : i32
        %mul3A_1227 = arith.muli %add3A_1098, %mul3A_1226 : i32
        %mul3A_1228 = arith.constant 1024 : i32
        %mul3A_1229 = arith.muli %mul3A_1227, %mul3A_1228 : i32
        %add3A_1230 = arith.addi %mul3A_4, %mul3A_1229 : i32
        %dma_start3A_1231 = arith.constant 2 : i32
        %dma_start3A_1232 = arith.constant 0 : i32
        %dma_start3A_1233 = tpu.memref_slice %arg7[%dma_start3A_1231, %dma_start3A_1232] : memref<4x16384xf32, #tpu.memory_space<vmem>> -> memref<1x16384xf32, #tpu.memory_space<vmem>>
        %dma_start3A_1234 = tpu.memref_squeeze %dma_start3A_1233 : memref<1x16384xf32, #tpu.memory_space<vmem>> -> memref<16384xf32, #tpu.memory_space<vmem>>
        %dma_start3A_1235 = tpu.memref_slice %arg2[%add3A_1230] : memref<33554432xf32, #tpu.memory_space<hbm>> -> memref<16384xf32, #tpu.memory_space<hbm>>
        %dma_start3A_1236 = arith.constant 0 : i32
        %dma_start3A_1237 = tpu.memref_slice %arg7[%dma_start3A_1231, %dma_start3A_1236] : memref<4x16384xf32, #tpu.memory_space<vmem>> -> memref<1x16384xf32, #tpu.memory_space<vmem>>
        %dma_start3A_1238 = tpu.memref_squeeze %dma_start3A_1237 : memref<1x16384xf32, #tpu.memory_space<vmem>> -> memref<16384xf32, #tpu.memory_space<vmem>>
        %dma_start3A_1239 = tpu.memref_slice %arg2[%add3A_1230] : memref<33554432xf32, #tpu.memory_space<hbm>> -> memref<16384xf32, #tpu.memory_space<hbm>>
        tpu.enqueue_dma source(%dma_start3A_1239 : memref<16384xf32, #tpu.memory_space<hbm>>) target(%dma_start3A_1238 : memref<16384xf32, #tpu.memory_space<vmem>>) target_semaphore(%arg12 : memref<!tpu.dma_semaphore, #tpu.memory_space<semaphore_mem>>)
      } else {
      }
      %mul3A_1104 = arith.constant 4 : i32
      %mul3A_1105 = arith.muli %mul3A_1104, %scan3A_1064 : i32
      %add3A_1106 = arith.constant 1 : i32
      %add3A_1107 = arith.addi %mul3A_1105, %add3A_1106 : i32
      %mul3A_1108 = arith.constant 16 : i32
      %mul3A_1109 = arith.muli %add3A_1107, %mul3A_1108 : i32
      %mul3A_1110 = arith.constant 1024 : i32
      %mul3A_1111 = arith.muli %mul3A_1109, %mul3A_1110 : i32
      %add3A_1112 = arith.addi %mul3A_4, %mul3A_1111 : i32
      %dma_wait3A_1113 = arith.constant 1 : i32
      %dma_wait3A_1114 = arith.constant 0 : i32
      %dma_wait3A_1115 = tpu.memref_slice %arg7[%dma_wait3A_1113, %dma_wait3A_1114] : memref<4x16384xf32, #tpu.memory_space<vmem>> -> memref<1x16384xf32, #tpu.memory_space<vmem>>
      %dma_wait3A_1116 = tpu.memref_squeeze %dma_wait3A_1115 : memref<1x16384xf32, #tpu.memory_space<vmem>> -> memref<16384xf32, #tpu.memory_space<vmem>>
      %dma_wait3A_1117 = tpu.memref_slice %arg2[%add3A_1112] : memref<33554432xf32, #tpu.memory_space<hbm>> -> memref<16384xf32, #tpu.memory_space<hbm>>
      %dma_wait3A_1118 = arith.constant 0 : i32
      %dma_wait3A_1119 = tpu.memref_slice %arg7[%dma_wait3A_1113, %dma_wait3A_1118] : memref<4x16384xf32, #tpu.memory_space<vmem>> -> memref<1x16384xf32, #tpu.memory_space<vmem>>
      %dma_wait3A_1120 = tpu.memref_squeeze %dma_wait3A_1119 : memref<1x16384xf32, #tpu.memory_space<vmem>> -> memref<16384xf32, #tpu.memory_space<vmem>>
      %dma_wait3A_1121 = tpu.memref_slice %arg2[%add3A_1112] : memref<33554432xf32, #tpu.memory_space<hbm>> -> memref<16384xf32, #tpu.memory_space<hbm>>
      tpu.wait_dma2 semaphore(%arg11 : memref<!tpu.dma_semaphore, #tpu.memory_space<semaphore_mem>>) src(%dma_wait3A_1121 : memref<16384xf32, #tpu.memory_space<hbm>>) dst(%dma_wait3A_1120 : memref<16384xf32, #tpu.memory_space<vmem>>)
      %mul3A_1122 = arith.constant 16 : i32
      %mul3A_1123 = arith.muli %add3A_1107, %mul3A_1122 : i32
      %mul3A_1124 = arith.constant 1024 : i32
      %mul3A_1125 = arith.muli %mul3A_1123, %mul3A_1124 : i32
      %add3A_1126 = arith.addi %mul3A_4, %mul3A_1125 : i32
      %dma_start3A_1127 = arith.constant 1 : i32
      %dma_start3A_1128 = arith.constant 0 : i32
      %dma_start3A_1129 = tpu.memref_slice %arg7[%dma_start3A_1127, %dma_start3A_1128] : memref<4x16384xf32, #tpu.memory_space<vmem>> -> memref<1x16384xf32, #tpu.memory_space<vmem>>
      %dma_start3A_1130 = tpu.memref_squeeze %dma_start3A_1129 : memref<1x16384xf32, #tpu.memory_space<vmem>> -> memref<16384xf32, #tpu.memory_space<vmem>>
      %dma_start3A_1131 = tpu.memref_slice %arg6[%add3A_1126] : memref<33554432xf32, #tpu.memory_space<hbm>> -> memref<16384xf32, #tpu.memory_space<hbm>>
      %dma_start3A_1132 = tpu.memref_slice %arg6[%add3A_1126] : memref<33554432xf32, #tpu.memory_space<hbm>> -> memref<16384xf32, #tpu.memory_space<hbm>>
      %dma_start3A_1133 = arith.constant 0 : i32
      %dma_start3A_1134 = tpu.memref_slice %arg7[%dma_start3A_1127, %dma_start3A_1133] : memref<4x16384xf32, #tpu.memory_space<vmem>> -> memref<1x16384xf32, #tpu.memory_space<vmem>>
      %dma_start3A_1135 = tpu.memref_squeeze %dma_start3A_1134 : memref<1x16384xf32, #tpu.memory_space<vmem>> -> memref<16384xf32, #tpu.memory_space<vmem>>
      tpu.enqueue_dma source(%dma_start3A_1135 : memref<16384xf32, #tpu.memory_space<vmem>>) target(%dma_start3A_1132 : memref<16384xf32, #tpu.memory_space<hbm>>) target_semaphore(%arg15 : memref<!tpu.dma_semaphore, #tpu.memory_space<semaphore_mem>>)
      %add3A_1136 = arith.constant 2 : i32
      %add3A_1137 = arith.addi %add3A_1107, %add3A_1136 : i32
      %lt3A_1138 = arith.constant 64 : i32
      %lt3A_1139 = arith.cmpi slt, %add3A_1137, %lt3A_1138 : i32
      %convert_element_type3A_1140 = arith.extui %lt3A_1139 : i1 to i32
      %cond3A_1141 = arith.constant 0 : i32
      %cond3A_1142 = arith.cmpi ne, %convert_element_type3A_1140, %cond3A_1141 : i32
      scf.if %cond3A_1142 {
        %ge3A_1221 = arith.constant 4 : i32
        %ge3A_1222 = arith.cmpi sge, %add3A_1137, %ge3A_1221 : i32
        %convert_element_type3A_1223 = arith.extui %ge3A_1222 : i1 to i32
        %cond3A_1224 = arith.constant 0 : i32
        %cond3A_1225 = arith.cmpi ne, %convert_element_type3A_1223, %cond3A_1224 : i32
        scf.if %cond3A_1225 {
          %sub3A = arith.constant 4 : i32
          %sub3A_1240 = arith.subi %add3A_1137, %sub3A : i32
          %mul3A_1241 = arith.constant 16 : i32
          %mul3A_1242 = arith.muli %sub3A_1240, %mul3A_1241 : i32
          %mul3A_1243 = arith.constant 1024 : i32
          %mul3A_1244 = arith.muli %mul3A_1242, %mul3A_1243 : i32
          %add3A_1245 = arith.addi %mul3A_4, %mul3A_1244 : i32
          %dma_wait3A_1246 = arith.constant 3 : i32
          %dma_wait3A_1247 = arith.constant 0 : i32
          %dma_wait3A_1248 = tpu.memref_slice %arg7[%dma_wait3A_1246, %dma_wait3A_1247] : memref<4x16384xf32, #tpu.memory_space<vmem>> -> memref<1x16384xf32, #tpu.memory_space<vmem>>
          %dma_wait3A_1249 = tpu.memref_squeeze %dma_wait3A_1248 : memref<1x16384xf32, #tpu.memory_space<vmem>> -> memref<16384xf32, #tpu.memory_space<vmem>>
          %dma_wait3A_1250 = tpu.memref_slice %arg6[%add3A_1245] : memref<33554432xf32, #tpu.memory_space<hbm>> -> memref<16384xf32, #tpu.memory_space<hbm>>
          %dma_wait3A_1251 = tpu.memref_slice %arg6[%add3A_1245] : memref<33554432xf32, #tpu.memory_space<hbm>> -> memref<16384xf32, #tpu.memory_space<hbm>>
          %dma_wait3A_1252 = arith.constant 0 : i32
          %dma_wait3A_1253 = tpu.memref_slice %arg7[%dma_wait3A_1246, %dma_wait3A_1252] : memref<4x16384xf32, #tpu.memory_space<vmem>> -> memref<1x16384xf32, #tpu.memory_space<vmem>>
          %dma_wait3A_1254 = tpu.memref_squeeze %dma_wait3A_1253 : memref<1x16384xf32, #tpu.memory_space<vmem>> -> memref<16384xf32, #tpu.memory_space<vmem>>
          tpu.wait_dma2 semaphore(%arg17 : memref<!tpu.dma_semaphore, #tpu.memory_space<semaphore_mem>>) src(%dma_wait3A_1254 : memref<16384xf32, #tpu.memory_space<vmem>>) dst(%dma_wait3A_1251 : memref<16384xf32, #tpu.memory_space<hbm>>)
        } else {
        }
        %mul3A_1226 = arith.constant 16 : i32
        %mul3A_1227 = arith.muli %add3A_1137, %mul3A_1226 : i32
        %mul3A_1228 = arith.constant 1024 : i32
        %mul3A_1229 = arith.muli %mul3A_1227, %mul3A_1228 : i32
        %add3A_1230 = arith.addi %mul3A_4, %mul3A_1229 : i32
        %dma_start3A_1231 = arith.constant 3 : i32
        %dma_start3A_1232 = arith.constant 0 : i32
        %dma_start3A_1233 = tpu.memref_slice %arg7[%dma_start3A_1231, %dma_start3A_1232] : memref<4x16384xf32, #tpu.memory_space<vmem>> -> memref<1x16384xf32, #tpu.memory_space<vmem>>
        %dma_start3A_1234 = tpu.memref_squeeze %dma_start3A_1233 : memref<1x16384xf32, #tpu.memory_space<vmem>> -> memref<16384xf32, #tpu.memory_space<vmem>>
        %dma_start3A_1235 = tpu.memref_slice %arg2[%add3A_1230] : memref<33554432xf32, #tpu.memory_space<hbm>> -> memref<16384xf32, #tpu.memory_space<hbm>>
        %dma_start3A_1236 = arith.constant 0 : i32
        %dma_start3A_1237 = tpu.memref_slice %arg7[%dma_start3A_1231, %dma_start3A_1236] : memref<4x16384xf32, #tpu.memory_space<vmem>> -> memref<1x16384xf32, #tpu.memory_space<vmem>>
        %dma_start3A_1238 = tpu.memref_squeeze %dma_start3A_1237 : memref<1x16384xf32, #tpu.memory_space<vmem>> -> memref<16384xf32, #tpu.memory_space<vmem>>
        %dma_start3A_1239 = tpu.memref_slice %arg2[%add3A_1230] : memref<33554432xf32, #tpu.memory_space<hbm>> -> memref<16384xf32, #tpu.memory_space<hbm>>
        tpu.enqueue_dma source(%dma_start3A_1239 : memref<16384xf32, #tpu.memory_space<hbm>>) target(%dma_start3A_1238 : memref<16384xf32, #tpu.memory_space<vmem>>) target_semaphore(%arg13 : memref<!tpu.dma_semaphore, #tpu.memory_space<semaphore_mem>>)
      } else {
      }
      %mul3A_1143 = arith.constant 4 : i32
      %mul3A_1144 = arith.muli %mul3A_1143, %scan3A_1064 : i32
      %add3A_1145 = arith.constant 2 : i32
      %add3A_1146 = arith.addi %mul3A_1144, %add3A_1145 : i32
      %mul3A_1147 = arith.constant 16 : i32
      %mul3A_1148 = arith.muli %add3A_1146, %mul3A_1147 : i32
      %mul3A_1149 = arith.constant 1024 : i32
      %mul3A_1150 = arith.muli %mul3A_1148, %mul3A_1149 : i32
      %add3A_1151 = arith.addi %mul3A_4, %mul3A_1150 : i32
      %dma_wait3A_1152 = arith.constant 2 : i32
      %dma_wait3A_1153 = arith.constant 0 : i32
      %dma_wait3A_1154 = tpu.memref_slice %arg7[%dma_wait3A_1152, %dma_wait3A_1153] : memref<4x16384xf32, #tpu.memory_space<vmem>> -> memref<1x16384xf32, #tpu.memory_space<vmem>>
      %dma_wait3A_1155 = tpu.memref_squeeze %dma_wait3A_1154 : memref<1x16384xf32, #tpu.memory_space<vmem>> -> memref<16384xf32, #tpu.memory_space<vmem>>
      %dma_wait3A_1156 = tpu.memref_slice %arg2[%add3A_1151] : memref<33554432xf32, #tpu.memory_space<hbm>> -> memref<16384xf32, #tpu.memory_space<hbm>>
      %dma_wait3A_1157 = arith.constant 0 : i32
      %dma_wait3A_1158 = tpu.memref_slice %arg7[%dma_wait3A_1152, %dma_wait3A_1157] : memref<4x16384xf32, #tpu.memory_space<vmem>> -> memref<1x16384xf32, #tpu.memory_space<vmem>>
      %dma_wait3A_1159 = tpu.memref_squeeze %dma_wait3A_1158 : memref<1x16384xf32, #tpu.memory_space<vmem>> -> memref<16384xf32, #tpu.memory_space<vmem>>
      %dma_wait3A_1160 = tpu.memref_slice %arg2[%add3A_1151] : memref<33554432xf32, #tpu.memory_space<hbm>> -> memref<16384xf32, #tpu.memory_space<hbm>>
      tpu.wait_dma2 semaphore(%arg12 : memref<!tpu.dma_semaphore, #tpu.memory_space<semaphore_mem>>) src(%dma_wait3A_1160 : memref<16384xf32, #tpu.memory_space<hbm>>) dst(%dma_wait3A_1159 : memref<16384xf32, #tpu.memory_space<vmem>>)
      %mul3A_1161 = arith.constant 16 : i32
      %mul3A_1162 = arith.muli %add3A_1146, %mul3A_1161 : i32
      %mul3A_1163 = arith.constant 1024 : i32
      %mul3A_1164 = arith.muli %mul3A_1162, %mul3A_1163 : i32
      %add3A_1165 = arith.addi %mul3A_4, %mul3A_1164 : i32
      %dma_start3A_1166 = arith.constant 2 : i32
      %dma_start3A_1167 = arith.constant 0 : i32
      %dma_start3A_1168 = tpu.memref_slice %arg7[%dma_start3A_1166, %dma_start3A_1167] : memref<4x16384xf32, #tpu.memory_space<vmem>> -> memref<1x16384xf32, #tpu.memory_space<vmem>>
      %dma_start3A_1169 = tpu.memref_squeeze %dma_start3A_1168 : memref<1x16384xf32, #tpu.memory_space<vmem>> -> memref<16384xf32, #tpu.memory_space<vmem>>
      %dma_start3A_1170 = tpu.memref_slice %arg6[%add3A_1165] : memref<33554432xf32, #tpu.memory_space<hbm>> -> memref<16384xf32, #tpu.memory_space<hbm>>
      %dma_start3A_1171 = tpu.memref_slice %arg6[%add3A_1165] : memref<33554432xf32, #tpu.memory_space<hbm>> -> memref<16384xf32, #tpu.memory_space<hbm>>
      %dma_start3A_1172 = arith.constant 0 : i32
      %dma_start3A_1173 = tpu.memref_slice %arg7[%dma_start3A_1166, %dma_start3A_1172] : memref<4x16384xf32, #tpu.memory_space<vmem>> -> memref<1x16384xf32, #tpu.memory_space<vmem>>
      %dma_start3A_1174 = tpu.memref_squeeze %dma_start3A_1173 : memref<1x16384xf32, #tpu.memory_space<vmem>> -> memref<16384xf32, #tpu.memory_space<vmem>>
      tpu.enqueue_dma source(%dma_start3A_1174 : memref<16384xf32, #tpu.memory_space<vmem>>) target(%dma_start3A_1171 : memref<16384xf32, #tpu.memory_space<hbm>>) target_semaphore(%arg16 : memref<!tpu.dma_semaphore, #tpu.memory_space<semaphore_mem>>)
      %add3A_1175 = arith.constant 2 : i32
      %add3A_1176 = arith.addi %add3A_1146, %add3A_1175 : i32
      %lt3A_1177 = arith.constant 64 : i32
      %lt3A_1178 = arith.cmpi slt, %add3A_1176, %lt3A_1177 : i32
      %convert_element_type3A_1179 = arith.extui %lt3A_1178 : i1 to i32
      %cond3A_1180 = arith.constant 0 : i32
      %cond3A_1181 = arith.cmpi ne, %convert_element_type3A_1179, %cond3A_1180 : i32
      scf.if %cond3A_1181 {
        %ge3A_1221 = arith.constant 4 : i32
        %ge3A_1222 = arith.cmpi sge, %add3A_1176, %ge3A_1221 : i32
        %convert_element_type3A_1223 = arith.extui %ge3A_1222 : i1 to i32
        %cond3A_1224 = arith.constant 0 : i32
        %cond3A_1225 = arith.cmpi ne, %convert_element_type3A_1223, %cond3A_1224 : i32
        scf.if %cond3A_1225 {
          %sub3A = arith.constant 4 : i32
          %sub3A_1240 = arith.subi %add3A_1176, %sub3A : i32
          %mul3A_1241 = arith.constant 16 : i32
          %mul3A_1242 = arith.muli %sub3A_1240, %mul3A_1241 : i32
          %mul3A_1243 = arith.constant 1024 : i32
          %mul3A_1244 = arith.muli %mul3A_1242, %mul3A_1243 : i32
          %add3A_1245 = arith.addi %mul3A_4, %mul3A_1244 : i32
          %dma_wait3A_1246 = arith.constant 0 : i32
          %dma_wait3A_1247 = arith.constant 0 : i32
          %dma_wait3A_1248 = tpu.memref_slice %arg7[%dma_wait3A_1246, %dma_wait3A_1247] : memref<4x16384xf32, #tpu.memory_space<vmem>> -> memref<1x16384xf32, #tpu.memory_space<vmem>>
          %dma_wait3A_1249 = tpu.memref_squeeze %dma_wait3A_1248 : memref<1x16384xf32, #tpu.memory_space<vmem>> -> memref<16384xf32, #tpu.memory_space<vmem>>
          %dma_wait3A_1250 = tpu.memref_slice %arg6[%add3A_1245] : memref<33554432xf32, #tpu.memory_space<hbm>> -> memref<16384xf32, #tpu.memory_space<hbm>>
          %dma_wait3A_1251 = tpu.memref_slice %arg6[%add3A_1245] : memref<33554432xf32, #tpu.memory_space<hbm>> -> memref<16384xf32, #tpu.memory_space<hbm>>
          %dma_wait3A_1252 = arith.constant 0 : i32
          %dma_wait3A_1253 = tpu.memref_slice %arg7[%dma_wait3A_1246, %dma_wait3A_1252] : memref<4x16384xf32, #tpu.memory_space<vmem>> -> memref<1x16384xf32, #tpu.memory_space<vmem>>
          %dma_wait3A_1254 = tpu.memref_squeeze %dma_wait3A_1253 : memref<1x16384xf32, #tpu.memory_space<vmem>> -> memref<16384xf32, #tpu.memory_space<vmem>>
          tpu.wait_dma2 semaphore(%arg14 : memref<!tpu.dma_semaphore, #tpu.memory_space<semaphore_mem>>) src(%dma_wait3A_1254 : memref<16384xf32, #tpu.memory_space<vmem>>) dst(%dma_wait3A_1251 : memref<16384xf32, #tpu.memory_space<hbm>>)
        } else {
        }
        %mul3A_1226 = arith.constant 16 : i32
        %mul3A_1227 = arith.muli %add3A_1176, %mul3A_1226 : i32
        %mul3A_1228 = arith.constant 1024 : i32
        %mul3A_1229 = arith.muli %mul3A_1227, %mul3A_1228 : i32
        %add3A_1230 = arith.addi %mul3A_4, %mul3A_1229 : i32
        %dma_start3A_1231 = arith.constant 0 : i32
        %dma_start3A_1232 = arith.constant 0 : i32
        %dma_start3A_1233 = tpu.memref_slice %arg7[%dma_start3A_1231, %dma_start3A_1232] : memref<4x16384xf32, #tpu.memory_space<vmem>> -> memref<1x16384xf32, #tpu.memory_space<vmem>>
        %dma_start3A_1234 = tpu.memref_squeeze %dma_start3A_1233 : memref<1x16384xf32, #tpu.memory_space<vmem>> -> memref<16384xf32, #tpu.memory_space<vmem>>
        %dma_start3A_1235 = tpu.memref_slice %arg2[%add3A_1230] : memref<33554432xf32, #tpu.memory_space<hbm>> -> memref<16384xf32, #tpu.memory_space<hbm>>
        %dma_start3A_1236 = arith.constant 0 : i32
        %dma_start3A_1237 = tpu.memref_slice %arg7[%dma_start3A_1231, %dma_start3A_1236] : memref<4x16384xf32, #tpu.memory_space<vmem>> -> memref<1x16384xf32, #tpu.memory_space<vmem>>
        %dma_start3A_1238 = tpu.memref_squeeze %dma_start3A_1237 : memref<1x16384xf32, #tpu.memory_space<vmem>> -> memref<16384xf32, #tpu.memory_space<vmem>>
        %dma_start3A_1239 = tpu.memref_slice %arg2[%add3A_1230] : memref<33554432xf32, #tpu.memory_space<hbm>> -> memref<16384xf32, #tpu.memory_space<hbm>>
        tpu.enqueue_dma source(%dma_start3A_1239 : memref<16384xf32, #tpu.memory_space<hbm>>) target(%dma_start3A_1238 : memref<16384xf32, #tpu.memory_space<vmem>>) target_semaphore(%arg10 : memref<!tpu.dma_semaphore, #tpu.memory_space<semaphore_mem>>)
      } else {
      }
      %mul3A_1182 = arith.constant 4 : i32
      %mul3A_1183 = arith.muli %mul3A_1182, %scan3A_1064 : i32
      %add3A_1184 = arith.constant 3 : i32
      %add3A_1185 = arith.addi %mul3A_1183, %add3A_1184 : i32
      %mul3A_1186 = arith.constant 16 : i32
      %mul3A_1187 = arith.muli %add3A_1185, %mul3A_1186 : i32
      %mul3A_1188 = arith.constant 1024 : i32
      %mul3A_1189 = arith.muli %mul3A_1187, %mul3A_1188 : i32
      %add3A_1190 = arith.addi %mul3A_4, %mul3A_1189 : i32
      %dma_wait3A_1191 = arith.constant 3 : i32
      %dma_wait3A_1192 = arith.constant 0 : i32
      %dma_wait3A_1193 = tpu.memref_slice %arg7[%dma_wait3A_1191, %dma_wait3A_1192] : memref<4x16384xf32, #tpu.memory_space<vmem>> -> memref<1x16384xf32, #tpu.memory_space<vmem>>
      %dma_wait3A_1194 = tpu.memref_squeeze %dma_wait3A_1193 : memref<1x16384xf32, #tpu.memory_space<vmem>> -> memref<16384xf32, #tpu.memory_space<vmem>>
      %dma_wait3A_1195 = tpu.memref_slice %arg2[%add3A_1190] : memref<33554432xf32, #tpu.memory_space<hbm>> -> memref<16384xf32, #tpu.memory_space<hbm>>
      %dma_wait3A_1196 = arith.constant 0 : i32
      %dma_wait3A_1197 = tpu.memref_slice %arg7[%dma_wait3A_1191, %dma_wait3A_1196] : memref<4x16384xf32, #tpu.memory_space<vmem>> -> memref<1x16384xf32, #tpu.memory_space<vmem>>
      %dma_wait3A_1198 = tpu.memref_squeeze %dma_wait3A_1197 : memref<1x16384xf32, #tpu.memory_space<vmem>> -> memref<16384xf32, #tpu.memory_space<vmem>>
      %dma_wait3A_1199 = tpu.memref_slice %arg2[%add3A_1190] : memref<33554432xf32, #tpu.memory_space<hbm>> -> memref<16384xf32, #tpu.memory_space<hbm>>
      tpu.wait_dma2 semaphore(%arg13 : memref<!tpu.dma_semaphore, #tpu.memory_space<semaphore_mem>>) src(%dma_wait3A_1199 : memref<16384xf32, #tpu.memory_space<hbm>>) dst(%dma_wait3A_1198 : memref<16384xf32, #tpu.memory_space<vmem>>)
      %mul3A_1200 = arith.constant 16 : i32
      %mul3A_1201 = arith.muli %add3A_1185, %mul3A_1200 : i32
      %mul3A_1202 = arith.constant 1024 : i32
      %mul3A_1203 = arith.muli %mul3A_1201, %mul3A_1202 : i32
      %add3A_1204 = arith.addi %mul3A_4, %mul3A_1203 : i32
      %dma_start3A_1205 = arith.constant 3 : i32
      %dma_start3A_1206 = arith.constant 0 : i32
      %dma_start3A_1207 = tpu.memref_slice %arg7[%dma_start3A_1205, %dma_start3A_1206] : memref<4x16384xf32, #tpu.memory_space<vmem>> -> memref<1x16384xf32, #tpu.memory_space<vmem>>
      %dma_start3A_1208 = tpu.memref_squeeze %dma_start3A_1207 : memref<1x16384xf32, #tpu.memory_space<vmem>> -> memref<16384xf32, #tpu.memory_space<vmem>>
      %dma_start3A_1209 = tpu.memref_slice %arg6[%add3A_1204] : memref<33554432xf32, #tpu.memory_space<hbm>> -> memref<16384xf32, #tpu.memory_space<hbm>>
      %dma_start3A_1210 = tpu.memref_slice %arg6[%add3A_1204] : memref<33554432xf32, #tpu.memory_space<hbm>> -> memref<16384xf32, #tpu.memory_space<hbm>>
      %dma_start3A_1211 = arith.constant 0 : i32
      %dma_start3A_1212 = tpu.memref_slice %arg7[%dma_start3A_1205, %dma_start3A_1211] : memref<4x16384xf32, #tpu.memory_space<vmem>> -> memref<1x16384xf32, #tpu.memory_space<vmem>>
      %dma_start3A_1213 = tpu.memref_squeeze %dma_start3A_1212 : memref<1x16384xf32, #tpu.memory_space<vmem>> -> memref<16384xf32, #tpu.memory_space<vmem>>
      tpu.enqueue_dma source(%dma_start3A_1213 : memref<16384xf32, #tpu.memory_space<vmem>>) target(%dma_start3A_1210 : memref<16384xf32, #tpu.memory_space<hbm>>) target_semaphore(%arg17 : memref<!tpu.dma_semaphore, #tpu.memory_space<semaphore_mem>>)
      %add3A_1214 = arith.constant 2 : i32
      %add3A_1215 = arith.addi %add3A_1185, %add3A_1214 : i32
      %lt3A_1216 = arith.constant 64 : i32
      %lt3A_1217 = arith.cmpi slt, %add3A_1215, %lt3A_1216 : i32
      %convert_element_type3A_1218 = arith.extui %lt3A_1217 : i1 to i32
      %cond3A_1219 = arith.constant 0 : i32
      %cond3A_1220 = arith.cmpi ne, %convert_element_type3A_1218, %cond3A_1219 : i32
      scf.if %cond3A_1220 {
        %ge3A_1221 = arith.constant 4 : i32
        %ge3A_1222 = arith.cmpi sge, %add3A_1215, %ge3A_1221 : i32
        %convert_element_type3A_1223 = arith.extui %ge3A_1222 : i1 to i32
        %cond3A_1224 = arith.constant 0 : i32
        %cond3A_1225 = arith.cmpi ne, %convert_element_type3A_1223, %cond3A_1224 : i32
        scf.if %cond3A_1225 {
          %sub3A = arith.constant 4 : i32
          %sub3A_1240 = arith.subi %add3A_1215, %sub3A : i32
          %mul3A_1241 = arith.constant 16 : i32
          %mul3A_1242 = arith.muli %sub3A_1240, %mul3A_1241 : i32
          %mul3A_1243 = arith.constant 1024 : i32
          %mul3A_1244 = arith.muli %mul3A_1242, %mul3A_1243 : i32
          %add3A_1245 = arith.addi %mul3A_4, %mul3A_1244 : i32
          %dma_wait3A_1246 = arith.constant 1 : i32
          %dma_wait3A_1247 = arith.constant 0 : i32
          %dma_wait3A_1248 = tpu.memref_slice %arg7[%dma_wait3A_1246, %dma_wait3A_1247] : memref<4x16384xf32, #tpu.memory_space<vmem>> -> memref<1x16384xf32, #tpu.memory_space<vmem>>
          %dma_wait3A_1249 = tpu.memref_squeeze %dma_wait3A_1248 : memref<1x16384xf32, #tpu.memory_space<vmem>> -> memref<16384xf32, #tpu.memory_space<vmem>>
          %dma_wait3A_1250 = tpu.memref_slice %arg6[%add3A_1245] : memref<33554432xf32, #tpu.memory_space<hbm>> -> memref<16384xf32, #tpu.memory_space<hbm>>
          %dma_wait3A_1251 = tpu.memref_slice %arg6[%add3A_1245] : memref<33554432xf32, #tpu.memory_space<hbm>> -> memref<16384xf32, #tpu.memory_space<hbm>>
          %dma_wait3A_1252 = arith.constant 0 : i32
          %dma_wait3A_1253 = tpu.memref_slice %arg7[%dma_wait3A_1246, %dma_wait3A_1252] : memref<4x16384xf32, #tpu.memory_space<vmem>> -> memref<1x16384xf32, #tpu.memory_space<vmem>>
          %dma_wait3A_1254 = tpu.memref_squeeze %dma_wait3A_1253 : memref<1x16384xf32, #tpu.memory_space<vmem>> -> memref<16384xf32, #tpu.memory_space<vmem>>
          tpu.wait_dma2 semaphore(%arg15 : memref<!tpu.dma_semaphore, #tpu.memory_space<semaphore_mem>>) src(%dma_wait3A_1254 : memref<16384xf32, #tpu.memory_space<vmem>>) dst(%dma_wait3A_1251 : memref<16384xf32, #tpu.memory_space<hbm>>)
        } else {
        }
        %mul3A_1226 = arith.constant 16 : i32
        %mul3A_1227 = arith.muli %add3A_1215, %mul3A_1226 : i32
        %mul3A_1228 = arith.constant 1024 : i32
        %mul3A_1229 = arith.muli %mul3A_1227, %mul3A_1228 : i32
        %add3A_1230 = arith.addi %mul3A_4, %mul3A_1229 : i32
        %dma_start3A_1231 = arith.constant 1 : i32
        %dma_start3A_1232 = arith.constant 0 : i32
        %dma_start3A_1233 = tpu.memref_slice %arg7[%dma_start3A_1231, %dma_start3A_1232] : memref<4x16384xf32, #tpu.memory_space<vmem>> -> memref<1x16384xf32, #tpu.memory_space<vmem>>
        %dma_start3A_1234 = tpu.memref_squeeze %dma_start3A_1233 : memref<1x16384xf32, #tpu.memory_space<vmem>> -> memref<16384xf32, #tpu.memory_space<vmem>>
        %dma_start3A_1235 = tpu.memref_slice %arg2[%add3A_1230] : memref<33554432xf32, #tpu.memory_space<hbm>> -> memref<16384xf32, #tpu.memory_space<hbm>>
        %dma_start3A_1236 = arith.constant 0 : i32
        %dma_start3A_1237 = tpu.memref_slice %arg7[%dma_start3A_1231, %dma_start3A_1236] : memref<4x16384xf32, #tpu.memory_space<vmem>> -> memref<1x16384xf32, #tpu.memory_space<vmem>>
        %dma_start3A_1238 = tpu.memref_squeeze %dma_start3A_1237 : memref<1x16384xf32, #tpu.memory_space<vmem>> -> memref<16384xf32, #tpu.memory_space<vmem>>
        %dma_start3A_1239 = tpu.memref_slice %arg2[%add3A_1230] : memref<33554432xf32, #tpu.memory_space<hbm>> -> memref<16384xf32, #tpu.memory_space<hbm>>
        tpu.enqueue_dma source(%dma_start3A_1239 : memref<16384xf32, #tpu.memory_space<hbm>>) target(%dma_start3A_1238 : memref<16384xf32, #tpu.memory_space<vmem>>) target_semaphore(%arg11 : memref<!tpu.dma_semaphore, #tpu.memory_space<semaphore_mem>>)
      } else {
      }
    }
    %scan3A_31 = arith.constant 16 : i32
    %add3A_32 = arith.constant 983040 : i32
    %add3A_33 = arith.addi %mul3A_4, %add3A_32 : i32
    %dma_wait3A = arith.constant 0 : i32
    %dma_wait3A_34 = arith.constant 0 : i32
    %dma_wait3A_35 = tpu.memref_slice %arg7[%dma_wait3A, %dma_wait3A_34] : memref<4x16384xf32, #tpu.memory_space<vmem>> -> memref<1x16384xf32, #tpu.memory_space<vmem>>
    %dma_wait3A_36 = tpu.memref_squeeze %dma_wait3A_35 : memref<1x16384xf32, #tpu.memory_space<vmem>> -> memref<16384xf32, #tpu.memory_space<vmem>>
    %dma_wait3A_37 = tpu.memref_slice %arg6[%add3A_33] : memref<33554432xf32, #tpu.memory_space<hbm>> -> memref<16384xf32, #tpu.memory_space<hbm>>
    %dma_wait3A_38 = tpu.memref_slice %arg6[%add3A_33] : memref<33554432xf32, #tpu.memory_space<hbm>> -> memref<16384xf32, #tpu.memory_space<hbm>>
    %dma_wait3A_39 = arith.constant 0 : i32
    %dma_wait3A_40 = tpu.memref_slice %arg7[%dma_wait3A, %dma_wait3A_39] : memref<4x16384xf32, #tpu.memory_space<vmem>> -> memref<1x16384xf32, #tpu.memory_space<vmem>>
    %dma_wait3A_41 = tpu.memref_squeeze %dma_wait3A_40 : memref<1x16384xf32, #tpu.memory_space<vmem>> -> memref<16384xf32, #tpu.memory_space<vmem>>
    tpu.wait_dma2 semaphore(%arg14 : memref<!tpu.dma_semaphore, #tpu.memory_space<semaphore_mem>>) src(%dma_wait3A_41 : memref<16384xf32, #tpu.memory_space<vmem>>) dst(%dma_wait3A_38 : memref<16384xf32, #tpu.memory_space<hbm>>)
    %add3A_42 = arith.constant 999424 : i32
    %add3A_43 = arith.addi %mul3A_4, %add3A_42 : i32
    %dma_wait3A_44 = arith.constant 1 : i32
    %dma_wait3A_45 = arith.constant 0 : i32
    %dma_wait3A_46 = tpu.memref_slice %arg7[%dma_wait3A_44, %dma_wait3A_45] : memref<4x16384xf32, #tpu.memory_space<vmem>> -> memref<1x16384xf32, #tpu.memory_space<vmem>>
    %dma_wait3A_47 = tpu.memref_squeeze %dma_wait3A_46 : memref<1x16384xf32, #tpu.memory_space<vmem>> -> memref<16384xf32, #tpu.memory_space<vmem>>
    %dma_wait3A_48 = tpu.memref_slice %arg6[%add3A_43] : memref<33554432xf32, #tpu.memory_space<hbm>> -> memref<16384xf32, #tpu.memory_space<hbm>>
    %dma_wait3A_49 = tpu.memref_slice %arg6[%add3A_43] : memref<33554432xf32, #tpu.memory_space<hbm>> -> memref<16384xf32, #tpu.memory_space<hbm>>
    %dma_wait3A_50 = arith.constant 0 : i32
    %dma_wait3A_51 = tpu.memref_slice %arg7[%dma_wait3A_44, %dma_wait3A_50] : memref<4x16384xf32, #tpu.memory_space<vmem>> -> memref<1x16384xf32, #tpu.memory_space<vmem>>
    %dma_wait3A_52 = tpu.memref_squeeze %dma_wait3A_51 : memref<1x16384xf32, #tpu.memory_space<vmem>> -> memref<16384xf32, #tpu.memory_space<vmem>>
    tpu.wait_dma2 semaphore(%arg15 : memref<!tpu.dma_semaphore, #tpu.memory_space<semaphore_mem>>) src(%dma_wait3A_52 : memref<16384xf32, #tpu.memory_space<vmem>>) dst(%dma_wait3A_49 : memref<16384xf32, #tpu.memory_space<hbm>>)
    %add3A_53 = arith.constant 1015808 : i32
    %add3A_54 = arith.addi %mul3A_4, %add3A_53 : i32
    %dma_wait3A_55 = arith.constant 2 : i32
    %dma_wait3A_56 = arith.constant 0 : i32
    %dma_wait3A_57 = tpu.memref_slice %arg7[%dma_wait3A_55, %dma_wait3A_56] : memref<4x16384xf32, #tpu.memory_space<vmem>> -> memref<1x16384xf32, #tpu.memory_space<vmem>>
    %dma_wait3A_58 = tpu.memref_squeeze %dma_wait3A_57 : memref<1x16384xf32, #tpu.memory_space<vmem>> -> memref<16384xf32, #tpu.memory_space<vmem>>
    %dma_wait3A_59 = tpu.memref_slice %arg6[%add3A_54] : memref<33554432xf32, #tpu.memory_space<hbm>> -> memref<16384xf32, #tpu.memory_space<hbm>>
    %dma_wait3A_60 = tpu.memref_slice %arg6[%add3A_54] : memref<33554432xf32, #tpu.memory_space<hbm>> -> memref<16384xf32, #tpu.memory_space<hbm>>
    %dma_wait3A_61 = arith.constant 0 : i32
    %dma_wait3A_62 = tpu.memref_slice %arg7[%dma_wait3A_55, %dma_wait3A_61] : memref<4x16384xf32, #tpu.memory_space<vmem>> -> memref<1x16384xf32, #tpu.memory_space<vmem>>
    %dma_wait3A_63 = tpu.memref_squeeze %dma_wait3A_62 : memref<1x16384xf32, #tpu.memory_space<vmem>> -> memref<16384xf32, #tpu.memory_space<vmem>>
    tpu.wait_dma2 semaphore(%arg16 : memref<!tpu.dma_semaphore, #tpu.memory_space<semaphore_mem>>) src(%dma_wait3A_63 : memref<16384xf32, #tpu.memory_space<vmem>>) dst(%dma_wait3A_60 : memref<16384xf32, #tpu.memory_space<hbm>>)
    %add3A_64 = arith.constant 1032192 : i32
    %add3A_65 = arith.addi %mul3A_4, %add3A_64 : i32
    %dma_wait3A_66 = arith.constant 3 : i32
    %dma_wait3A_67 = arith.constant 0 : i32
    %dma_wait3A_68 = tpu.memref_slice %arg7[%dma_wait3A_66, %dma_wait3A_67] : memref<4x16384xf32, #tpu.memory_space<vmem>> -> memref<1x16384xf32, #tpu.memory_space<vmem>>
    %dma_wait3A_69 = tpu.memref_squeeze %dma_wait3A_68 : memref<1x16384xf32, #tpu.memory_space<vmem>> -> memref<16384xf32, #tpu.memory_space<vmem>>
    %dma_wait3A_70 = tpu.memref_slice %arg6[%add3A_65] : memref<33554432xf32, #tpu.memory_space<hbm>> -> memref<16384xf32, #tpu.memory_space<hbm>>
    %dma_wait3A_71 = tpu.memref_slice %arg6[%add3A_65] : memref<33554432xf32, #tpu.memory_space<hbm>> -> memref<16384xf32, #tpu.memory_space<hbm>>
    %dma_wait3A_72 = arith.constant 0 : i32
    %dma_wait3A_73 = tpu.memref_slice %arg7[%dma_wait3A_66, %dma_wait3A_72] : memref<4x16384xf32, #tpu.memory_space<vmem>> -> memref<1x16384xf32, #tpu.memory_space<vmem>>
    %dma_wait3A_74 = tpu.memref_squeeze %dma_wait3A_73 : memref<1x16384xf32, #tpu.memory_space<vmem>> -> memref<16384xf32, #tpu.memory_space<vmem>>
    tpu.wait_dma2 semaphore(%arg17 : memref<!tpu.dma_semaphore, #tpu.memory_space<semaphore_mem>>) src(%dma_wait3A_74 : memref<16384xf32, #tpu.memory_space<vmem>>) dst(%dma_wait3A_71 : memref<16384xf32, #tpu.memory_space<hbm>>)
    %get3A = arith.constant 0 : index
    %get3A_75 = tpu.vector_load %arg8[%get3A] {strides = array<i32>} : memref<16xi32, #tpu.memory_space<vmem>>, vector<16xi32>,
    %get3A_76 = vector.shape_cast %get3A_75 : vector<16xi32> to vector<16xi32>
    %get3A_77 = arith.constant 0 : index
    %get3A_78 = tpu.vector_load %arg9[%get3A_77] {strides = array<i32>} : memref<16xi32, #tpu.memory_space<vmem>>, vector<16xi32>,
    %get3A_79 = vector.shape_cast %get3A_78 : vector<16xi32> to vector<16xi32>
    %slice3A = vector.extract_strided_slice %get3A_76 {offsets = [0], sizes = [1], strides = [1]} : vector<16xi32> to vector<1xi32>
    %squeeze3A = vector.extract %slice3A[0] : i32 from vector<1xi32>
    %slice3A_80 = vector.extract_strided_slice %get3A_79 {offsets = [0], sizes = [1], strides = [1]} : vector<16xi32> to vector<1xi32>
    %squeeze3A_81 = vector.extract %slice3A_80[0] : i32 from vector<1xi32>
    %add3A_82 = arith.constant 0 : i32
    %add3A_83 = arith.addi %add3A_82, %squeeze3A : i32
    %add3A_84 = arith.constant 0 : i32
    %add3A_85 = arith.addi %add3A_83, %add3A_84 : i32
    %gt3A = arith.constant 0 : i32
    %gt3A_86 = arith.cmpi sgt, %squeeze3A_81, %gt3A : i32
    %ge3A = arith.cmpi sge, %add3A_85, %mul3A_6 : i32
    %and3A = arith.andi %gt3A_86, %ge3A : i1
    %add3A_87 = arith.constant 1024 : i32
    %add3A_88 = arith.addi %mul3A_6, %add3A_87 : i32
    %lt3A = arith.cmpi slt, %add3A_85, %add3A_88 : i32
    %and3A_89 = arith.andi %and3A, %lt3A : i1
    %convert_element_type3A = arith.extui %and3A_89 : i1 to i32
    %cond3A = arith.constant 0 : i32
    %cond3A_90 = arith.cmpi ne, %convert_element_type3A, %cond3A : i32
    scf.if %cond3A_90 {
      %mul3A_1064 = arith.constant 1024 : i32
      %mul3A_1065 = arith.muli %add3A_85, %mul3A_1064 : i32
      "tpu.region"() ({
        %run_scoped3A = tpu.sem_alloc : memref<!tpu.dma_semaphore, #tpu.memory_space<semaphore_mem>>
        %dma_start3A_1066 = tpu.memref_slice %arg6[%mul3A_1065] : memref<33554432xf32, #tpu.memory_space<hbm>> -> memref<1024xf32, #tpu.memory_space<hbm>>
        %dma_start3A_1067 = arith.constant 0 : i32
        %dma_start3A_1068 = tpu.memref_slice %arg3[%dma_start3A_1067] : memref<65536xf32, #tpu.memory_space<hbm>> -> memref<1024xf32, #tpu.memory_space<hbm>>
        tpu.enqueue_dma source(%dma_start3A_1068 : memref<1024xf32, #tpu.memory_space<hbm>>) target(%dma_start3A_1066 : memref<1024xf32, #tpu.memory_space<hbm>>) target_semaphore(%run_scoped3A : memref<!tpu.dma_semaphore, #tpu.memory_space<semaphore_mem>>)
        %dma_wait3A_1069 = tpu.memref_slice %arg6[%mul3A_1065] : memref<33554432xf32, #tpu.memory_space<hbm>> -> memref<1024xf32, #tpu.memory_space<hbm>>
        %dma_wait3A_1070 = arith.constant 0 : i32
        %dma_wait3A_1071 = tpu.memref_slice %arg3[%dma_wait3A_1070] : memref<65536xf32, #tpu.memory_space<hbm>> -> memref<1024xf32, #tpu.memory_space<hbm>>
        tpu.wait_dma2 semaphore(%run_scoped3A : memref<!tpu.dma_semaphore, #tpu.memory_space<semaphore_mem>>) src(%dma_wait3A_1071 : memref<1024xf32, #tpu.memory_space<hbm>>) dst(%dma_wait3A_1069 : memref<1024xf32, #tpu.memory_space<hbm>>)
        tpu.yield
      }) : () -> ()
    } else {
    }
    %add3A_91 = arith.constant 0 : i32
    %add3A_92 = arith.addi %add3A_91, %squeeze3A : i32
    %add3A_93 = arith.constant 1 : i32
    %add3A_94 = arith.addi %add3A_92, %add3A_93 : i32
    %gt3A_95 = arith.constant 1 : i32
    %gt3A_96 = arith.cmpi sgt, %squeeze3A_81, %gt3A_95 : i32
    %ge3A_97 = arith.cmpi sge, %add3A_94, %mul3A_6 : i32
    %and3A_98 = arith.andi %gt3A_96, %ge3A_97 : i1
    %add3A_99 = arith.constant 1024 : i32
    %add3A_100 = arith.addi %mul3A_6, %add3A_99 : i32
    %lt3A_101 = arith.cmpi slt, %add3A_94, %add3A_100 : i32
    %and3A_102 = arith.andi %and3A_98, %lt3A_101 : i1
    %convert_element_type3A_103 = arith.extui %and3A_102 : i1 to i32
    %cond3A_104 = arith.constant 0 : i32
    %cond3A_105 = arith.cmpi ne, %convert_element_type3A_103, %cond3A_104 : i32
    scf.if %cond3A_105 {
      %mul3A_1064 = arith.constant 1024 : i32
      %mul3A_1065 = arith.muli %add3A_94, %mul3A_1064 : i32
      "tpu.region"() ({
        %run_scoped3A = tpu.sem_alloc : memref<!tpu.dma_semaphore, #tpu.memory_space<semaphore_mem>>
        %dma_start3A_1066 = tpu.memref_slice %arg6[%mul3A_1065] : memref<33554432xf32, #tpu.memory_space<hbm>> -> memref<1024xf32, #tpu.memory_space<hbm>>
        %dma_start3A_1067 = arith.constant 1024 : i32
        %dma_start3A_1068 = tpu.memref_slice %arg3[%dma_start3A_1067] : memref<65536xf32, #tpu.memory_space<hbm>> -> memref<1024xf32, #tpu.memory_space<hbm>>
        tpu.enqueue_dma source(%dma_start3A_1068 : memref<1024xf32, #tpu.memory_space<hbm>>) target(%dma_start3A_1066 : memref<1024xf32, #tpu.memory_space<hbm>>) target_semaphore(%run_scoped3A : memref<!tpu.dma_semaphore, #tpu.memory_space<semaphore_mem>>)
        %dma_wait3A_1069 = tpu.memref_slice %arg6[%mul3A_1065] : memref<33554432xf32, #tpu.memory_space<hbm>> -> memref<1024xf32, #tpu.memory_space<hbm>>
        %dma_wait3A_1070 = arith.constant 1024 : i32
        %dma_wait3A_1071 = tpu.memref_slice %arg3[%dma_wait3A_1070] : memref<65536xf32, #tpu.memory_space<hbm>> -> memref<1024xf32, #tpu.memory_space<hbm>>
        tpu.wait_dma2 semaphore(%run_scoped3A : memref<!tpu.dma_semaphore, #tpu.memory_space<semaphore_mem>>) src(%dma_wait3A_1071 : memref<1024xf32, #tpu.memory_space<hbm>>) dst(%dma_wait3A_1069 : memref<1024xf32, #tpu.memory_space<hbm>>)
        tpu.yield
      }) : () -> ()
    } else {
    }
    %add3A_106 = arith.constant 0 : i32
    %add3A_107 = arith.addi %add3A_106, %squeeze3A : i32
    %add3A_108 = arith.constant 2 : i32
    %add3A_109 = arith.addi %add3A_107, %add3A_108 : i32
    %gt3A_110 = arith.constant 2 : i32
    %gt3A_111 = arith.cmpi sgt, %squeeze3A_81, %gt3A_110 : i32
    %ge3A_112 = arith.cmpi sge, %add3A_109, %mul3A_6 : i32
    %and3A_113 = arith.andi %gt3A_111, %ge3A_112 : i1
    %add3A_114 = arith.constant 1024 : i32
    %add3A_115 = arith.addi %mul3A_6, %add3A_114 : i32
    %lt3A_116 = arith.cmpi slt, %add3A_109, %add3A_115 : i32
    %and3A_117 = arith.andi %and3A_113, %lt3A_116 : i1
    %convert_element_type3A_118 = arith.extui %and3A_117 : i1 to i32
    %cond3A_119 = arith.constant 0 : i32
    %cond3A_120 = arith.cmpi ne, %convert_element_type3A_118, %cond3A_119 : i32
    scf.if %cond3A_120 {
      %mul3A_1064 = arith.constant 1024 : i32
      %mul3A_1065 = arith.muli %add3A_109, %mul3A_1064 : i32
      "tpu.region"() ({
        %run_scoped3A = tpu.sem_alloc : memref<!tpu.dma_semaphore, #tpu.memory_space<semaphore_mem>>
        %dma_start3A_1066 = tpu.memref_slice %arg6[%mul3A_1065] : memref<33554432xf32, #tpu.memory_space<hbm>> -> memref<1024xf32, #tpu.memory_space<hbm>>
        %dma_start3A_1067 = arith.constant 2048 : i32
        %dma_start3A_1068 = tpu.memref_slice %arg3[%dma_start3A_1067] : memref<65536xf32, #tpu.memory_space<hbm>> -> memref<1024xf32, #tpu.memory_space<hbm>>
        tpu.enqueue_dma source(%dma_start3A_1068 : memref<1024xf32, #tpu.memory_space<hbm>>) target(%dma_start3A_1066 : memref<1024xf32, #tpu.memory_space<hbm>>) target_semaphore(%run_scoped3A : memref<!tpu.dma_semaphore, #tpu.memory_space<semaphore_mem>>)
        %dma_wait3A_1069 = tpu.memref_slice %arg6[%mul3A_1065] : memref<33554432xf32, #tpu.memory_space<hbm>> -> memref<1024xf32, #tpu.memory_space<hbm>>
        %dma_wait3A_1070 = arith.constant 2048 : i32
        %dma_wait3A_1071 = tpu.memref_slice %arg3[%dma_wait3A_1070] : memref<65536xf32, #tpu.memory_space<hbm>> -> memref<1024xf32, #tpu.memory_space<hbm>>
        tpu.wait_dma2 semaphore(%run_scoped3A : memref<!tpu.dma_semaphore, #tpu.memory_space<semaphore_mem>>) src(%dma_wait3A_1071 : memref<1024xf32, #tpu.memory_space<hbm>>) dst(%dma_wait3A_1069 : memref<1024xf32, #tpu.memory_space<hbm>>)
        tpu.yield
      }) : () -> ()
    } else {
    }
    %add3A_121 = arith.constant 0 : i32
    %add3A_122 = arith.addi %add3A_121, %squeeze3A : i32
    %add3A_123 = arith.constant 3 : i32
    %add3A_124 = arith.addi %add3A_122, %add3A_123 : i32
    %gt3A_125 = arith.constant 3 : i32
    %gt3A_126 = arith.cmpi sgt, %squeeze3A_81, %gt3A_125 : i32
    %ge3A_127 = arith.cmpi sge, %add3A_124, %mul3A_6 : i32
    %and3A_128 = arith.andi %gt3A_126, %ge3A_127 : i1
    %add3A_129 = arith.constant 1024 : i32
    %add3A_130 = arith.addi %mul3A_6, %add3A_129 : i32
    %lt3A_131 = arith.cmpi slt, %add3A_124, %add3A_130 : i32
    %and3A_132 = arith.andi %and3A_128, %lt3A_131 : i1
    %convert_element_type3A_133 = arith.extui %and3A_132 : i1 to i32
    %cond3A_134 = arith.constant 0 : i32
    %cond3A_135 = arith.cmpi ne, %convert_element_type3A_133, %cond3A_134 : i32
    scf.if %cond3A_135 {
      %mul3A_1064 = arith.constant 1024 : i32
      %mul3A_1065 = arith.muli %add3A_124, %mul3A_1064 : i32
      "tpu.region"() ({
        %run_scoped3A = tpu.sem_alloc : memref<!tpu.dma_semaphore, #tpu.memory_space<semaphore_mem>>
        %dma_start3A_1066 = tpu.memref_slice %arg6[%mul3A_1065] : memref<33554432xf32, #tpu.memory_space<hbm>> -> memref<1024xf32, #tpu.memory_space<hbm>>
        %dma_start3A_1067 = arith.constant 3072 : i32
        %dma_start3A_1068 = tpu.memref_slice %arg3[%dma_start3A_1067] : memref<65536xf32, #tpu.memory_space<hbm>> -> memref<1024xf32, #tpu.memory_space<hbm>>
        tpu.enqueue_dma source(%dma_start3A_1068 : memref<1024xf32, #tpu.memory_space<hbm>>) target(%dma_start3A_1066 : memref<1024xf32, #tpu.memory_space<hbm>>) target_semaphore(%run_scoped3A : memref<!tpu.dma_semaphore, #tpu.memory_space<semaphore_mem>>)
        %dma_wait3A_1069 = tpu.memref_slice %arg6[%mul3A_1065] : memref<33554432xf32, #tpu.memory_space<hbm>> -> memref<1024xf32, #tpu.memory_space<hbm>>
        %dma_wait3A_1070 = arith.constant 3072 : i32
        %dma_wait3A_1071 = tpu.memref_slice %arg3[%dma_wait3A_1070] : memref<65536xf32, #tpu.memory_space<hbm>> -> memref<1024xf32, #tpu.memory_space<hbm>>
        tpu.wait_dma2 semaphore(%run_scoped3A : memref<!tpu.dma_semaphore, #tpu.memory_space<semaphore_mem>>) src(%dma_wait3A_1071 : memref<1024xf32, #tpu.memory_space<hbm>>) dst(%dma_wait3A_1069 : memref<1024xf32, #tpu.memory_space<hbm>>)
        tpu.yield
      }) : () -> ()
    } else {
    }
    %add3A_136 = arith.constant 0 : i32
    %add3A_137 = arith.addi %add3A_136, %squeeze3A : i32
    %add3A_138 = arith.constant 4 : i32
    %add3A_139 = arith.addi %add3A_137, %add3A_138 : i32
    %gt3A_140 = arith.constant 4 : i32
    %gt3A_141 = arith.cmpi sgt, %squeeze3A_81, %gt3A_140 : i32
    %ge3A_142 = arith.cmpi sge, %add3A_139, %mul3A_6 : i32
    %and3A_143 = arith.andi %gt3A_141, %ge3A_142 : i1
    %add3A_144 = arith.constant 1024 : i32
    %add3A_145 = arith.addi %mul3A_6, %add3A_144 : i32
    %lt3A_146 = arith.cmpi slt, %add3A_139, %add3A_145 : i32
    %and3A_147 = arith.andi %and3A_143, %lt3A_146 : i1
    %convert_element_type3A_148 = arith.extui %and3A_147 : i1 to i32
    %cond3A_149 = arith.constant 0 : i32
    %cond3A_150 = arith.cmpi ne, %convert_element_type3A_148, %cond3A_149 : i32
    scf.if %cond3A_150 {
      %mul3A_1064 = arith.constant 1024 : i32
      %mul3A_1065 = arith.muli %add3A_139, %mul3A_1064 : i32
      "tpu.region"() ({
        %run_scoped3A = tpu.sem_alloc : memref<!tpu.dma_semaphore, #tpu.memory_space<semaphore_mem>>
        %dma_start3A_1066 = tpu.memref_slice %arg6[%mul3A_1065] : memref<33554432xf32, #tpu.memory_space<hbm>> -> memref<1024xf32, #tpu.memory_space<hbm>>
        %dma_start3A_1067 = arith.constant 4096 : i32
        %dma_start3A_1068 = tpu.memref_slice %arg3[%dma_start3A_1067] : memref<65536xf32, #tpu.memory_space<hbm>> -> memref<1024xf32, #tpu.memory_space<hbm>>
        tpu.enqueue_dma source(%dma_start3A_1068 : memref<1024xf32, #tpu.memory_space<hbm>>) target(%dma_start3A_1066 : memref<1024xf32, #tpu.memory_space<hbm>>) target_semaphore(%run_scoped3A : memref<!tpu.dma_semaphore, #tpu.memory_space<semaphore_mem>>)
        %dma_wait3A_1069 = tpu.memref_slice %arg6[%mul3A_1065] : memref<33554432xf32, #tpu.memory_space<hbm>> -> memref<1024xf32, #tpu.memory_space<hbm>>
        %dma_wait3A_1070 = arith.constant 4096 : i32
        %dma_wait3A_1071 = tpu.memref_slice %arg3[%dma_wait3A_1070] : memref<65536xf32, #tpu.memory_space<hbm>> -> memref<1024xf32, #tpu.memory_space<hbm>>
        tpu.wait_dma2 semaphore(%run_scoped3A : memref<!tpu.dma_semaphore, #tpu.memory_space<semaphore_mem>>) src(%dma_wait3A_1071 : memref<1024xf32, #tpu.memory_space<hbm>>) dst(%dma_wait3A_1069 : memref<1024xf32, #tpu.memory_space<hbm>>)
        tpu.yield
      }) : () -> ()
    } else {
    }
    %add3A_151 = arith.constant 0 : i32
    %add3A_152 = arith.addi %add3A_151, %squeeze3A : i32
    %add3A_153 = arith.constant 5 : i32
    %add3A_154 = arith.addi %add3A_152, %add3A_153 : i32
    %gt3A_155 = arith.constant 5 : i32
    %gt3A_156 = arith.cmpi sgt, %squeeze3A_81, %gt3A_155 : i32
    %ge3A_157 = arith.cmpi sge, %add3A_154, %mul3A_6 : i32
    %and3A_158 = arith.andi %gt3A_156, %ge3A_157 : i1
    %add3A_159 = arith.constant 1024 : i32
    %add3A_160 = arith.addi %mul3A_6, %add3A_159 : i32
    %lt3A_161 = arith.cmpi slt, %add3A_154, %add3A_160 : i32
    %and3A_162 = arith.andi %and3A_158, %lt3A_161 : i1
    %convert_element_type3A_163 = arith.extui %and3A_162 : i1 to i32
    %cond3A_164 = arith.constant 0 : i32
    %cond3A_165 = arith.cmpi ne, %convert_element_type3A_163, %cond3A_164 : i32
    scf.if %cond3A_165 {
      %mul3A_1064 = arith.constant 1024 : i32
      %mul3A_1065 = arith.muli %add3A_154, %mul3A_1064 : i32
      "tpu.region"() ({
        %run_scoped3A = tpu.sem_alloc : memref<!tpu.dma_semaphore, #tpu.memory_space<semaphore_mem>>
        %dma_start3A_1066 = tpu.memref_slice %arg6[%mul3A_1065] : memref<33554432xf32, #tpu.memory_space<hbm>> -> memref<1024xf32, #tpu.memory_space<hbm>>
        %dma_start3A_1067 = arith.constant 5120 : i32
        %dma_start3A_1068 = tpu.memref_slice %arg3[%dma_start3A_1067] : memref<65536xf32, #tpu.memory_space<hbm>> -> memref<1024xf32, #tpu.memory_space<hbm>>
        tpu.enqueue_dma source(%dma_start3A_1068 : memref<1024xf32, #tpu.memory_space<hbm>>) target(%dma_start3A_1066 : memref<1024xf32, #tpu.memory_space<hbm>>) target_semaphore(%run_scoped3A : memref<!tpu.dma_semaphore, #tpu.memory_space<semaphore_mem>>)
        %dma_wait3A_1069 = tpu.memref_slice %arg6[%mul3A_1065] : memref<33554432xf32, #tpu.memory_space<hbm>> -> memref<1024xf32, #tpu.memory_space<hbm>>
        %dma_wait3A_1070 = arith.constant 5120 : i32
        %dma_wait3A_1071 = tpu.memref_slice %arg3[%dma_wait3A_1070] : memref<65536xf32, #tpu.memory_space<hbm>> -> memref<1024xf32, #tpu.memory_space<hbm>>
        tpu.wait_dma2 semaphore(%run_scoped3A : memref<!tpu.dma_semaphore, #tpu.memory_space<semaphore_mem>>) src(%dma_wait3A_1071 : memref<1024xf32, #tpu.memory_space<hbm>>) dst(%dma_wait3A_1069 : memref<1024xf32, #tpu.memory_space<hbm>>)
        tpu.yield
      }) : () -> ()
    } else {
    }
    %add3A_166 = arith.constant 0 : i32
    %add3A_167 = arith.addi %add3A_166, %squeeze3A : i32
    %add3A_168 = arith.constant 6 : i32
    %add3A_169 = arith.addi %add3A_167, %add3A_168 : i32
    %gt3A_170 = arith.constant 6 : i32
    %gt3A_171 = arith.cmpi sgt, %squeeze3A_81, %gt3A_170 : i32
    %ge3A_172 = arith.cmpi sge, %add3A_169, %mul3A_6 : i32
    %and3A_173 = arith.andi %gt3A_171, %ge3A_172 : i1
    %add3A_174 = arith.constant 1024 : i32
    %add3A_175 = arith.addi %mul3A_6, %add3A_174 : i32
    %lt3A_176 = arith.cmpi slt, %add3A_169, %add3A_175 : i32
    %and3A_177 = arith.andi %and3A_173, %lt3A_176 : i1
    %convert_element_type3A_178 = arith.extui %and3A_177 : i1 to i32
    %cond3A_179 = arith.constant 0 : i32
    %cond3A_180 = arith.cmpi ne, %convert_element_type3A_178, %cond3A_179 : i32
    scf.if %cond3A_180 {
      %mul3A_1064 = arith.constant 1024 : i32
      %mul3A_1065 = arith.muli %add3A_169, %mul3A_1064 : i32
      "tpu.region"() ({
        %run_scoped3A = tpu.sem_alloc : memref<!tpu.dma_semaphore, #tpu.memory_space<semaphore_mem>>
        %dma_start3A_1066 = tpu.memref_slice %arg6[%mul3A_1065] : memref<33554432xf32, #tpu.memory_space<hbm>> -> memref<1024xf32, #tpu.memory_space<hbm>>
        %dma_start3A_1067 = arith.constant 6144 : i32
        %dma_start3A_1068 = tpu.memref_slice %arg3[%dma_start3A_1067] : memref<65536xf32, #tpu.memory_space<hbm>> -> memref<1024xf32, #tpu.memory_space<hbm>>
        tpu.enqueue_dma source(%dma_start3A_1068 : memref<1024xf32, #tpu.memory_space<hbm>>) target(%dma_start3A_1066 : memref<1024xf32, #tpu.memory_space<hbm>>) target_semaphore(%run_scoped3A : memref<!tpu.dma_semaphore, #tpu.memory_space<semaphore_mem>>)
        %dma_wait3A_1069 = tpu.memref_slice %arg6[%mul3A_1065] : memref<33554432xf32, #tpu.memory_space<hbm>> -> memref<1024xf32, #tpu.memory_space<hbm>>
        %dma_wait3A_1070 = arith.constant 6144 : i32
        %dma_wait3A_1071 = tpu.memref_slice %arg3[%dma_wait3A_1070] : memref<65536xf32, #tpu.memory_space<hbm>> -> memref<1024xf32, #tpu.memory_space<hbm>>
        tpu.wait_dma2 semaphore(%run_scoped3A : memref<!tpu.dma_semaphore, #tpu.memory_space<semaphore_mem>>) src(%dma_wait3A_1071 : memref<1024xf32, #tpu.memory_space<hbm>>) dst(%dma_wait3A_1069 : memref<1024xf32, #tpu.memory_space<hbm>>)
        tpu.yield
      }) : () -> ()
    } else {
    }
    %add3A_181 = arith.constant 0 : i32
    %add3A_182 = arith.addi %add3A_181, %squeeze3A : i32
    %add3A_183 = arith.constant 7 : i32
    %add3A_184 = arith.addi %add3A_182, %add3A_183 : i32
    %gt3A_185 = arith.constant 7 : i32
    %gt3A_186 = arith.cmpi sgt, %squeeze3A_81, %gt3A_185 : i32
    %ge3A_187 = arith.cmpi sge, %add3A_184, %mul3A_6 : i32
    %and3A_188 = arith.andi %gt3A_186, %ge3A_187 : i1
    %add3A_189 = arith.constant 1024 : i32
    %add3A_190 = arith.addi %mul3A_6, %add3A_189 : i32
    %lt3A_191 = arith.cmpi slt, %add3A_184, %add3A_190 : i32
    %and3A_192 = arith.andi %and3A_188, %lt3A_191 : i1
    %convert_element_type3A_193 = arith.extui %and3A_192 : i1 to i32
    %cond3A_194 = arith.constant 0 : i32
    %cond3A_195 = arith.cmpi ne, %convert_element_type3A_193, %cond3A_194 : i32
    scf.if %cond3A_195 {
      %mul3A_1064 = arith.constant 1024 : i32
      %mul3A_1065 = arith.muli %add3A_184, %mul3A_1064 : i32
      "tpu.region"() ({
        %run_scoped3A = tpu.sem_alloc : memref<!tpu.dma_semaphore, #tpu.memory_space<semaphore_mem>>
        %dma_start3A_1066 = tpu.memref_slice %arg6[%mul3A_1065] : memref<33554432xf32, #tpu.memory_space<hbm>> -> memref<1024xf32, #tpu.memory_space<hbm>>
        %dma_start3A_1067 = arith.constant 7168 : i32
        %dma_start3A_1068 = tpu.memref_slice %arg3[%dma_start3A_1067] : memref<65536xf32, #tpu.memory_space<hbm>> -> memref<1024xf32, #tpu.memory_space<hbm>>
        tpu.enqueue_dma source(%dma_start3A_1068 : memref<1024xf32, #tpu.memory_space<hbm>>) target(%dma_start3A_1066 : memref<1024xf32, #tpu.memory_space<hbm>>) target_semaphore(%run_scoped3A : memref<!tpu.dma_semaphore, #tpu.memory_space<semaphore_mem>>)
        %dma_wait3A_1069 = tpu.memref_slice %arg6[%mul3A_1065] : memref<33554432xf32, #tpu.memory_space<hbm>> -> memref<1024xf32, #tpu.memory_space<hbm>>
        %dma_wait3A_1070 = arith.constant 7168 : i32
        %dma_wait3A_1071 = tpu.memref_slice %arg3[%dma_wait3A_1070] : memref<65536xf32, #tpu.memory_space<hbm>> -> memref<1024xf32, #tpu.memory_space<hbm>>
        tpu.wait_dma2 semaphore(%run_scoped3A : memref<!tpu.dma_semaphore, #tpu.memory_space<semaphore_mem>>) src(%dma_wait3A_1071 : memref<1024xf32, #tpu.memory_space<hbm>>) dst(%dma_wait3A_1069 : memref<1024xf32, #tpu.memory_space<hbm>>)
        tpu.yield
      }) : () -> ()
    } else {
    }
    %slice3A_196 = vector.extract_strided_slice %get3A_76 {offsets = [1], sizes = [1], strides = [1]} : vector<16xi32> to vector<1xi32>
    %squeeze3A_197 = vector.extract %slice3A_196[0] : i32 from vector<1xi32>
    %slice3A_198 = vector.extract_strided_slice %get3A_79 {offsets = [1], sizes = [1], strides = [1]} : vector<16xi32> to vector<1xi32>
    %squeeze3A_199 = vector.extract %slice3A_198[0] : i32 from vector<1xi32>
    %add3A_200 = arith.constant 4096 : i32
    %add3A_201 = arith.addi %add3A_200, %squeeze3A_197 : i32
    %add3A_202 = arith.constant 0 : i32
    %add3A_203 = arith.addi %add3A_201, %add3A_202 : i32
    %gt3A_204 = arith.constant 0 : i32
    %gt3A_205 = arith.cmpi sgt, %squeeze3A_199, %gt3A_204 : i32
    %ge3A_206 = arith.cmpi sge, %add3A_203, %mul3A_6 : i32
    %and3A_207 = arith.andi %gt3A_205, %ge3A_206 : i1
    %add3A_208 = arith.constant 1024 : i32
    %add3A_209 = arith.addi %mul3A_6, %add3A_208 : i32
    %lt3A_210 = arith.cmpi slt, %add3A_203, %add3A_209 : i32
    %and3A_211 = arith.andi %and3A_207, %lt3A_210 : i1
    %convert_element_type3A_212 = arith.extui %and3A_211 : i1 to i32
    %cond3A_213 = arith.constant 0 : i32
    %cond3A_214 = arith.cmpi ne, %convert_element_type3A_212, %cond3A_213 : i32
    scf.if %cond3A_214 {
      %mul3A_1064 = arith.constant 1024 : i32
      %mul3A_1065 = arith.muli %add3A_203, %mul3A_1064 : i32
      "tpu.region"() ({
        %run_scoped3A = tpu.sem_alloc : memref<!tpu.dma_semaphore, #tpu.memory_space<semaphore_mem>>
        %dma_start3A_1066 = tpu.memref_slice %arg6[%mul3A_1065] : memref<33554432xf32, #tpu.memory_space<hbm>> -> memref<1024xf32, #tpu.memory_space<hbm>>
        %dma_start3A_1067 = arith.constant 8192 : i32
        %dma_start3A_1068 = tpu.memref_slice %arg3[%dma_start3A_1067] : memref<65536xf32, #tpu.memory_space<hbm>> -> memref<1024xf32, #tpu.memory_space<hbm>>
        tpu.enqueue_dma source(%dma_start3A_1068 : memref<1024xf32, #tpu.memory_space<hbm>>) target(%dma_start3A_1066 : memref<1024xf32, #tpu.memory_space<hbm>>) target_semaphore(%run_scoped3A : memref<!tpu.dma_semaphore, #tpu.memory_space<semaphore_mem>>)
        %dma_wait3A_1069 = tpu.memref_slice %arg6[%mul3A_1065] : memref<33554432xf32, #tpu.memory_space<hbm>> -> memref<1024xf32, #tpu.memory_space<hbm>>
        %dma_wait3A_1070 = arith.constant 8192 : i32
        %dma_wait3A_1071 = tpu.memref_slice %arg3[%dma_wait3A_1070] : memref<65536xf32, #tpu.memory_space<hbm>> -> memref<1024xf32, #tpu.memory_space<hbm>>
        tpu.wait_dma2 semaphore(%run_scoped3A : memref<!tpu.dma_semaphore, #tpu.memory_space<semaphore_mem>>) src(%dma_wait3A_1071 : memref<1024xf32, #tpu.memory_space<hbm>>) dst(%dma_wait3A_1069 : memref<1024xf32, #tpu.memory_space<hbm>>)
        tpu.yield
      }) : () -> ()
    } else {
    }
    %add3A_215 = arith.constant 4096 : i32
    %add3A_216 = arith.addi %add3A_215, %squeeze3A_197 : i32
    %add3A_217 = arith.constant 1 : i32
    %add3A_218 = arith.addi %add3A_216, %add3A_217 : i32
    %gt3A_219 = arith.constant 1 : i32
    %gt3A_220 = arith.cmpi sgt, %squeeze3A_199, %gt3A_219 : i32
    %ge3A_221 = arith.cmpi sge, %add3A_218, %mul3A_6 : i32
    %and3A_222 = arith.andi %gt3A_220, %ge3A_221 : i1
    %add3A_223 = arith.constant 1024 : i32
    %add3A_224 = arith.addi %mul3A_6, %add3A_223 : i32
    %lt3A_225 = arith.cmpi slt, %add3A_218, %add3A_224 : i32
    %and3A_226 = arith.andi %and3A_222, %lt3A_225 : i1
    %convert_element_type3A_227 = arith.extui %and3A_226 : i1 to i32
    %cond3A_228 = arith.constant 0 : i32
    %cond3A_229 = arith.cmpi ne, %convert_element_type3A_227, %cond3A_228 : i32
    scf.if %cond3A_229 {
      %mul3A_1064 = arith.constant 1024 : i32
      %mul3A_1065 = arith.muli %add3A_218, %mul3A_1064 : i32
      "tpu.region"() ({
        %run_scoped3A = tpu.sem_alloc : memref<!tpu.dma_semaphore, #tpu.memory_space<semaphore_mem>>
        %dma_start3A_1066 = tpu.memref_slice %arg6[%mul3A_1065] : memref<33554432xf32, #tpu.memory_space<hbm>> -> memref<1024xf32, #tpu.memory_space<hbm>>
        %dma_start3A_1067 = arith.constant 9216 : i32
        %dma_start3A_1068 = tpu.memref_slice %arg3[%dma_start3A_1067] : memref<65536xf32, #tpu.memory_space<hbm>> -> memref<1024xf32, #tpu.memory_space<hbm>>
        tpu.enqueue_dma source(%dma_start3A_1068 : memref<1024xf32, #tpu.memory_space<hbm>>) target(%dma_start3A_1066 : memref<1024xf32, #tpu.memory_space<hbm>>) target_semaphore(%run_scoped3A : memref<!tpu.dma_semaphore, #tpu.memory_space<semaphore_mem>>)
        %dma_wait3A_1069 = tpu.memref_slice %arg6[%mul3A_1065] : memref<33554432xf32, #tpu.memory_space<hbm>> -> memref<1024xf32, #tpu.memory_space<hbm>>
        %dma_wait3A_1070 = arith.constant 9216 : i32
        %dma_wait3A_1071 = tpu.memref_slice %arg3[%dma_wait3A_1070] : memref<65536xf32, #tpu.memory_space<hbm>> -> memref<1024xf32, #tpu.memory_space<hbm>>
        tpu.wait_dma2 semaphore(%run_scoped3A : memref<!tpu.dma_semaphore, #tpu.memory_space<semaphore_mem>>) src(%dma_wait3A_1071 : memref<1024xf32, #tpu.memory_space<hbm>>) dst(%dma_wait3A_1069 : memref<1024xf32, #tpu.memory_space<hbm>>)
        tpu.yield
      }) : () -> ()
    } else {
    }
    %add3A_230 = arith.constant 4096 : i32
    %add3A_231 = arith.addi %add3A_230, %squeeze3A_197 : i32
    %add3A_232 = arith.constant 2 : i32
    %add3A_233 = arith.addi %add3A_231, %add3A_232 : i32
    %gt3A_234 = arith.constant 2 : i32
    %gt3A_235 = arith.cmpi sgt, %squeeze3A_199, %gt3A_234 : i32
    %ge3A_236 = arith.cmpi sge, %add3A_233, %mul3A_6 : i32
    %and3A_237 = arith.andi %gt3A_235, %ge3A_236 : i1
    %add3A_238 = arith.constant 1024 : i32
    %add3A_239 = arith.addi %mul3A_6, %add3A_238 : i32
    %lt3A_240 = arith.cmpi slt, %add3A_233, %add3A_239 : i32
    %and3A_241 = arith.andi %and3A_237, %lt3A_240 : i1
    %convert_element_type3A_242 = arith.extui %and3A_241 : i1 to i32
    %cond3A_243 = arith.constant 0 : i32
    %cond3A_244 = arith.cmpi ne, %convert_element_type3A_242, %cond3A_243 : i32
    scf.if %cond3A_244 {
      %mul3A_1064 = arith.constant 1024 : i32
      %mul3A_1065 = arith.muli %add3A_233, %mul3A_1064 : i32
      "tpu.region"() ({
        %run_scoped3A = tpu.sem_alloc : memref<!tpu.dma_semaphore, #tpu.memory_space<semaphore_mem>>
        %dma_start3A_1066 = tpu.memref_slice %arg6[%mul3A_1065] : memref<33554432xf32, #tpu.memory_space<hbm>> -> memref<1024xf32, #tpu.memory_space<hbm>>
        %dma_start3A_1067 = arith.constant 10240 : i32
        %dma_start3A_1068 = tpu.memref_slice %arg3[%dma_start3A_1067] : memref<65536xf32, #tpu.memory_space<hbm>> -> memref<1024xf32, #tpu.memory_space<hbm>>
        tpu.enqueue_dma source(%dma_start3A_1068 : memref<1024xf32, #tpu.memory_space<hbm>>) target(%dma_start3A_1066 : memref<1024xf32, #tpu.memory_space<hbm>>) target_semaphore(%run_scoped3A : memref<!tpu.dma_semaphore, #tpu.memory_space<semaphore_mem>>)
        %dma_wait3A_1069 = tpu.memref_slice %arg6[%mul3A_1065] : memref<33554432xf32, #tpu.memory_space<hbm>> -> memref<1024xf32, #tpu.memory_space<hbm>>
        %dma_wait3A_1070 = arith.constant 10240 : i32
        %dma_wait3A_1071 = tpu.memref_slice %arg3[%dma_wait3A_1070] : memref<65536xf32, #tpu.memory_space<hbm>> -> memref<1024xf32, #tpu.memory_space<hbm>>
        tpu.wait_dma2 semaphore(%run_scoped3A : memref<!tpu.dma_semaphore, #tpu.memory_space<semaphore_mem>>) src(%dma_wait3A_1071 : memref<1024xf32, #tpu.memory_space<hbm>>) dst(%dma_wait3A_1069 : memref<1024xf32, #tpu.memory_space<hbm>>)
        tpu.yield
      }) : () -> ()
    } else {
    }
    %add3A_245 = arith.constant 4096 : i32
    %add3A_246 = arith.addi %add3A_245, %squeeze3A_197 : i32
    %add3A_247 = arith.constant 3 : i32
    %add3A_248 = arith.addi %add3A_246, %add3A_247 : i32
    %gt3A_249 = arith.constant 3 : i32
    %gt3A_250 = arith.cmpi sgt, %squeeze3A_199, %gt3A_249 : i32
    %ge3A_251 = arith.cmpi sge, %add3A_248, %mul3A_6 : i32
    %and3A_252 = arith.andi %gt3A_250, %ge3A_251 : i1
    %add3A_253 = arith.constant 1024 : i32
    %add3A_254 = arith.addi %mul3A_6, %add3A_253 : i32
    %lt3A_255 = arith.cmpi slt, %add3A_248, %add3A_254 : i32
    %and3A_256 = arith.andi %and3A_252, %lt3A_255 : i1
    %convert_element_type3A_257 = arith.extui %and3A_256 : i1 to i32
    %cond3A_258 = arith.constant 0 : i32
    %cond3A_259 = arith.cmpi ne, %convert_element_type3A_257, %cond3A_258 : i32
    scf.if %cond3A_259 {
      %mul3A_1064 = arith.constant 1024 : i32
      %mul3A_1065 = arith.muli %add3A_248, %mul3A_1064 : i32
      "tpu.region"() ({
        %run_scoped3A = tpu.sem_alloc : memref<!tpu.dma_semaphore, #tpu.memory_space<semaphore_mem>>
        %dma_start3A_1066 = tpu.memref_slice %arg6[%mul3A_1065] : memref<33554432xf32, #tpu.memory_space<hbm>> -> memref<1024xf32, #tpu.memory_space<hbm>>
        %dma_start3A_1067 = arith.constant 11264 : i32
        %dma_start3A_1068 = tpu.memref_slice %arg3[%dma_start3A_1067] : memref<65536xf32, #tpu.memory_space<hbm>> -> memref<1024xf32, #tpu.memory_space<hbm>>
        tpu.enqueue_dma source(%dma_start3A_1068 : memref<1024xf32, #tpu.memory_space<hbm>>) target(%dma_start3A_1066 : memref<1024xf32, #tpu.memory_space<hbm>>) target_semaphore(%run_scoped3A : memref<!tpu.dma_semaphore, #tpu.memory_space<semaphore_mem>>)
        %dma_wait3A_1069 = tpu.memref_slice %arg6[%mul3A_1065] : memref<33554432xf32, #tpu.memory_space<hbm>> -> memref<1024xf32, #tpu.memory_space<hbm>>
        %dma_wait3A_1070 = arith.constant 11264 : i32
        %dma_wait3A_1071 = tpu.memref_slice %arg3[%dma_wait3A_1070] : memref<65536xf32, #tpu.memory_space<hbm>> -> memref<1024xf32, #tpu.memory_space<hbm>>
        tpu.wait_dma2 semaphore(%run_scoped3A : memref<!tpu.dma_semaphore, #tpu.memory_space<semaphore_mem>>) src(%dma_wait3A_1071 : memref<1024xf32, #tpu.memory_space<hbm>>) dst(%dma_wait3A_1069 : memref<1024xf32, #tpu.memory_space<hbm>>)
        tpu.yield
      }) : () -> ()
    } else {
    }
    %add3A_260 = arith.constant 4096 : i32
    %add3A_261 = arith.addi %add3A_260, %squeeze3A_197 : i32
    %add3A_262 = arith.constant 4 : i32
    %add3A_263 = arith.addi %add3A_261, %add3A_262 : i32
    %gt3A_264 = arith.constant 4 : i32
    %gt3A_265 = arith.cmpi sgt, %squeeze3A_199, %gt3A_264 : i32
    %ge3A_266 = arith.cmpi sge, %add3A_263, %mul3A_6 : i32
    %and3A_267 = arith.andi %gt3A_265, %ge3A_266 : i1
    %add3A_268 = arith.constant 1024 : i32
    %add3A_269 = arith.addi %mul3A_6, %add3A_268 : i32
    %lt3A_270 = arith.cmpi slt, %add3A_263, %add3A_269 : i32
    %and3A_271 = arith.andi %and3A_267, %lt3A_270 : i1
    %convert_element_type3A_272 = arith.extui %and3A_271 : i1 to i32
    %cond3A_273 = arith.constant 0 : i32
    %cond3A_274 = arith.cmpi ne, %convert_element_type3A_272, %cond3A_273 : i32
    scf.if %cond3A_274 {
      %mul3A_1064 = arith.constant 1024 : i32
      %mul3A_1065 = arith.muli %add3A_263, %mul3A_1064 : i32
      "tpu.region"() ({
        %run_scoped3A = tpu.sem_alloc : memref<!tpu.dma_semaphore, #tpu.memory_space<semaphore_mem>>
        %dma_start3A_1066 = tpu.memref_slice %arg6[%mul3A_1065] : memref<33554432xf32, #tpu.memory_space<hbm>> -> memref<1024xf32, #tpu.memory_space<hbm>>
        %dma_start3A_1067 = arith.constant 12288 : i32
        %dma_start3A_1068 = tpu.memref_slice %arg3[%dma_start3A_1067] : memref<65536xf32, #tpu.memory_space<hbm>> -> memref<1024xf32, #tpu.memory_space<hbm>>
        tpu.enqueue_dma source(%dma_start3A_1068 : memref<1024xf32, #tpu.memory_space<hbm>>) target(%dma_start3A_1066 : memref<1024xf32, #tpu.memory_space<hbm>>) target_semaphore(%run_scoped3A : memref<!tpu.dma_semaphore, #tpu.memory_space<semaphore_mem>>)
        %dma_wait3A_1069 = tpu.memref_slice %arg6[%mul3A_1065] : memref<33554432xf32, #tpu.memory_space<hbm>> -> memref<1024xf32, #tpu.memory_space<hbm>>
        %dma_wait3A_1070 = arith.constant 12288 : i32
        %dma_wait3A_1071 = tpu.memref_slice %arg3[%dma_wait3A_1070] : memref<65536xf32, #tpu.memory_space<hbm>> -> memref<1024xf32, #tpu.memory_space<hbm>>
        tpu.wait_dma2 semaphore(%run_scoped3A : memref<!tpu.dma_semaphore, #tpu.memory_space<semaphore_mem>>) src(%dma_wait3A_1071 : memref<1024xf32, #tpu.memory_space<hbm>>) dst(%dma_wait3A_1069 : memref<1024xf32, #tpu.memory_space<hbm>>)
        tpu.yield
      }) : () -> ()
    } else {
    }
    %add3A_275 = arith.constant 4096 : i32
    %add3A_276 = arith.addi %add3A_275, %squeeze3A_197 : i32
    %add3A_277 = arith.constant 5 : i32
    %add3A_278 = arith.addi %add3A_276, %add3A_277 : i32
    %gt3A_279 = arith.constant 5 : i32
    %gt3A_280 = arith.cmpi sgt, %squeeze3A_199, %gt3A_279 : i32
    %ge3A_281 = arith.cmpi sge, %add3A_278, %mul3A_6 : i32
    %and3A_282 = arith.andi %gt3A_280, %ge3A_281 : i1
    %add3A_283 = arith.constant 1024 : i32
    %add3A_284 = arith.addi %mul3A_6, %add3A_283 : i32
    %lt3A_285 = arith.cmpi slt, %add3A_278, %add3A_284 : i32
    %and3A_286 = arith.andi %and3A_282, %lt3A_285 : i1
    %convert_element_type3A_287 = arith.extui %and3A_286 : i1 to i32
    %cond3A_288 = arith.constant 0 : i32
    %cond3A_289 = arith.cmpi ne, %convert_element_type3A_287, %cond3A_288 : i32
    scf.if %cond3A_289 {
      %mul3A_1064 = arith.constant 1024 : i32
      %mul3A_1065 = arith.muli %add3A_278, %mul3A_1064 : i32
      "tpu.region"() ({
        %run_scoped3A = tpu.sem_alloc : memref<!tpu.dma_semaphore, #tpu.memory_space<semaphore_mem>>
        %dma_start3A_1066 = tpu.memref_slice %arg6[%mul3A_1065] : memref<33554432xf32, #tpu.memory_space<hbm>> -> memref<1024xf32, #tpu.memory_space<hbm>>
        %dma_start3A_1067 = arith.constant 13312 : i32
        %dma_start3A_1068 = tpu.memref_slice %arg3[%dma_start3A_1067] : memref<65536xf32, #tpu.memory_space<hbm>> -> memref<1024xf32, #tpu.memory_space<hbm>>
        tpu.enqueue_dma source(%dma_start3A_1068 : memref<1024xf32, #tpu.memory_space<hbm>>) target(%dma_start3A_1066 : memref<1024xf32, #tpu.memory_space<hbm>>) target_semaphore(%run_scoped3A : memref<!tpu.dma_semaphore, #tpu.memory_space<semaphore_mem>>)
        %dma_wait3A_1069 = tpu.memref_slice %arg6[%mul3A_1065] : memref<33554432xf32, #tpu.memory_space<hbm>> -> memref<1024xf32, #tpu.memory_space<hbm>>
        %dma_wait3A_1070 = arith.constant 13312 : i32
        %dma_wait3A_1071 = tpu.memref_slice %arg3[%dma_wait3A_1070] : memref<65536xf32, #tpu.memory_space<hbm>> -> memref<1024xf32, #tpu.memory_space<hbm>>
        tpu.wait_dma2 semaphore(%run_scoped3A : memref<!tpu.dma_semaphore, #tpu.memory_space<semaphore_mem>>) src(%dma_wait3A_1071 : memref<1024xf32, #tpu.memory_space<hbm>>) dst(%dma_wait3A_1069 : memref<1024xf32, #tpu.memory_space<hbm>>)
        tpu.yield
      }) : () -> ()
    } else {
    }
    %add3A_290 = arith.constant 4096 : i32
    %add3A_291 = arith.addi %add3A_290, %squeeze3A_197 : i32
    %add3A_292 = arith.constant 6 : i32
    %add3A_293 = arith.addi %add3A_291, %add3A_292 : i32
    %gt3A_294 = arith.constant 6 : i32
    %gt3A_295 = arith.cmpi sgt, %squeeze3A_199, %gt3A_294 : i32
    %ge3A_296 = arith.cmpi sge, %add3A_293, %mul3A_6 : i32
    %and3A_297 = arith.andi %gt3A_295, %ge3A_296 : i1
    %add3A_298 = arith.constant 1024 : i32
    %add3A_299 = arith.addi %mul3A_6, %add3A_298 : i32
    %lt3A_300 = arith.cmpi slt, %add3A_293, %add3A_299 : i32
    %and3A_301 = arith.andi %and3A_297, %lt3A_300 : i1
    %convert_element_type3A_302 = arith.extui %and3A_301 : i1 to i32
    %cond3A_303 = arith.constant 0 : i32
    %cond3A_304 = arith.cmpi ne, %convert_element_type3A_302, %cond3A_303 : i32
    scf.if %cond3A_304 {
      %mul3A_1064 = arith.constant 1024 : i32
      %mul3A_1065 = arith.muli %add3A_293, %mul3A_1064 : i32
      "tpu.region"() ({
        %run_scoped3A = tpu.sem_alloc : memref<!tpu.dma_semaphore, #tpu.memory_space<semaphore_mem>>
        %dma_start3A_1066 = tpu.memref_slice %arg6[%mul3A_1065] : memref<33554432xf32, #tpu.memory_space<hbm>> -> memref<1024xf32, #tpu.memory_space<hbm>>
        %dma_start3A_1067 = arith.constant 14336 : i32
        %dma_start3A_1068 = tpu.memref_slice %arg3[%dma_start3A_1067] : memref<65536xf32, #tpu.memory_space<hbm>> -> memref<1024xf32, #tpu.memory_space<hbm>>
        tpu.enqueue_dma source(%dma_start3A_1068 : memref<1024xf32, #tpu.memory_space<hbm>>) target(%dma_start3A_1066 : memref<1024xf32, #tpu.memory_space<hbm>>) target_semaphore(%run_scoped3A : memref<!tpu.dma_semaphore, #tpu.memory_space<semaphore_mem>>)
        %dma_wait3A_1069 = tpu.memref_slice %arg6[%mul3A_1065] : memref<33554432xf32, #tpu.memory_space<hbm>> -> memref<1024xf32, #tpu.memory_space<hbm>>
        %dma_wait3A_1070 = arith.constant 14336 : i32
        %dma_wait3A_1071 = tpu.memref_slice %arg3[%dma_wait3A_1070] : memref<65536xf32, #tpu.memory_space<hbm>> -> memref<1024xf32, #tpu.memory_space<hbm>>
        tpu.wait_dma2 semaphore(%run_scoped3A : memref<!tpu.dma_semaphore, #tpu.memory_space<semaphore_mem>>) src(%dma_wait3A_1071 : memref<1024xf32, #tpu.memory_space<hbm>>) dst(%dma_wait3A_1069 : memref<1024xf32, #tpu.memory_space<hbm>>)
        tpu.yield
      }) : () -> ()
    } else {
    }
    %add3A_305 = arith.constant 4096 : i32
    %add3A_306 = arith.addi %add3A_305, %squeeze3A_197 : i32
    %add3A_307 = arith.constant 7 : i32
    %add3A_308 = arith.addi %add3A_306, %add3A_307 : i32
    %gt3A_309 = arith.constant 7 : i32
    %gt3A_310 = arith.cmpi sgt, %squeeze3A_199, %gt3A_309 : i32
    %ge3A_311 = arith.cmpi sge, %add3A_308, %mul3A_6 : i32
    %and3A_312 = arith.andi %gt3A_310, %ge3A_311 : i1
    %add3A_313 = arith.constant 1024 : i32
    %add3A_314 = arith.addi %mul3A_6, %add3A_313 : i32
    %lt3A_315 = arith.cmpi slt, %add3A_308, %add3A_314 : i32
    %and3A_316 = arith.andi %and3A_312, %lt3A_315 : i1
    %convert_element_type3A_317 = arith.extui %and3A_316 : i1 to i32
    %cond3A_318 = arith.constant 0 : i32
    %cond3A_319 = arith.cmpi ne, %convert_element_type3A_317, %cond3A_318 : i32
    scf.if %cond3A_319 {
      %mul3A_1064 = arith.constant 1024 : i32
      %mul3A_1065 = arith.muli %add3A_308, %mul3A_1064 : i32
      "tpu.region"() ({
        %run_scoped3A = tpu.sem_alloc : memref<!tpu.dma_semaphore, #tpu.memory_space<semaphore_mem>>
        %dma_start3A_1066 = tpu.memref_slice %arg6[%mul3A_1065] : memref<33554432xf32, #tpu.memory_space<hbm>> -> memref<1024xf32, #tpu.memory_space<hbm>>
        %dma_start3A_1067 = arith.constant 15360 : i32
        %dma_start3A_1068 = tpu.memref_slice %arg3[%dma_start3A_1067] : memref<65536xf32, #tpu.memory_space<hbm>> -> memref<1024xf32, #tpu.memory_space<hbm>>
        tpu.enqueue_dma source(%dma_start3A_1068 : memref<1024xf32, #tpu.memory_space<hbm>>) target(%dma_start3A_1066 : memref<1024xf32, #tpu.memory_space<hbm>>) target_semaphore(%run_scoped3A : memref<!tpu.dma_semaphore, #tpu.memory_space<semaphore_mem>>)
        %dma_wait3A_1069 = tpu.memref_slice %arg6[%mul3A_1065] : memref<33554432xf32, #tpu.memory_space<hbm>> -> memref<1024xf32, #tpu.memory_space<hbm>>
        %dma_wait3A_1070 = arith.constant 15360 : i32
        %dma_wait3A_1071 = tpu.memref_slice %arg3[%dma_wait3A_1070] : memref<65536xf32, #tpu.memory_space<hbm>> -> memref<1024xf32, #tpu.memory_space<hbm>>
        tpu.wait_dma2 semaphore(%run_scoped3A : memref<!tpu.dma_semaphore, #tpu.memory_space<semaphore_mem>>) src(%dma_wait3A_1071 : memref<1024xf32, #tpu.memory_space<hbm>>) dst(%dma_wait3A_1069 : memref<1024xf32, #tpu.memory_space<hbm>>)
        tpu.yield
      }) : () -> ()
    } else {
    }
    %slice3A_320 = vector.extract_strided_slice %get3A_76 {offsets = [2], sizes = [1], strides = [1]} : vector<16xi32> to vector<1xi32>
    %squeeze3A_321 = vector.extract %slice3A_320[0] : i32 from vector<1xi32>
    %slice3A_322 = vector.extract_strided_slice %get3A_79 {offsets = [2], sizes = [1], strides = [1]} : vector<16xi32> to vector<1xi32>
    %squeeze3A_323 = vector.extract %slice3A_322[0] : i32 from vector<1xi32>
    %add3A_324 = arith.constant 8192 : i32
    %add3A_325 = arith.addi %add3A_324, %squeeze3A_321 : i32
    %add3A_326 = arith.constant 0 : i32
    %add3A_327 = arith.addi %add3A_325, %add3A_326 : i32
    %gt3A_328 = arith.constant 0 : i32
    %gt3A_329 = arith.cmpi sgt, %squeeze3A_323, %gt3A_328 : i32
    %ge3A_330 = arith.cmpi sge, %add3A_327, %mul3A_6 : i32
    %and3A_331 = arith.andi %gt3A_329, %ge3A_330 : i1
    %add3A_332 = arith.constant 1024 : i32
    %add3A_333 = arith.addi %mul3A_6, %add3A_332 : i32
    %lt3A_334 = arith.cmpi slt, %add3A_327, %add3A_333 : i32
    %and3A_335 = arith.andi %and3A_331, %lt3A_334 : i1
    %convert_element_type3A_336 = arith.extui %and3A_335 : i1 to i32
    %cond3A_337 = arith.constant 0 : i32
    %cond3A_338 = arith.cmpi ne, %convert_element_type3A_336, %cond3A_337 : i32
    scf.if %cond3A_338 {
      %mul3A_1064 = arith.constant 1024 : i32
      %mul3A_1065 = arith.muli %add3A_327, %mul3A_1064 : i32
      "tpu.region"() ({
        %run_scoped3A = tpu.sem_alloc : memref<!tpu.dma_semaphore, #tpu.memory_space<semaphore_mem>>
        %dma_start3A_1066 = tpu.memref_slice %arg6[%mul3A_1065] : memref<33554432xf32, #tpu.memory_space<hbm>> -> memref<1024xf32, #tpu.memory_space<hbm>>
        %dma_start3A_1067 = arith.constant 16384 : i32
        %dma_start3A_1068 = tpu.memref_slice %arg3[%dma_start3A_1067] : memref<65536xf32, #tpu.memory_space<hbm>> -> memref<1024xf32, #tpu.memory_space<hbm>>
        tpu.enqueue_dma source(%dma_start3A_1068 : memref<1024xf32, #tpu.memory_space<hbm>>) target(%dma_start3A_1066 : memref<1024xf32, #tpu.memory_space<hbm>>) target_semaphore(%run_scoped3A : memref<!tpu.dma_semaphore, #tpu.memory_space<semaphore_mem>>)
        %dma_wait3A_1069 = tpu.memref_slice %arg6[%mul3A_1065] : memref<33554432xf32, #tpu.memory_space<hbm>> -> memref<1024xf32, #tpu.memory_space<hbm>>
        %dma_wait3A_1070 = arith.constant 16384 : i32
        %dma_wait3A_1071 = tpu.memref_slice %arg3[%dma_wait3A_1070] : memref<65536xf32, #tpu.memory_space<hbm>> -> memref<1024xf32, #tpu.memory_space<hbm>>
        tpu.wait_dma2 semaphore(%run_scoped3A : memref<!tpu.dma_semaphore, #tpu.memory_space<semaphore_mem>>) src(%dma_wait3A_1071 : memref<1024xf32, #tpu.memory_space<hbm>>) dst(%dma_wait3A_1069 : memref<1024xf32, #tpu.memory_space<hbm>>)
        tpu.yield
      }) : () -> ()
    } else {
    }
    %add3A_339 = arith.constant 8192 : i32
    %add3A_340 = arith.addi %add3A_339, %squeeze3A_321 : i32
    %add3A_341 = arith.constant 1 : i32
    %add3A_342 = arith.addi %add3A_340, %add3A_341 : i32
    %gt3A_343 = arith.constant 1 : i32
    %gt3A_344 = arith.cmpi sgt, %squeeze3A_323, %gt3A_343 : i32
    %ge3A_345 = arith.cmpi sge, %add3A_342, %mul3A_6 : i32
    %and3A_346 = arith.andi %gt3A_344, %ge3A_345 : i1
    %add3A_347 = arith.constant 1024 : i32
    %add3A_348 = arith.addi %mul3A_6, %add3A_347 : i32
    %lt3A_349 = arith.cmpi slt, %add3A_342, %add3A_348 : i32
    %and3A_350 = arith.andi %and3A_346, %lt3A_349 : i1
    %convert_element_type3A_351 = arith.extui %and3A_350 : i1 to i32
    %cond3A_352 = arith.constant 0 : i32
    %cond3A_353 = arith.cmpi ne, %convert_element_type3A_351, %cond3A_352 : i32
    scf.if %cond3A_353 {
      %mul3A_1064 = arith.constant 1024 : i32
      %mul3A_1065 = arith.muli %add3A_342, %mul3A_1064 : i32
      "tpu.region"() ({
        %run_scoped3A = tpu.sem_alloc : memref<!tpu.dma_semaphore, #tpu.memory_space<semaphore_mem>>
        %dma_start3A_1066 = tpu.memref_slice %arg6[%mul3A_1065] : memref<33554432xf32, #tpu.memory_space<hbm>> -> memref<1024xf32, #tpu.memory_space<hbm>>
        %dma_start3A_1067 = arith.constant 17408 : i32
        %dma_start3A_1068 = tpu.memref_slice %arg3[%dma_start3A_1067] : memref<65536xf32, #tpu.memory_space<hbm>> -> memref<1024xf32, #tpu.memory_space<hbm>>
        tpu.enqueue_dma source(%dma_start3A_1068 : memref<1024xf32, #tpu.memory_space<hbm>>) target(%dma_start3A_1066 : memref<1024xf32, #tpu.memory_space<hbm>>) target_semaphore(%run_scoped3A : memref<!tpu.dma_semaphore, #tpu.memory_space<semaphore_mem>>)
        %dma_wait3A_1069 = tpu.memref_slice %arg6[%mul3A_1065] : memref<33554432xf32, #tpu.memory_space<hbm>> -> memref<1024xf32, #tpu.memory_space<hbm>>
        %dma_wait3A_1070 = arith.constant 17408 : i32
        %dma_wait3A_1071 = tpu.memref_slice %arg3[%dma_wait3A_1070] : memref<65536xf32, #tpu.memory_space<hbm>> -> memref<1024xf32, #tpu.memory_space<hbm>>
        tpu.wait_dma2 semaphore(%run_scoped3A : memref<!tpu.dma_semaphore, #tpu.memory_space<semaphore_mem>>) src(%dma_wait3A_1071 : memref<1024xf32, #tpu.memory_space<hbm>>) dst(%dma_wait3A_1069 : memref<1024xf32, #tpu.memory_space<hbm>>)
        tpu.yield
      }) : () -> ()
    } else {
    }
    %add3A_354 = arith.constant 8192 : i32
    %add3A_355 = arith.addi %add3A_354, %squeeze3A_321 : i32
    %add3A_356 = arith.constant 2 : i32
    %add3A_357 = arith.addi %add3A_355, %add3A_356 : i32
    %gt3A_358 = arith.constant 2 : i32
    %gt3A_359 = arith.cmpi sgt, %squeeze3A_323, %gt3A_358 : i32
    %ge3A_360 = arith.cmpi sge, %add3A_357, %mul3A_6 : i32
    %and3A_361 = arith.andi %gt3A_359, %ge3A_360 : i1
    %add3A_362 = arith.constant 1024 : i32
    %add3A_363 = arith.addi %mul3A_6, %add3A_362 : i32
    %lt3A_364 = arith.cmpi slt, %add3A_357, %add3A_363 : i32
    %and3A_365 = arith.andi %and3A_361, %lt3A_364 : i1
    %convert_element_type3A_366 = arith.extui %and3A_365 : i1 to i32
    %cond3A_367 = arith.constant 0 : i32
    %cond3A_368 = arith.cmpi ne, %convert_element_type3A_366, %cond3A_367 : i32
    scf.if %cond3A_368 {
      %mul3A_1064 = arith.constant 1024 : i32
      %mul3A_1065 = arith.muli %add3A_357, %mul3A_1064 : i32
      "tpu.region"() ({
        %run_scoped3A = tpu.sem_alloc : memref<!tpu.dma_semaphore, #tpu.memory_space<semaphore_mem>>
        %dma_start3A_1066 = tpu.memref_slice %arg6[%mul3A_1065] : memref<33554432xf32, #tpu.memory_space<hbm>> -> memref<1024xf32, #tpu.memory_space<hbm>>
        %dma_start3A_1067 = arith.constant 18432 : i32
        %dma_start3A_1068 = tpu.memref_slice %arg3[%dma_start3A_1067] : memref<65536xf32, #tpu.memory_space<hbm>> -> memref<1024xf32, #tpu.memory_space<hbm>>
        tpu.enqueue_dma source(%dma_start3A_1068 : memref<1024xf32, #tpu.memory_space<hbm>>) target(%dma_start3A_1066 : memref<1024xf32, #tpu.memory_space<hbm>>) target_semaphore(%run_scoped3A : memref<!tpu.dma_semaphore, #tpu.memory_space<semaphore_mem>>)
        %dma_wait3A_1069 = tpu.memref_slice %arg6[%mul3A_1065] : memref<33554432xf32, #tpu.memory_space<hbm>> -> memref<1024xf32, #tpu.memory_space<hbm>>
        %dma_wait3A_1070 = arith.constant 18432 : i32
        %dma_wait3A_1071 = tpu.memref_slice %arg3[%dma_wait3A_1070] : memref<65536xf32, #tpu.memory_space<hbm>> -> memref<1024xf32, #tpu.memory_space<hbm>>
        tpu.wait_dma2 semaphore(%run_scoped3A : memref<!tpu.dma_semaphore, #tpu.memory_space<semaphore_mem>>) src(%dma_wait3A_1071 : memref<1024xf32, #tpu.memory_space<hbm>>) dst(%dma_wait3A_1069 : memref<1024xf32, #tpu.memory_space<hbm>>)
        tpu.yield
      }) : () -> ()
    } else {
    }
    %add3A_369 = arith.constant 8192 : i32
    %add3A_370 = arith.addi %add3A_369, %squeeze3A_321 : i32
    %add3A_371 = arith.constant 3 : i32
    %add3A_372 = arith.addi %add3A_370, %add3A_371 : i32
    %gt3A_373 = arith.constant 3 : i32
    %gt3A_374 = arith.cmpi sgt, %squeeze3A_323, %gt3A_373 : i32
    %ge3A_375 = arith.cmpi sge, %add3A_372, %mul3A_6 : i32
    %and3A_376 = arith.andi %gt3A_374, %ge3A_375 : i1
    %add3A_377 = arith.constant 1024 : i32
    %add3A_378 = arith.addi %mul3A_6, %add3A_377 : i32
    %lt3A_379 = arith.cmpi slt, %add3A_372, %add3A_378 : i32
    %and3A_380 = arith.andi %and3A_376, %lt3A_379 : i1
    %convert_element_type3A_381 = arith.extui %and3A_380 : i1 to i32
    %cond3A_382 = arith.constant 0 : i32
    %cond3A_383 = arith.cmpi ne, %convert_element_type3A_381, %cond3A_382 : i32
    scf.if %cond3A_383 {
      %mul3A_1064 = arith.constant 1024 : i32
      %mul3A_1065 = arith.muli %add3A_372, %mul3A_1064 : i32
      "tpu.region"() ({
        %run_scoped3A = tpu.sem_alloc : memref<!tpu.dma_semaphore, #tpu.memory_space<semaphore_mem>>
        %dma_start3A_1066 = tpu.memref_slice %arg6[%mul3A_1065] : memref<33554432xf32, #tpu.memory_space<hbm>> -> memref<1024xf32, #tpu.memory_space<hbm>>
        %dma_start3A_1067 = arith.constant 19456 : i32
        %dma_start3A_1068 = tpu.memref_slice %arg3[%dma_start3A_1067] : memref<65536xf32, #tpu.memory_space<hbm>> -> memref<1024xf32, #tpu.memory_space<hbm>>
        tpu.enqueue_dma source(%dma_start3A_1068 : memref<1024xf32, #tpu.memory_space<hbm>>) target(%dma_start3A_1066 : memref<1024xf32, #tpu.memory_space<hbm>>) target_semaphore(%run_scoped3A : memref<!tpu.dma_semaphore, #tpu.memory_space<semaphore_mem>>)
        %dma_wait3A_1069 = tpu.memref_slice %arg6[%mul3A_1065] : memref<33554432xf32, #tpu.memory_space<hbm>> -> memref<1024xf32, #tpu.memory_space<hbm>>
        %dma_wait3A_1070 = arith.constant 19456 : i32
        %dma_wait3A_1071 = tpu.memref_slice %arg3[%dma_wait3A_1070] : memref<65536xf32, #tpu.memory_space<hbm>> -> memref<1024xf32, #tpu.memory_space<hbm>>
        tpu.wait_dma2 semaphore(%run_scoped3A : memref<!tpu.dma_semaphore, #tpu.memory_space<semaphore_mem>>) src(%dma_wait3A_1071 : memref<1024xf32, #tpu.memory_space<hbm>>) dst(%dma_wait3A_1069 : memref<1024xf32, #tpu.memory_space<hbm>>)
        tpu.yield
      }) : () -> ()
    } else {
    }
    %add3A_384 = arith.constant 8192 : i32
    %add3A_385 = arith.addi %add3A_384, %squeeze3A_321 : i32
    %add3A_386 = arith.constant 4 : i32
    %add3A_387 = arith.addi %add3A_385, %add3A_386 : i32
    %gt3A_388 = arith.constant 4 : i32
    %gt3A_389 = arith.cmpi sgt, %squeeze3A_323, %gt3A_388 : i32
    %ge3A_390 = arith.cmpi sge, %add3A_387, %mul3A_6 : i32
    %and3A_391 = arith.andi %gt3A_389, %ge3A_390 : i1
    %add3A_392 = arith.constant 1024 : i32
    %add3A_393 = arith.addi %mul3A_6, %add3A_392 : i32
    %lt3A_394 = arith.cmpi slt, %add3A_387, %add3A_393 : i32
    %and3A_395 = arith.andi %and3A_391, %lt3A_394 : i1
    %convert_element_type3A_396 = arith.extui %and3A_395 : i1 to i32
    %cond3A_397 = arith.constant 0 : i32
    %cond3A_398 = arith.cmpi ne, %convert_element_type3A_396, %cond3A_397 : i32
    scf.if %cond3A_398 {
      %mul3A_1064 = arith.constant 1024 : i32
      %mul3A_1065 = arith.muli %add3A_387, %mul3A_1064 : i32
      "tpu.region"() ({
        %run_scoped3A = tpu.sem_alloc : memref<!tpu.dma_semaphore, #tpu.memory_space<semaphore_mem>>
        %dma_start3A_1066 = tpu.memref_slice %arg6[%mul3A_1065] : memref<33554432xf32, #tpu.memory_space<hbm>> -> memref<1024xf32, #tpu.memory_space<hbm>>
        %dma_start3A_1067 = arith.constant 20480 : i32
        %dma_start3A_1068 = tpu.memref_slice %arg3[%dma_start3A_1067] : memref<65536xf32, #tpu.memory_space<hbm>> -> memref<1024xf32, #tpu.memory_space<hbm>>
        tpu.enqueue_dma source(%dma_start3A_1068 : memref<1024xf32, #tpu.memory_space<hbm>>) target(%dma_start3A_1066 : memref<1024xf32, #tpu.memory_space<hbm>>) target_semaphore(%run_scoped3A : memref<!tpu.dma_semaphore, #tpu.memory_space<semaphore_mem>>)
        %dma_wait3A_1069 = tpu.memref_slice %arg6[%mul3A_1065] : memref<33554432xf32, #tpu.memory_space<hbm>> -> memref<1024xf32, #tpu.memory_space<hbm>>
        %dma_wait3A_1070 = arith.constant 20480 : i32
        %dma_wait3A_1071 = tpu.memref_slice %arg3[%dma_wait3A_1070] : memref<65536xf32, #tpu.memory_space<hbm>> -> memref<1024xf32, #tpu.memory_space<hbm>>
        tpu.wait_dma2 semaphore(%run_scoped3A : memref<!tpu.dma_semaphore, #tpu.memory_space<semaphore_mem>>) src(%dma_wait3A_1071 : memref<1024xf32, #tpu.memory_space<hbm>>) dst(%dma_wait3A_1069 : memref<1024xf32, #tpu.memory_space<hbm>>)
        tpu.yield
      }) : () -> ()
    } else {
    }
    %add3A_399 = arith.constant 8192 : i32
    %add3A_400 = arith.addi %add3A_399, %squeeze3A_321 : i32
    %add3A_401 = arith.constant 5 : i32
    %add3A_402 = arith.addi %add3A_400, %add3A_401 : i32
    %gt3A_403 = arith.constant 5 : i32
    %gt3A_404 = arith.cmpi sgt, %squeeze3A_323, %gt3A_403 : i32
    %ge3A_405 = arith.cmpi sge, %add3A_402, %mul3A_6 : i32
    %and3A_406 = arith.andi %gt3A_404, %ge3A_405 : i1
    %add3A_407 = arith.constant 1024 : i32
    %add3A_408 = arith.addi %mul3A_6, %add3A_407 : i32
    %lt3A_409 = arith.cmpi slt, %add3A_402, %add3A_408 : i32
    %and3A_410 = arith.andi %and3A_406, %lt3A_409 : i1
    %convert_element_type3A_411 = arith.extui %and3A_410 : i1 to i32
    %cond3A_412 = arith.constant 0 : i32
    %cond3A_413 = arith.cmpi ne, %convert_element_type3A_411, %cond3A_412 : i32
    scf.if %cond3A_413 {
      %mul3A_1064 = arith.constant 1024 : i32
      %mul3A_1065 = arith.muli %add3A_402, %mul3A_1064 : i32
      "tpu.region"() ({
        %run_scoped3A = tpu.sem_alloc : memref<!tpu.dma_semaphore, #tpu.memory_space<semaphore_mem>>
        %dma_start3A_1066 = tpu.memref_slice %arg6[%mul3A_1065] : memref<33554432xf32, #tpu.memory_space<hbm>> -> memref<1024xf32, #tpu.memory_space<hbm>>
        %dma_start3A_1067 = arith.constant 21504 : i32
        %dma_start3A_1068 = tpu.memref_slice %arg3[%dma_start3A_1067] : memref<65536xf32, #tpu.memory_space<hbm>> -> memref<1024xf32, #tpu.memory_space<hbm>>
        tpu.enqueue_dma source(%dma_start3A_1068 : memref<1024xf32, #tpu.memory_space<hbm>>) target(%dma_start3A_1066 : memref<1024xf32, #tpu.memory_space<hbm>>) target_semaphore(%run_scoped3A : memref<!tpu.dma_semaphore, #tpu.memory_space<semaphore_mem>>)
        %dma_wait3A_1069 = tpu.memref_slice %arg6[%mul3A_1065] : memref<33554432xf32, #tpu.memory_space<hbm>> -> memref<1024xf32, #tpu.memory_space<hbm>>
        %dma_wait3A_1070 = arith.constant 21504 : i32
        %dma_wait3A_1071 = tpu.memref_slice %arg3[%dma_wait3A_1070] : memref<65536xf32, #tpu.memory_space<hbm>> -> memref<1024xf32, #tpu.memory_space<hbm>>
        tpu.wait_dma2 semaphore(%run_scoped3A : memref<!tpu.dma_semaphore, #tpu.memory_space<semaphore_mem>>) src(%dma_wait3A_1071 : memref<1024xf32, #tpu.memory_space<hbm>>) dst(%dma_wait3A_1069 : memref<1024xf32, #tpu.memory_space<hbm>>)
        tpu.yield
      }) : () -> ()
    } else {
    }
    %add3A_414 = arith.constant 8192 : i32
    %add3A_415 = arith.addi %add3A_414, %squeeze3A_321 : i32
    %add3A_416 = arith.constant 6 : i32
    %add3A_417 = arith.addi %add3A_415, %add3A_416 : i32
    %gt3A_418 = arith.constant 6 : i32
    %gt3A_419 = arith.cmpi sgt, %squeeze3A_323, %gt3A_418 : i32
    %ge3A_420 = arith.cmpi sge, %add3A_417, %mul3A_6 : i32
    %and3A_421 = arith.andi %gt3A_419, %ge3A_420 : i1
    %add3A_422 = arith.constant 1024 : i32
    %add3A_423 = arith.addi %mul3A_6, %add3A_422 : i32
    %lt3A_424 = arith.cmpi slt, %add3A_417, %add3A_423 : i32
    %and3A_425 = arith.andi %and3A_421, %lt3A_424 : i1
    %convert_element_type3A_426 = arith.extui %and3A_425 : i1 to i32
    %cond3A_427 = arith.constant 0 : i32
    %cond3A_428 = arith.cmpi ne, %convert_element_type3A_426, %cond3A_427 : i32
    scf.if %cond3A_428 {
      %mul3A_1064 = arith.constant 1024 : i32
      %mul3A_1065 = arith.muli %add3A_417, %mul3A_1064 : i32
      "tpu.region"() ({
        %run_scoped3A = tpu.sem_alloc : memref<!tpu.dma_semaphore, #tpu.memory_space<semaphore_mem>>
        %dma_start3A_1066 = tpu.memref_slice %arg6[%mul3A_1065] : memref<33554432xf32, #tpu.memory_space<hbm>> -> memref<1024xf32, #tpu.memory_space<hbm>>
        %dma_start3A_1067 = arith.constant 22528 : i32
        %dma_start3A_1068 = tpu.memref_slice %arg3[%dma_start3A_1067] : memref<65536xf32, #tpu.memory_space<hbm>> -> memref<1024xf32, #tpu.memory_space<hbm>>
        tpu.enqueue_dma source(%dma_start3A_1068 : memref<1024xf32, #tpu.memory_space<hbm>>) target(%dma_start3A_1066 : memref<1024xf32, #tpu.memory_space<hbm>>) target_semaphore(%run_scoped3A : memref<!tpu.dma_semaphore, #tpu.memory_space<semaphore_mem>>)
        %dma_wait3A_1069 = tpu.memref_slice %arg6[%mul3A_1065] : memref<33554432xf32, #tpu.memory_space<hbm>> -> memref<1024xf32, #tpu.memory_space<hbm>>
        %dma_wait3A_1070 = arith.constant 22528 : i32
        %dma_wait3A_1071 = tpu.memref_slice %arg3[%dma_wait3A_1070] : memref<65536xf32, #tpu.memory_space<hbm>> -> memref<1024xf32, #tpu.memory_space<hbm>>
        tpu.wait_dma2 semaphore(%run_scoped3A : memref<!tpu.dma_semaphore, #tpu.memory_space<semaphore_mem>>) src(%dma_wait3A_1071 : memref<1024xf32, #tpu.memory_space<hbm>>) dst(%dma_wait3A_1069 : memref<1024xf32, #tpu.memory_space<hbm>>)
        tpu.yield
      }) : () -> ()
    } else {
    }
    %add3A_429 = arith.constant 8192 : i32
    %add3A_430 = arith.addi %add3A_429, %squeeze3A_321 : i32
    %add3A_431 = arith.constant 7 : i32
    %add3A_432 = arith.addi %add3A_430, %add3A_431 : i32
    %gt3A_433 = arith.constant 7 : i32
    %gt3A_434 = arith.cmpi sgt, %squeeze3A_323, %gt3A_433 : i32
    %ge3A_435 = arith.cmpi sge, %add3A_432, %mul3A_6 : i32
    %and3A_436 = arith.andi %gt3A_434, %ge3A_435 : i1
    %add3A_437 = arith.constant 1024 : i32
    %add3A_438 = arith.addi %mul3A_6, %add3A_437 : i32
    %lt3A_439 = arith.cmpi slt, %add3A_432, %add3A_438 : i32
    %and3A_440 = arith.andi %and3A_436, %lt3A_439 : i1
    %convert_element_type3A_441 = arith.extui %and3A_440 : i1 to i32
    %cond3A_442 = arith.constant 0 : i32
    %cond3A_443 = arith.cmpi ne, %convert_element_type3A_441, %cond3A_442 : i32
    scf.if %cond3A_443 {
      %mul3A_1064 = arith.constant 1024 : i32
      %mul3A_1065 = arith.muli %add3A_432, %mul3A_1064 : i32
      "tpu.region"() ({
        %run_scoped3A = tpu.sem_alloc : memref<!tpu.dma_semaphore, #tpu.memory_space<semaphore_mem>>
        %dma_start3A_1066 = tpu.memref_slice %arg6[%mul3A_1065] : memref<33554432xf32, #tpu.memory_space<hbm>> -> memref<1024xf32, #tpu.memory_space<hbm>>
        %dma_start3A_1067 = arith.constant 23552 : i32
        %dma_start3A_1068 = tpu.memref_slice %arg3[%dma_start3A_1067] : memref<65536xf32, #tpu.memory_space<hbm>> -> memref<1024xf32, #tpu.memory_space<hbm>>
        tpu.enqueue_dma source(%dma_start3A_1068 : memref<1024xf32, #tpu.memory_space<hbm>>) target(%dma_start3A_1066 : memref<1024xf32, #tpu.memory_space<hbm>>) target_semaphore(%run_scoped3A : memref<!tpu.dma_semaphore, #tpu.memory_space<semaphore_mem>>)
        %dma_wait3A_1069 = tpu.memref_slice %arg6[%mul3A_1065] : memref<33554432xf32, #tpu.memory_space<hbm>> -> memref<1024xf32, #tpu.memory_space<hbm>>
        %dma_wait3A_1070 = arith.constant 23552 : i32
        %dma_wait3A_1071 = tpu.memref_slice %arg3[%dma_wait3A_1070] : memref<65536xf32, #tpu.memory_space<hbm>> -> memref<1024xf32, #tpu.memory_space<hbm>>
        tpu.wait_dma2 semaphore(%run_scoped3A : memref<!tpu.dma_semaphore, #tpu.memory_space<semaphore_mem>>) src(%dma_wait3A_1071 : memref<1024xf32, #tpu.memory_space<hbm>>) dst(%dma_wait3A_1069 : memref<1024xf32, #tpu.memory_space<hbm>>)
        tpu.yield
      }) : () -> ()
    } else {
    }
    %slice3A_444 = vector.extract_strided_slice %get3A_76 {offsets = [3], sizes = [1], strides = [1]} : vector<16xi32> to vector<1xi32>
    %squeeze3A_445 = vector.extract %slice3A_444[0] : i32 from vector<1xi32>
    %slice3A_446 = vector.extract_strided_slice %get3A_79 {offsets = [3], sizes = [1], strides = [1]} : vector<16xi32> to vector<1xi32>
    %squeeze3A_447 = vector.extract %slice3A_446[0] : i32 from vector<1xi32>
    %add3A_448 = arith.constant 12288 : i32
    %add3A_449 = arith.addi %add3A_448, %squeeze3A_445 : i32
    %add3A_450 = arith.constant 0 : i32
    %add3A_451 = arith.addi %add3A_449, %add3A_450 : i32
    %gt3A_452 = arith.constant 0 : i32
    %gt3A_453 = arith.cmpi sgt, %squeeze3A_447, %gt3A_452 : i32
    %ge3A_454 = arith.cmpi sge, %add3A_451, %mul3A_6 : i32
    %and3A_455 = arith.andi %gt3A_453, %ge3A_454 : i1
    %add3A_456 = arith.constant 1024 : i32
    %add3A_457 = arith.addi %mul3A_6, %add3A_456 : i32
    %lt3A_458 = arith.cmpi slt, %add3A_451, %add3A_457 : i32
    %and3A_459 = arith.andi %and3A_455, %lt3A_458 : i1
    %convert_element_type3A_460 = arith.extui %and3A_459 : i1 to i32
    %cond3A_461 = arith.constant 0 : i32
    %cond3A_462 = arith.cmpi ne, %convert_element_type3A_460, %cond3A_461 : i32
    scf.if %cond3A_462 {
      %mul3A_1064 = arith.constant 1024 : i32
      %mul3A_1065 = arith.muli %add3A_451, %mul3A_1064 : i32
      "tpu.region"() ({
        %run_scoped3A = tpu.sem_alloc : memref<!tpu.dma_semaphore, #tpu.memory_space<semaphore_mem>>
        %dma_start3A_1066 = tpu.memref_slice %arg6[%mul3A_1065] : memref<33554432xf32, #tpu.memory_space<hbm>> -> memref<1024xf32, #tpu.memory_space<hbm>>
        %dma_start3A_1067 = arith.constant 24576 : i32
        %dma_start3A_1068 = tpu.memref_slice %arg3[%dma_start3A_1067] : memref<65536xf32, #tpu.memory_space<hbm>> -> memref<1024xf32, #tpu.memory_space<hbm>>
        tpu.enqueue_dma source(%dma_start3A_1068 : memref<1024xf32, #tpu.memory_space<hbm>>) target(%dma_start3A_1066 : memref<1024xf32, #tpu.memory_space<hbm>>) target_semaphore(%run_scoped3A : memref<!tpu.dma_semaphore, #tpu.memory_space<semaphore_mem>>)
        %dma_wait3A_1069 = tpu.memref_slice %arg6[%mul3A_1065] : memref<33554432xf32, #tpu.memory_space<hbm>> -> memref<1024xf32, #tpu.memory_space<hbm>>
        %dma_wait3A_1070 = arith.constant 24576 : i32
        %dma_wait3A_1071 = tpu.memref_slice %arg3[%dma_wait3A_1070] : memref<65536xf32, #tpu.memory_space<hbm>> -> memref<1024xf32, #tpu.memory_space<hbm>>
        tpu.wait_dma2 semaphore(%run_scoped3A : memref<!tpu.dma_semaphore, #tpu.memory_space<semaphore_mem>>) src(%dma_wait3A_1071 : memref<1024xf32, #tpu.memory_space<hbm>>) dst(%dma_wait3A_1069 : memref<1024xf32, #tpu.memory_space<hbm>>)
        tpu.yield
      }) : () -> ()
    } else {
    }
    %add3A_463 = arith.constant 12288 : i32
    %add3A_464 = arith.addi %add3A_463, %squeeze3A_445 : i32
    %add3A_465 = arith.constant 1 : i32
    %add3A_466 = arith.addi %add3A_464, %add3A_465 : i32
    %gt3A_467 = arith.constant 1 : i32
    %gt3A_468 = arith.cmpi sgt, %squeeze3A_447, %gt3A_467 : i32
    %ge3A_469 = arith.cmpi sge, %add3A_466, %mul3A_6 : i32
    %and3A_470 = arith.andi %gt3A_468, %ge3A_469 : i1
    %add3A_471 = arith.constant 1024 : i32
    %add3A_472 = arith.addi %mul3A_6, %add3A_471 : i32
    %lt3A_473 = arith.cmpi slt, %add3A_466, %add3A_472 : i32
    %and3A_474 = arith.andi %and3A_470, %lt3A_473 : i1
    %convert_element_type3A_475 = arith.extui %and3A_474 : i1 to i32
    %cond3A_476 = arith.constant 0 : i32
    %cond3A_477 = arith.cmpi ne, %convert_element_type3A_475, %cond3A_476 : i32
    scf.if %cond3A_477 {
      %mul3A_1064 = arith.constant 1024 : i32
      %mul3A_1065 = arith.muli %add3A_466, %mul3A_1064 : i32
      "tpu.region"() ({
        %run_scoped3A = tpu.sem_alloc : memref<!tpu.dma_semaphore, #tpu.memory_space<semaphore_mem>>
        %dma_start3A_1066 = tpu.memref_slice %arg6[%mul3A_1065] : memref<33554432xf32, #tpu.memory_space<hbm>> -> memref<1024xf32, #tpu.memory_space<hbm>>
        %dma_start3A_1067 = arith.constant 25600 : i32
        %dma_start3A_1068 = tpu.memref_slice %arg3[%dma_start3A_1067] : memref<65536xf32, #tpu.memory_space<hbm>> -> memref<1024xf32, #tpu.memory_space<hbm>>
        tpu.enqueue_dma source(%dma_start3A_1068 : memref<1024xf32, #tpu.memory_space<hbm>>) target(%dma_start3A_1066 : memref<1024xf32, #tpu.memory_space<hbm>>) target_semaphore(%run_scoped3A : memref<!tpu.dma_semaphore, #tpu.memory_space<semaphore_mem>>)
        %dma_wait3A_1069 = tpu.memref_slice %arg6[%mul3A_1065] : memref<33554432xf32, #tpu.memory_space<hbm>> -> memref<1024xf32, #tpu.memory_space<hbm>>
        %dma_wait3A_1070 = arith.constant 25600 : i32
        %dma_wait3A_1071 = tpu.memref_slice %arg3[%dma_wait3A_1070] : memref<65536xf32, #tpu.memory_space<hbm>> -> memref<1024xf32, #tpu.memory_space<hbm>>
        tpu.wait_dma2 semaphore(%run_scoped3A : memref<!tpu.dma_semaphore, #tpu.memory_space<semaphore_mem>>) src(%dma_wait3A_1071 : memref<1024xf32, #tpu.memory_space<hbm>>) dst(%dma_wait3A_1069 : memref<1024xf32, #tpu.memory_space<hbm>>)
        tpu.yield
      }) : () -> ()
    } else {
    }
    %add3A_478 = arith.constant 12288 : i32
    %add3A_479 = arith.addi %add3A_478, %squeeze3A_445 : i32
    %add3A_480 = arith.constant 2 : i32
    %add3A_481 = arith.addi %add3A_479, %add3A_480 : i32
    %gt3A_482 = arith.constant 2 : i32
    %gt3A_483 = arith.cmpi sgt, %squeeze3A_447, %gt3A_482 : i32
    %ge3A_484 = arith.cmpi sge, %add3A_481, %mul3A_6 : i32
    %and3A_485 = arith.andi %gt3A_483, %ge3A_484 : i1
    %add3A_486 = arith.constant 1024 : i32
    %add3A_487 = arith.addi %mul3A_6, %add3A_486 : i32
    %lt3A_488 = arith.cmpi slt, %add3A_481, %add3A_487 : i32
    %and3A_489 = arith.andi %and3A_485, %lt3A_488 : i1
    %convert_element_type3A_490 = arith.extui %and3A_489 : i1 to i32
    %cond3A_491 = arith.constant 0 : i32
    %cond3A_492 = arith.cmpi ne, %convert_element_type3A_490, %cond3A_491 : i32
    scf.if %cond3A_492 {
      %mul3A_1064 = arith.constant 1024 : i32
      %mul3A_1065 = arith.muli %add3A_481, %mul3A_1064 : i32
      "tpu.region"() ({
        %run_scoped3A = tpu.sem_alloc : memref<!tpu.dma_semaphore, #tpu.memory_space<semaphore_mem>>
        %dma_start3A_1066 = tpu.memref_slice %arg6[%mul3A_1065] : memref<33554432xf32, #tpu.memory_space<hbm>> -> memref<1024xf32, #tpu.memory_space<hbm>>
        %dma_start3A_1067 = arith.constant 26624 : i32
        %dma_start3A_1068 = tpu.memref_slice %arg3[%dma_start3A_1067] : memref<65536xf32, #tpu.memory_space<hbm>> -> memref<1024xf32, #tpu.memory_space<hbm>>
        tpu.enqueue_dma source(%dma_start3A_1068 : memref<1024xf32, #tpu.memory_space<hbm>>) target(%dma_start3A_1066 : memref<1024xf32, #tpu.memory_space<hbm>>) target_semaphore(%run_scoped3A : memref<!tpu.dma_semaphore, #tpu.memory_space<semaphore_mem>>)
        %dma_wait3A_1069 = tpu.memref_slice %arg6[%mul3A_1065] : memref<33554432xf32, #tpu.memory_space<hbm>> -> memref<1024xf32, #tpu.memory_space<hbm>>
        %dma_wait3A_1070 = arith.constant 26624 : i32
        %dma_wait3A_1071 = tpu.memref_slice %arg3[%dma_wait3A_1070] : memref<65536xf32, #tpu.memory_space<hbm>> -> memref<1024xf32, #tpu.memory_space<hbm>>
        tpu.wait_dma2 semaphore(%run_scoped3A : memref<!tpu.dma_semaphore, #tpu.memory_space<semaphore_mem>>) src(%dma_wait3A_1071 : memref<1024xf32, #tpu.memory_space<hbm>>) dst(%dma_wait3A_1069 : memref<1024xf32, #tpu.memory_space<hbm>>)
        tpu.yield
      }) : () -> ()
    } else {
    }
    %add3A_493 = arith.constant 12288 : i32
    %add3A_494 = arith.addi %add3A_493, %squeeze3A_445 : i32
    %add3A_495 = arith.constant 3 : i32
    %add3A_496 = arith.addi %add3A_494, %add3A_495 : i32
    %gt3A_497 = arith.constant 3 : i32
    %gt3A_498 = arith.cmpi sgt, %squeeze3A_447, %gt3A_497 : i32
    %ge3A_499 = arith.cmpi sge, %add3A_496, %mul3A_6 : i32
    %and3A_500 = arith.andi %gt3A_498, %ge3A_499 : i1
    %add3A_501 = arith.constant 1024 : i32
    %add3A_502 = arith.addi %mul3A_6, %add3A_501 : i32
    %lt3A_503 = arith.cmpi slt, %add3A_496, %add3A_502 : i32
    %and3A_504 = arith.andi %and3A_500, %lt3A_503 : i1
    %convert_element_type3A_505 = arith.extui %and3A_504 : i1 to i32
    %cond3A_506 = arith.constant 0 : i32
    %cond3A_507 = arith.cmpi ne, %convert_element_type3A_505, %cond3A_506 : i32
    scf.if %cond3A_507 {
      %mul3A_1064 = arith.constant 1024 : i32
      %mul3A_1065 = arith.muli %add3A_496, %mul3A_1064 : i32
      "tpu.region"() ({
        %run_scoped3A = tpu.sem_alloc : memref<!tpu.dma_semaphore, #tpu.memory_space<semaphore_mem>>
        %dma_start3A_1066 = tpu.memref_slice %arg6[%mul3A_1065] : memref<33554432xf32, #tpu.memory_space<hbm>> -> memref<1024xf32, #tpu.memory_space<hbm>>
        %dma_start3A_1067 = arith.constant 27648 : i32
        %dma_start3A_1068 = tpu.memref_slice %arg3[%dma_start3A_1067] : memref<65536xf32, #tpu.memory_space<hbm>> -> memref<1024xf32, #tpu.memory_space<hbm>>
        tpu.enqueue_dma source(%dma_start3A_1068 : memref<1024xf32, #tpu.memory_space<hbm>>) target(%dma_start3A_1066 : memref<1024xf32, #tpu.memory_space<hbm>>) target_semaphore(%run_scoped3A : memref<!tpu.dma_semaphore, #tpu.memory_space<semaphore_mem>>)
        %dma_wait3A_1069 = tpu.memref_slice %arg6[%mul3A_1065] : memref<33554432xf32, #tpu.memory_space<hbm>> -> memref<1024xf32, #tpu.memory_space<hbm>>
        %dma_wait3A_1070 = arith.constant 27648 : i32
        %dma_wait3A_1071 = tpu.memref_slice %arg3[%dma_wait3A_1070] : memref<65536xf32, #tpu.memory_space<hbm>> -> memref<1024xf32, #tpu.memory_space<hbm>>
        tpu.wait_dma2 semaphore(%run_scoped3A : memref<!tpu.dma_semaphore, #tpu.memory_space<semaphore_mem>>) src(%dma_wait3A_1071 : memref<1024xf32, #tpu.memory_space<hbm>>) dst(%dma_wait3A_1069 : memref<1024xf32, #tpu.memory_space<hbm>>)
        tpu.yield
      }) : () -> ()
    } else {
    }
    %add3A_508 = arith.constant 12288 : i32
    %add3A_509 = arith.addi %add3A_508, %squeeze3A_445 : i32
    %add3A_510 = arith.constant 4 : i32
    %add3A_511 = arith.addi %add3A_509, %add3A_510 : i32
    %gt3A_512 = arith.constant 4 : i32
    %gt3A_513 = arith.cmpi sgt, %squeeze3A_447, %gt3A_512 : i32
    %ge3A_514 = arith.cmpi sge, %add3A_511, %mul3A_6 : i32
    %and3A_515 = arith.andi %gt3A_513, %ge3A_514 : i1
    %add3A_516 = arith.constant 1024 : i32
    %add3A_517 = arith.addi %mul3A_6, %add3A_516 : i32
    %lt3A_518 = arith.cmpi slt, %add3A_511, %add3A_517 : i32
    %and3A_519 = arith.andi %and3A_515, %lt3A_518 : i1
    %convert_element_type3A_520 = arith.extui %and3A_519 : i1 to i32
    %cond3A_521 = arith.constant 0 : i32
    %cond3A_522 = arith.cmpi ne, %convert_element_type3A_520, %cond3A_521 : i32
    scf.if %cond3A_522 {
      %mul3A_1064 = arith.constant 1024 : i32
      %mul3A_1065 = arith.muli %add3A_511, %mul3A_1064 : i32
      "tpu.region"() ({
        %run_scoped3A = tpu.sem_alloc : memref<!tpu.dma_semaphore, #tpu.memory_space<semaphore_mem>>
        %dma_start3A_1066 = tpu.memref_slice %arg6[%mul3A_1065] : memref<33554432xf32, #tpu.memory_space<hbm>> -> memref<1024xf32, #tpu.memory_space<hbm>>
        %dma_start3A_1067 = arith.constant 28672 : i32
        %dma_start3A_1068 = tpu.memref_slice %arg3[%dma_start3A_1067] : memref<65536xf32, #tpu.memory_space<hbm>> -> memref<1024xf32, #tpu.memory_space<hbm>>
        tpu.enqueue_dma source(%dma_start3A_1068 : memref<1024xf32, #tpu.memory_space<hbm>>) target(%dma_start3A_1066 : memref<1024xf32, #tpu.memory_space<hbm>>) target_semaphore(%run_scoped3A : memref<!tpu.dma_semaphore, #tpu.memory_space<semaphore_mem>>)
        %dma_wait3A_1069 = tpu.memref_slice %arg6[%mul3A_1065] : memref<33554432xf32, #tpu.memory_space<hbm>> -> memref<1024xf32, #tpu.memory_space<hbm>>
        %dma_wait3A_1070 = arith.constant 28672 : i32
        %dma_wait3A_1071 = tpu.memref_slice %arg3[%dma_wait3A_1070] : memref<65536xf32, #tpu.memory_space<hbm>> -> memref<1024xf32, #tpu.memory_space<hbm>>
        tpu.wait_dma2 semaphore(%run_scoped3A : memref<!tpu.dma_semaphore, #tpu.memory_space<semaphore_mem>>) src(%dma_wait3A_1071 : memref<1024xf32, #tpu.memory_space<hbm>>) dst(%dma_wait3A_1069 : memref<1024xf32, #tpu.memory_space<hbm>>)
        tpu.yield
      }) : () -> ()
    } else {
    }
    %add3A_523 = arith.constant 12288 : i32
    %add3A_524 = arith.addi %add3A_523, %squeeze3A_445 : i32
    %add3A_525 = arith.constant 5 : i32
    %add3A_526 = arith.addi %add3A_524, %add3A_525 : i32
    %gt3A_527 = arith.constant 5 : i32
    %gt3A_528 = arith.cmpi sgt, %squeeze3A_447, %gt3A_527 : i32
    %ge3A_529 = arith.cmpi sge, %add3A_526, %mul3A_6 : i32
    %and3A_530 = arith.andi %gt3A_528, %ge3A_529 : i1
    %add3A_531 = arith.constant 1024 : i32
    %add3A_532 = arith.addi %mul3A_6, %add3A_531 : i32
    %lt3A_533 = arith.cmpi slt, %add3A_526, %add3A_532 : i32
    %and3A_534 = arith.andi %and3A_530, %lt3A_533 : i1
    %convert_element_type3A_535 = arith.extui %and3A_534 : i1 to i32
    %cond3A_536 = arith.constant 0 : i32
    %cond3A_537 = arith.cmpi ne, %convert_element_type3A_535, %cond3A_536 : i32
    scf.if %cond3A_537 {
      %mul3A_1064 = arith.constant 1024 : i32
      %mul3A_1065 = arith.muli %add3A_526, %mul3A_1064 : i32
      "tpu.region"() ({
        %run_scoped3A = tpu.sem_alloc : memref<!tpu.dma_semaphore, #tpu.memory_space<semaphore_mem>>
        %dma_start3A_1066 = tpu.memref_slice %arg6[%mul3A_1065] : memref<33554432xf32, #tpu.memory_space<hbm>> -> memref<1024xf32, #tpu.memory_space<hbm>>
        %dma_start3A_1067 = arith.constant 29696 : i32
        %dma_start3A_1068 = tpu.memref_slice %arg3[%dma_start3A_1067] : memref<65536xf32, #tpu.memory_space<hbm>> -> memref<1024xf32, #tpu.memory_space<hbm>>
        tpu.enqueue_dma source(%dma_start3A_1068 : memref<1024xf32, #tpu.memory_space<hbm>>) target(%dma_start3A_1066 : memref<1024xf32, #tpu.memory_space<hbm>>) target_semaphore(%run_scoped3A : memref<!tpu.dma_semaphore, #tpu.memory_space<semaphore_mem>>)
        %dma_wait3A_1069 = tpu.memref_slice %arg6[%mul3A_1065] : memref<33554432xf32, #tpu.memory_space<hbm>> -> memref<1024xf32, #tpu.memory_space<hbm>>
        %dma_wait3A_1070 = arith.constant 29696 : i32
        %dma_wait3A_1071 = tpu.memref_slice %arg3[%dma_wait3A_1070] : memref<65536xf32, #tpu.memory_space<hbm>> -> memref<1024xf32, #tpu.memory_space<hbm>>
        tpu.wait_dma2 semaphore(%run_scoped3A : memref<!tpu.dma_semaphore, #tpu.memory_space<semaphore_mem>>) src(%dma_wait3A_1071 : memref<1024xf32, #tpu.memory_space<hbm>>) dst(%dma_wait3A_1069 : memref<1024xf32, #tpu.memory_space<hbm>>)
        tpu.yield
      }) : () -> ()
    } else {
    }
    %add3A_538 = arith.constant 12288 : i32
    %add3A_539 = arith.addi %add3A_538, %squeeze3A_445 : i32
    %add3A_540 = arith.constant 6 : i32
    %add3A_541 = arith.addi %add3A_539, %add3A_540 : i32
    %gt3A_542 = arith.constant 6 : i32
    %gt3A_543 = arith.cmpi sgt, %squeeze3A_447, %gt3A_542 : i32
    %ge3A_544 = arith.cmpi sge, %add3A_541, %mul3A_6 : i32
    %and3A_545 = arith.andi %gt3A_543, %ge3A_544 : i1
    %add3A_546 = arith.constant 1024 : i32
    %add3A_547 = arith.addi %mul3A_6, %add3A_546 : i32
    %lt3A_548 = arith.cmpi slt, %add3A_541, %add3A_547 : i32
    %and3A_549 = arith.andi %and3A_545, %lt3A_548 : i1
    %convert_element_type3A_550 = arith.extui %and3A_549 : i1 to i32
    %cond3A_551 = arith.constant 0 : i32
    %cond3A_552 = arith.cmpi ne, %convert_element_type3A_550, %cond3A_551 : i32
    scf.if %cond3A_552 {
      %mul3A_1064 = arith.constant 1024 : i32
      %mul3A_1065 = arith.muli %add3A_541, %mul3A_1064 : i32
      "tpu.region"() ({
        %run_scoped3A = tpu.sem_alloc : memref<!tpu.dma_semaphore, #tpu.memory_space<semaphore_mem>>
        %dma_start3A_1066 = tpu.memref_slice %arg6[%mul3A_1065] : memref<33554432xf32, #tpu.memory_space<hbm>> -> memref<1024xf32, #tpu.memory_space<hbm>>
        %dma_start3A_1067 = arith.constant 30720 : i32
        %dma_start3A_1068 = tpu.memref_slice %arg3[%dma_start3A_1067] : memref<65536xf32, #tpu.memory_space<hbm>> -> memref<1024xf32, #tpu.memory_space<hbm>>
        tpu.enqueue_dma source(%dma_start3A_1068 : memref<1024xf32, #tpu.memory_space<hbm>>) target(%dma_start3A_1066 : memref<1024xf32, #tpu.memory_space<hbm>>) target_semaphore(%run_scoped3A : memref<!tpu.dma_semaphore, #tpu.memory_space<semaphore_mem>>)
        %dma_wait3A_1069 = tpu.memref_slice %arg6[%mul3A_1065] : memref<33554432xf32, #tpu.memory_space<hbm>> -> memref<1024xf32, #tpu.memory_space<hbm>>
        %dma_wait3A_1070 = arith.constant 30720 : i32
        %dma_wait3A_1071 = tpu.memref_slice %arg3[%dma_wait3A_1070] : memref<65536xf32, #tpu.memory_space<hbm>> -> memref<1024xf32, #tpu.memory_space<hbm>>
        tpu.wait_dma2 semaphore(%run_scoped3A : memref<!tpu.dma_semaphore, #tpu.memory_space<semaphore_mem>>) src(%dma_wait3A_1071 : memref<1024xf32, #tpu.memory_space<hbm>>) dst(%dma_wait3A_1069 : memref<1024xf32, #tpu.memory_space<hbm>>)
        tpu.yield
      }) : () -> ()
    } else {
    }
    %add3A_553 = arith.constant 12288 : i32
    %add3A_554 = arith.addi %add3A_553, %squeeze3A_445 : i32
    %add3A_555 = arith.constant 7 : i32
    %add3A_556 = arith.addi %add3A_554, %add3A_555 : i32
    %gt3A_557 = arith.constant 7 : i32
    %gt3A_558 = arith.cmpi sgt, %squeeze3A_447, %gt3A_557 : i32
    %ge3A_559 = arith.cmpi sge, %add3A_556, %mul3A_6 : i32
    %and3A_560 = arith.andi %gt3A_558, %ge3A_559 : i1
    %add3A_561 = arith.constant 1024 : i32
    %add3A_562 = arith.addi %mul3A_6, %add3A_561 : i32
    %lt3A_563 = arith.cmpi slt, %add3A_556, %add3A_562 : i32
    %and3A_564 = arith.andi %and3A_560, %lt3A_563 : i1
    %convert_element_type3A_565 = arith.extui %and3A_564 : i1 to i32
    %cond3A_566 = arith.constant 0 : i32
    %cond3A_567 = arith.cmpi ne, %convert_element_type3A_565, %cond3A_566 : i32
    scf.if %cond3A_567 {
      %mul3A_1064 = arith.constant 1024 : i32
      %mul3A_1065 = arith.muli %add3A_556, %mul3A_1064 : i32
      "tpu.region"() ({
        %run_scoped3A = tpu.sem_alloc : memref<!tpu.dma_semaphore, #tpu.memory_space<semaphore_mem>>
        %dma_start3A_1066 = tpu.memref_slice %arg6[%mul3A_1065] : memref<33554432xf32, #tpu.memory_space<hbm>> -> memref<1024xf32, #tpu.memory_space<hbm>>
        %dma_start3A_1067 = arith.constant 31744 : i32
        %dma_start3A_1068 = tpu.memref_slice %arg3[%dma_start3A_1067] : memref<65536xf32, #tpu.memory_space<hbm>> -> memref<1024xf32, #tpu.memory_space<hbm>>
        tpu.enqueue_dma source(%dma_start3A_1068 : memref<1024xf32, #tpu.memory_space<hbm>>) target(%dma_start3A_1066 : memref<1024xf32, #tpu.memory_space<hbm>>) target_semaphore(%run_scoped3A : memref<!tpu.dma_semaphore, #tpu.memory_space<semaphore_mem>>)
        %dma_wait3A_1069 = tpu.memref_slice %arg6[%mul3A_1065] : memref<33554432xf32, #tpu.memory_space<hbm>> -> memref<1024xf32, #tpu.memory_space<hbm>>
        %dma_wait3A_1070 = arith.constant 31744 : i32
        %dma_wait3A_1071 = tpu.memref_slice %arg3[%dma_wait3A_1070] : memref<65536xf32, #tpu.memory_space<hbm>> -> memref<1024xf32, #tpu.memory_space<hbm>>
        tpu.wait_dma2 semaphore(%run_scoped3A : memref<!tpu.dma_semaphore, #tpu.memory_space<semaphore_mem>>) src(%dma_wait3A_1071 : memref<1024xf32, #tpu.memory_space<hbm>>) dst(%dma_wait3A_1069 : memref<1024xf32, #tpu.memory_space<hbm>>)
        tpu.yield
      }) : () -> ()
    } else {
    }
    %slice3A_568 = vector.extract_strided_slice %get3A_76 {offsets = [4], sizes = [1], strides = [1]} : vector<16xi32> to vector<1xi32>
    %squeeze3A_569 = vector.extract %slice3A_568[0] : i32 from vector<1xi32>
    %slice3A_570 = vector.extract_strided_slice %get3A_79 {offsets = [4], sizes = [1], strides = [1]} : vector<16xi32> to vector<1xi32>
    %squeeze3A_571 = vector.extract %slice3A_570[0] : i32 from vector<1xi32>
    %add3A_572 = arith.constant 16384 : i32
    %add3A_573 = arith.addi %add3A_572, %squeeze3A_569 : i32
    %add3A_574 = arith.constant 0 : i32
    %add3A_575 = arith.addi %add3A_573, %add3A_574 : i32
    %gt3A_576 = arith.constant 0 : i32
    %gt3A_577 = arith.cmpi sgt, %squeeze3A_571, %gt3A_576 : i32
    %ge3A_578 = arith.cmpi sge, %add3A_575, %mul3A_6 : i32
    %and3A_579 = arith.andi %gt3A_577, %ge3A_578 : i1
    %add3A_580 = arith.constant 1024 : i32
    %add3A_581 = arith.addi %mul3A_6, %add3A_580 : i32
    %lt3A_582 = arith.cmpi slt, %add3A_575, %add3A_581 : i32
    %and3A_583 = arith.andi %and3A_579, %lt3A_582 : i1
    %convert_element_type3A_584 = arith.extui %and3A_583 : i1 to i32
    %cond3A_585 = arith.constant 0 : i32
    %cond3A_586 = arith.cmpi ne, %convert_element_type3A_584, %cond3A_585 : i32
    scf.if %cond3A_586 {
      %mul3A_1064 = arith.constant 1024 : i32
      %mul3A_1065 = arith.muli %add3A_575, %mul3A_1064 : i32
      "tpu.region"() ({
        %run_scoped3A = tpu.sem_alloc : memref<!tpu.dma_semaphore, #tpu.memory_space<semaphore_mem>>
        %dma_start3A_1066 = tpu.memref_slice %arg6[%mul3A_1065] : memref<33554432xf32, #tpu.memory_space<hbm>> -> memref<1024xf32, #tpu.memory_space<hbm>>
        %dma_start3A_1067 = arith.constant 32768 : i32
        %dma_start3A_1068 = tpu.memref_slice %arg3[%dma_start3A_1067] : memref<65536xf32, #tpu.memory_space<hbm>> -> memref<1024xf32, #tpu.memory_space<hbm>>
        tpu.enqueue_dma source(%dma_start3A_1068 : memref<1024xf32, #tpu.memory_space<hbm>>) target(%dma_start3A_1066 : memref<1024xf32, #tpu.memory_space<hbm>>) target_semaphore(%run_scoped3A : memref<!tpu.dma_semaphore, #tpu.memory_space<semaphore_mem>>)
        %dma_wait3A_1069 = tpu.memref_slice %arg6[%mul3A_1065] : memref<33554432xf32, #tpu.memory_space<hbm>> -> memref<1024xf32, #tpu.memory_space<hbm>>
        %dma_wait3A_1070 = arith.constant 32768 : i32
        %dma_wait3A_1071 = tpu.memref_slice %arg3[%dma_wait3A_1070] : memref<65536xf32, #tpu.memory_space<hbm>> -> memref<1024xf32, #tpu.memory_space<hbm>>
        tpu.wait_dma2 semaphore(%run_scoped3A : memref<!tpu.dma_semaphore, #tpu.memory_space<semaphore_mem>>) src(%dma_wait3A_1071 : memref<1024xf32, #tpu.memory_space<hbm>>) dst(%dma_wait3A_1069 : memref<1024xf32, #tpu.memory_space<hbm>>)
        tpu.yield
      }) : () -> ()
    } else {
    }
    %add3A_587 = arith.constant 16384 : i32
    %add3A_588 = arith.addi %add3A_587, %squeeze3A_569 : i32
    %add3A_589 = arith.constant 1 : i32
    %add3A_590 = arith.addi %add3A_588, %add3A_589 : i32
    %gt3A_591 = arith.constant 1 : i32
    %gt3A_592 = arith.cmpi sgt, %squeeze3A_571, %gt3A_591 : i32
    %ge3A_593 = arith.cmpi sge, %add3A_590, %mul3A_6 : i32
    %and3A_594 = arith.andi %gt3A_592, %ge3A_593 : i1
    %add3A_595 = arith.constant 1024 : i32
    %add3A_596 = arith.addi %mul3A_6, %add3A_595 : i32
    %lt3A_597 = arith.cmpi slt, %add3A_590, %add3A_596 : i32
    %and3A_598 = arith.andi %and3A_594, %lt3A_597 : i1
    %convert_element_type3A_599 = arith.extui %and3A_598 : i1 to i32
    %cond3A_600 = arith.constant 0 : i32
    %cond3A_601 = arith.cmpi ne, %convert_element_type3A_599, %cond3A_600 : i32
    scf.if %cond3A_601 {
      %mul3A_1064 = arith.constant 1024 : i32
      %mul3A_1065 = arith.muli %add3A_590, %mul3A_1064 : i32
      "tpu.region"() ({
        %run_scoped3A = tpu.sem_alloc : memref<!tpu.dma_semaphore, #tpu.memory_space<semaphore_mem>>
        %dma_start3A_1066 = tpu.memref_slice %arg6[%mul3A_1065] : memref<33554432xf32, #tpu.memory_space<hbm>> -> memref<1024xf32, #tpu.memory_space<hbm>>
        %dma_start3A_1067 = arith.constant 33792 : i32
        %dma_start3A_1068 = tpu.memref_slice %arg3[%dma_start3A_1067] : memref<65536xf32, #tpu.memory_space<hbm>> -> memref<1024xf32, #tpu.memory_space<hbm>>
        tpu.enqueue_dma source(%dma_start3A_1068 : memref<1024xf32, #tpu.memory_space<hbm>>) target(%dma_start3A_1066 : memref<1024xf32, #tpu.memory_space<hbm>>) target_semaphore(%run_scoped3A : memref<!tpu.dma_semaphore, #tpu.memory_space<semaphore_mem>>)
        %dma_wait3A_1069 = tpu.memref_slice %arg6[%mul3A_1065] : memref<33554432xf32, #tpu.memory_space<hbm>> -> memref<1024xf32, #tpu.memory_space<hbm>>
        %dma_wait3A_1070 = arith.constant 33792 : i32
        %dma_wait3A_1071 = tpu.memref_slice %arg3[%dma_wait3A_1070] : memref<65536xf32, #tpu.memory_space<hbm>> -> memref<1024xf32, #tpu.memory_space<hbm>>
        tpu.wait_dma2 semaphore(%run_scoped3A : memref<!tpu.dma_semaphore, #tpu.memory_space<semaphore_mem>>) src(%dma_wait3A_1071 : memref<1024xf32, #tpu.memory_space<hbm>>) dst(%dma_wait3A_1069 : memref<1024xf32, #tpu.memory_space<hbm>>)
        tpu.yield
      }) : () -> ()
    } else {
    }
    %add3A_602 = arith.constant 16384 : i32
    %add3A_603 = arith.addi %add3A_602, %squeeze3A_569 : i32
    %add3A_604 = arith.constant 2 : i32
    %add3A_605 = arith.addi %add3A_603, %add3A_604 : i32
    %gt3A_606 = arith.constant 2 : i32
    %gt3A_607 = arith.cmpi sgt, %squeeze3A_571, %gt3A_606 : i32
    %ge3A_608 = arith.cmpi sge, %add3A_605, %mul3A_6 : i32
    %and3A_609 = arith.andi %gt3A_607, %ge3A_608 : i1
    %add3A_610 = arith.constant 1024 : i32
    %add3A_611 = arith.addi %mul3A_6, %add3A_610 : i32
    %lt3A_612 = arith.cmpi slt, %add3A_605, %add3A_611 : i32
    %and3A_613 = arith.andi %and3A_609, %lt3A_612 : i1
    %convert_element_type3A_614 = arith.extui %and3A_613 : i1 to i32
    %cond3A_615 = arith.constant 0 : i32
    %cond3A_616 = arith.cmpi ne, %convert_element_type3A_614, %cond3A_615 : i32
    scf.if %cond3A_616 {
      %mul3A_1064 = arith.constant 1024 : i32
      %mul3A_1065 = arith.muli %add3A_605, %mul3A_1064 : i32
      "tpu.region"() ({
        %run_scoped3A = tpu.sem_alloc : memref<!tpu.dma_semaphore, #tpu.memory_space<semaphore_mem>>
        %dma_start3A_1066 = tpu.memref_slice %arg6[%mul3A_1065] : memref<33554432xf32, #tpu.memory_space<hbm>> -> memref<1024xf32, #tpu.memory_space<hbm>>
        %dma_start3A_1067 = arith.constant 34816 : i32
        %dma_start3A_1068 = tpu.memref_slice %arg3[%dma_start3A_1067] : memref<65536xf32, #tpu.memory_space<hbm>> -> memref<1024xf32, #tpu.memory_space<hbm>>
        tpu.enqueue_dma source(%dma_start3A_1068 : memref<1024xf32, #tpu.memory_space<hbm>>) target(%dma_start3A_1066 : memref<1024xf32, #tpu.memory_space<hbm>>) target_semaphore(%run_scoped3A : memref<!tpu.dma_semaphore, #tpu.memory_space<semaphore_mem>>)
        %dma_wait3A_1069 = tpu.memref_slice %arg6[%mul3A_1065] : memref<33554432xf32, #tpu.memory_space<hbm>> -> memref<1024xf32, #tpu.memory_space<hbm>>
        %dma_wait3A_1070 = arith.constant 34816 : i32
        %dma_wait3A_1071 = tpu.memref_slice %arg3[%dma_wait3A_1070] : memref<65536xf32, #tpu.memory_space<hbm>> -> memref<1024xf32, #tpu.memory_space<hbm>>
        tpu.wait_dma2 semaphore(%run_scoped3A : memref<!tpu.dma_semaphore, #tpu.memory_space<semaphore_mem>>) src(%dma_wait3A_1071 : memref<1024xf32, #tpu.memory_space<hbm>>) dst(%dma_wait3A_1069 : memref<1024xf32, #tpu.memory_space<hbm>>)
        tpu.yield
      }) : () -> ()
    } else {
    }
    %add3A_617 = arith.constant 16384 : i32
    %add3A_618 = arith.addi %add3A_617, %squeeze3A_569 : i32
    %add3A_619 = arith.constant 3 : i32
    %add3A_620 = arith.addi %add3A_618, %add3A_619 : i32
    %gt3A_621 = arith.constant 3 : i32
    %gt3A_622 = arith.cmpi sgt, %squeeze3A_571, %gt3A_621 : i32
    %ge3A_623 = arith.cmpi sge, %add3A_620, %mul3A_6 : i32
    %and3A_624 = arith.andi %gt3A_622, %ge3A_623 : i1
    %add3A_625 = arith.constant 1024 : i32
    %add3A_626 = arith.addi %mul3A_6, %add3A_625 : i32
    %lt3A_627 = arith.cmpi slt, %add3A_620, %add3A_626 : i32
    %and3A_628 = arith.andi %and3A_624, %lt3A_627 : i1
    %convert_element_type3A_629 = arith.extui %and3A_628 : i1 to i32
    %cond3A_630 = arith.constant 0 : i32
    %cond3A_631 = arith.cmpi ne, %convert_element_type3A_629, %cond3A_630 : i32
    scf.if %cond3A_631 {
      %mul3A_1064 = arith.constant 1024 : i32
      %mul3A_1065 = arith.muli %add3A_620, %mul3A_1064 : i32
      "tpu.region"() ({
        %run_scoped3A = tpu.sem_alloc : memref<!tpu.dma_semaphore, #tpu.memory_space<semaphore_mem>>
        %dma_start3A_1066 = tpu.memref_slice %arg6[%mul3A_1065] : memref<33554432xf32, #tpu.memory_space<hbm>> -> memref<1024xf32, #tpu.memory_space<hbm>>
        %dma_start3A_1067 = arith.constant 35840 : i32
        %dma_start3A_1068 = tpu.memref_slice %arg3[%dma_start3A_1067] : memref<65536xf32, #tpu.memory_space<hbm>> -> memref<1024xf32, #tpu.memory_space<hbm>>
        tpu.enqueue_dma source(%dma_start3A_1068 : memref<1024xf32, #tpu.memory_space<hbm>>) target(%dma_start3A_1066 : memref<1024xf32, #tpu.memory_space<hbm>>) target_semaphore(%run_scoped3A : memref<!tpu.dma_semaphore, #tpu.memory_space<semaphore_mem>>)
        %dma_wait3A_1069 = tpu.memref_slice %arg6[%mul3A_1065] : memref<33554432xf32, #tpu.memory_space<hbm>> -> memref<1024xf32, #tpu.memory_space<hbm>>
        %dma_wait3A_1070 = arith.constant 35840 : i32
        %dma_wait3A_1071 = tpu.memref_slice %arg3[%dma_wait3A_1070] : memref<65536xf32, #tpu.memory_space<hbm>> -> memref<1024xf32, #tpu.memory_space<hbm>>
        tpu.wait_dma2 semaphore(%run_scoped3A : memref<!tpu.dma_semaphore, #tpu.memory_space<semaphore_mem>>) src(%dma_wait3A_1071 : memref<1024xf32, #tpu.memory_space<hbm>>) dst(%dma_wait3A_1069 : memref<1024xf32, #tpu.memory_space<hbm>>)
        tpu.yield
      }) : () -> ()
    } else {
    }
    %add3A_632 = arith.constant 16384 : i32
    %add3A_633 = arith.addi %add3A_632, %squeeze3A_569 : i32
    %add3A_634 = arith.constant 4 : i32
    %add3A_635 = arith.addi %add3A_633, %add3A_634 : i32
    %gt3A_636 = arith.constant 4 : i32
    %gt3A_637 = arith.cmpi sgt, %squeeze3A_571, %gt3A_636 : i32
    %ge3A_638 = arith.cmpi sge, %add3A_635, %mul3A_6 : i32
    %and3A_639 = arith.andi %gt3A_637, %ge3A_638 : i1
    %add3A_640 = arith.constant 1024 : i32
    %add3A_641 = arith.addi %mul3A_6, %add3A_640 : i32
    %lt3A_642 = arith.cmpi slt, %add3A_635, %add3A_641 : i32
    %and3A_643 = arith.andi %and3A_639, %lt3A_642 : i1
    %convert_element_type3A_644 = arith.extui %and3A_643 : i1 to i32
    %cond3A_645 = arith.constant 0 : i32
    %cond3A_646 = arith.cmpi ne, %convert_element_type3A_644, %cond3A_645 : i32
    scf.if %cond3A_646 {
      %mul3A_1064 = arith.constant 1024 : i32
      %mul3A_1065 = arith.muli %add3A_635, %mul3A_1064 : i32
      "tpu.region"() ({
        %run_scoped3A = tpu.sem_alloc : memref<!tpu.dma_semaphore, #tpu.memory_space<semaphore_mem>>
        %dma_start3A_1066 = tpu.memref_slice %arg6[%mul3A_1065] : memref<33554432xf32, #tpu.memory_space<hbm>> -> memref<1024xf32, #tpu.memory_space<hbm>>
        %dma_start3A_1067 = arith.constant 36864 : i32
        %dma_start3A_1068 = tpu.memref_slice %arg3[%dma_start3A_1067] : memref<65536xf32, #tpu.memory_space<hbm>> -> memref<1024xf32, #tpu.memory_space<hbm>>
        tpu.enqueue_dma source(%dma_start3A_1068 : memref<1024xf32, #tpu.memory_space<hbm>>) target(%dma_start3A_1066 : memref<1024xf32, #tpu.memory_space<hbm>>) target_semaphore(%run_scoped3A : memref<!tpu.dma_semaphore, #tpu.memory_space<semaphore_mem>>)
        %dma_wait3A_1069 = tpu.memref_slice %arg6[%mul3A_1065] : memref<33554432xf32, #tpu.memory_space<hbm>> -> memref<1024xf32, #tpu.memory_space<hbm>>
        %dma_wait3A_1070 = arith.constant 36864 : i32
        %dma_wait3A_1071 = tpu.memref_slice %arg3[%dma_wait3A_1070] : memref<65536xf32, #tpu.memory_space<hbm>> -> memref<1024xf32, #tpu.memory_space<hbm>>
        tpu.wait_dma2 semaphore(%run_scoped3A : memref<!tpu.dma_semaphore, #tpu.memory_space<semaphore_mem>>) src(%dma_wait3A_1071 : memref<1024xf32, #tpu.memory_space<hbm>>) dst(%dma_wait3A_1069 : memref<1024xf32, #tpu.memory_space<hbm>>)
        tpu.yield
      }) : () -> ()
    } else {
    }
    %add3A_647 = arith.constant 16384 : i32
    %add3A_648 = arith.addi %add3A_647, %squeeze3A_569 : i32
    %add3A_649 = arith.constant 5 : i32
    %add3A_650 = arith.addi %add3A_648, %add3A_649 : i32
    %gt3A_651 = arith.constant 5 : i32
    %gt3A_652 = arith.cmpi sgt, %squeeze3A_571, %gt3A_651 : i32
    %ge3A_653 = arith.cmpi sge, %add3A_650, %mul3A_6 : i32
    %and3A_654 = arith.andi %gt3A_652, %ge3A_653 : i1
    %add3A_655 = arith.constant 1024 : i32
    %add3A_656 = arith.addi %mul3A_6, %add3A_655 : i32
    %lt3A_657 = arith.cmpi slt, %add3A_650, %add3A_656 : i32
    %and3A_658 = arith.andi %and3A_654, %lt3A_657 : i1
    %convert_element_type3A_659 = arith.extui %and3A_658 : i1 to i32
    %cond3A_660 = arith.constant 0 : i32
    %cond3A_661 = arith.cmpi ne, %convert_element_type3A_659, %cond3A_660 : i32
    scf.if %cond3A_661 {
      %mul3A_1064 = arith.constant 1024 : i32
      %mul3A_1065 = arith.muli %add3A_650, %mul3A_1064 : i32
      "tpu.region"() ({
        %run_scoped3A = tpu.sem_alloc : memref<!tpu.dma_semaphore, #tpu.memory_space<semaphore_mem>>
        %dma_start3A_1066 = tpu.memref_slice %arg6[%mul3A_1065] : memref<33554432xf32, #tpu.memory_space<hbm>> -> memref<1024xf32, #tpu.memory_space<hbm>>
        %dma_start3A_1067 = arith.constant 37888 : i32
        %dma_start3A_1068 = tpu.memref_slice %arg3[%dma_start3A_1067] : memref<65536xf32, #tpu.memory_space<hbm>> -> memref<1024xf32, #tpu.memory_space<hbm>>
        tpu.enqueue_dma source(%dma_start3A_1068 : memref<1024xf32, #tpu.memory_space<hbm>>) target(%dma_start3A_1066 : memref<1024xf32, #tpu.memory_space<hbm>>) target_semaphore(%run_scoped3A : memref<!tpu.dma_semaphore, #tpu.memory_space<semaphore_mem>>)
        %dma_wait3A_1069 = tpu.memref_slice %arg6[%mul3A_1065] : memref<33554432xf32, #tpu.memory_space<hbm>> -> memref<1024xf32, #tpu.memory_space<hbm>>
        %dma_wait3A_1070 = arith.constant 37888 : i32
        %dma_wait3A_1071 = tpu.memref_slice %arg3[%dma_wait3A_1070] : memref<65536xf32, #tpu.memory_space<hbm>> -> memref<1024xf32, #tpu.memory_space<hbm>>
        tpu.wait_dma2 semaphore(%run_scoped3A : memref<!tpu.dma_semaphore, #tpu.memory_space<semaphore_mem>>) src(%dma_wait3A_1071 : memref<1024xf32, #tpu.memory_space<hbm>>) dst(%dma_wait3A_1069 : memref<1024xf32, #tpu.memory_space<hbm>>)
        tpu.yield
      }) : () -> ()
    } else {
    }
    %add3A_662 = arith.constant 16384 : i32
    %add3A_663 = arith.addi %add3A_662, %squeeze3A_569 : i32
    %add3A_664 = arith.constant 6 : i32
    %add3A_665 = arith.addi %add3A_663, %add3A_664 : i32
    %gt3A_666 = arith.constant 6 : i32
    %gt3A_667 = arith.cmpi sgt, %squeeze3A_571, %gt3A_666 : i32
    %ge3A_668 = arith.cmpi sge, %add3A_665, %mul3A_6 : i32
    %and3A_669 = arith.andi %gt3A_667, %ge3A_668 : i1
    %add3A_670 = arith.constant 1024 : i32
    %add3A_671 = arith.addi %mul3A_6, %add3A_670 : i32
    %lt3A_672 = arith.cmpi slt, %add3A_665, %add3A_671 : i32
    %and3A_673 = arith.andi %and3A_669, %lt3A_672 : i1
    %convert_element_type3A_674 = arith.extui %and3A_673 : i1 to i32
    %cond3A_675 = arith.constant 0 : i32
    %cond3A_676 = arith.cmpi ne, %convert_element_type3A_674, %cond3A_675 : i32
    scf.if %cond3A_676 {
      %mul3A_1064 = arith.constant 1024 : i32
      %mul3A_1065 = arith.muli %add3A_665, %mul3A_1064 : i32
      "tpu.region"() ({
        %run_scoped3A = tpu.sem_alloc : memref<!tpu.dma_semaphore, #tpu.memory_space<semaphore_mem>>
        %dma_start3A_1066 = tpu.memref_slice %arg6[%mul3A_1065] : memref<33554432xf32, #tpu.memory_space<hbm>> -> memref<1024xf32, #tpu.memory_space<hbm>>
        %dma_start3A_1067 = arith.constant 38912 : i32
        %dma_start3A_1068 = tpu.memref_slice %arg3[%dma_start3A_1067] : memref<65536xf32, #tpu.memory_space<hbm>> -> memref<1024xf32, #tpu.memory_space<hbm>>
        tpu.enqueue_dma source(%dma_start3A_1068 : memref<1024xf32, #tpu.memory_space<hbm>>) target(%dma_start3A_1066 : memref<1024xf32, #tpu.memory_space<hbm>>) target_semaphore(%run_scoped3A : memref<!tpu.dma_semaphore, #tpu.memory_space<semaphore_mem>>)
        %dma_wait3A_1069 = tpu.memref_slice %arg6[%mul3A_1065] : memref<33554432xf32, #tpu.memory_space<hbm>> -> memref<1024xf32, #tpu.memory_space<hbm>>
        %dma_wait3A_1070 = arith.constant 38912 : i32
        %dma_wait3A_1071 = tpu.memref_slice %arg3[%dma_wait3A_1070] : memref<65536xf32, #tpu.memory_space<hbm>> -> memref<1024xf32, #tpu.memory_space<hbm>>
        tpu.wait_dma2 semaphore(%run_scoped3A : memref<!tpu.dma_semaphore, #tpu.memory_space<semaphore_mem>>) src(%dma_wait3A_1071 : memref<1024xf32, #tpu.memory_space<hbm>>) dst(%dma_wait3A_1069 : memref<1024xf32, #tpu.memory_space<hbm>>)
        tpu.yield
      }) : () -> ()
    } else {
    }
    %add3A_677 = arith.constant 16384 : i32
    %add3A_678 = arith.addi %add3A_677, %squeeze3A_569 : i32
    %add3A_679 = arith.constant 7 : i32
    %add3A_680 = arith.addi %add3A_678, %add3A_679 : i32
    %gt3A_681 = arith.constant 7 : i32
    %gt3A_682 = arith.cmpi sgt, %squeeze3A_571, %gt3A_681 : i32
    %ge3A_683 = arith.cmpi sge, %add3A_680, %mul3A_6 : i32
    %and3A_684 = arith.andi %gt3A_682, %ge3A_683 : i1
    %add3A_685 = arith.constant 1024 : i32
    %add3A_686 = arith.addi %mul3A_6, %add3A_685 : i32
    %lt3A_687 = arith.cmpi slt, %add3A_680, %add3A_686 : i32
    %and3A_688 = arith.andi %and3A_684, %lt3A_687 : i1
    %convert_element_type3A_689 = arith.extui %and3A_688 : i1 to i32
    %cond3A_690 = arith.constant 0 : i32
    %cond3A_691 = arith.cmpi ne, %convert_element_type3A_689, %cond3A_690 : i32
    scf.if %cond3A_691 {
      %mul3A_1064 = arith.constant 1024 : i32
      %mul3A_1065 = arith.muli %add3A_680, %mul3A_1064 : i32
      "tpu.region"() ({
        %run_scoped3A = tpu.sem_alloc : memref<!tpu.dma_semaphore, #tpu.memory_space<semaphore_mem>>
        %dma_start3A_1066 = tpu.memref_slice %arg6[%mul3A_1065] : memref<33554432xf32, #tpu.memory_space<hbm>> -> memref<1024xf32, #tpu.memory_space<hbm>>
        %dma_start3A_1067 = arith.constant 39936 : i32
        %dma_start3A_1068 = tpu.memref_slice %arg3[%dma_start3A_1067] : memref<65536xf32, #tpu.memory_space<hbm>> -> memref<1024xf32, #tpu.memory_space<hbm>>
        tpu.enqueue_dma source(%dma_start3A_1068 : memref<1024xf32, #tpu.memory_space<hbm>>) target(%dma_start3A_1066 : memref<1024xf32, #tpu.memory_space<hbm>>) target_semaphore(%run_scoped3A : memref<!tpu.dma_semaphore, #tpu.memory_space<semaphore_mem>>)
        %dma_wait3A_1069 = tpu.memref_slice %arg6[%mul3A_1065] : memref<33554432xf32, #tpu.memory_space<hbm>> -> memref<1024xf32, #tpu.memory_space<hbm>>
        %dma_wait3A_1070 = arith.constant 39936 : i32
        %dma_wait3A_1071 = tpu.memref_slice %arg3[%dma_wait3A_1070] : memref<65536xf32, #tpu.memory_space<hbm>> -> memref<1024xf32, #tpu.memory_space<hbm>>
        tpu.wait_dma2 semaphore(%run_scoped3A : memref<!tpu.dma_semaphore, #tpu.memory_space<semaphore_mem>>) src(%dma_wait3A_1071 : memref<1024xf32, #tpu.memory_space<hbm>>) dst(%dma_wait3A_1069 : memref<1024xf32, #tpu.memory_space<hbm>>)
        tpu.yield
      }) : () -> ()
    } else {
    }
    %slice3A_692 = vector.extract_strided_slice %get3A_76 {offsets = [5], sizes = [1], strides = [1]} : vector<16xi32> to vector<1xi32>
    %squeeze3A_693 = vector.extract %slice3A_692[0] : i32 from vector<1xi32>
    %slice3A_694 = vector.extract_strided_slice %get3A_79 {offsets = [5], sizes = [1], strides = [1]} : vector<16xi32> to vector<1xi32>
    %squeeze3A_695 = vector.extract %slice3A_694[0] : i32 from vector<1xi32>
    %add3A_696 = arith.constant 20480 : i32
    %add3A_697 = arith.addi %add3A_696, %squeeze3A_693 : i32
    %add3A_698 = arith.constant 0 : i32
    %add3A_699 = arith.addi %add3A_697, %add3A_698 : i32
    %gt3A_700 = arith.constant 0 : i32
    %gt3A_701 = arith.cmpi sgt, %squeeze3A_695, %gt3A_700 : i32
    %ge3A_702 = arith.cmpi sge, %add3A_699, %mul3A_6 : i32
    %and3A_703 = arith.andi %gt3A_701, %ge3A_702 : i1
    %add3A_704 = arith.constant 1024 : i32
    %add3A_705 = arith.addi %mul3A_6, %add3A_704 : i32
    %lt3A_706 = arith.cmpi slt, %add3A_699, %add3A_705 : i32
    %and3A_707 = arith.andi %and3A_703, %lt3A_706 : i1
    %convert_element_type3A_708 = arith.extui %and3A_707 : i1 to i32
    %cond3A_709 = arith.constant 0 : i32
    %cond3A_710 = arith.cmpi ne, %convert_element_type3A_708, %cond3A_709 : i32
    scf.if %cond3A_710 {
      %mul3A_1064 = arith.constant 1024 : i32
      %mul3A_1065 = arith.muli %add3A_699, %mul3A_1064 : i32
      "tpu.region"() ({
        %run_scoped3A = tpu.sem_alloc : memref<!tpu.dma_semaphore, #tpu.memory_space<semaphore_mem>>
        %dma_start3A_1066 = tpu.memref_slice %arg6[%mul3A_1065] : memref<33554432xf32, #tpu.memory_space<hbm>> -> memref<1024xf32, #tpu.memory_space<hbm>>
        %dma_start3A_1067 = arith.constant 40960 : i32
        %dma_start3A_1068 = tpu.memref_slice %arg3[%dma_start3A_1067] : memref<65536xf32, #tpu.memory_space<hbm>> -> memref<1024xf32, #tpu.memory_space<hbm>>
        tpu.enqueue_dma source(%dma_start3A_1068 : memref<1024xf32, #tpu.memory_space<hbm>>) target(%dma_start3A_1066 : memref<1024xf32, #tpu.memory_space<hbm>>) target_semaphore(%run_scoped3A : memref<!tpu.dma_semaphore, #tpu.memory_space<semaphore_mem>>)
        %dma_wait3A_1069 = tpu.memref_slice %arg6[%mul3A_1065] : memref<33554432xf32, #tpu.memory_space<hbm>> -> memref<1024xf32, #tpu.memory_space<hbm>>
        %dma_wait3A_1070 = arith.constant 40960 : i32
        %dma_wait3A_1071 = tpu.memref_slice %arg3[%dma_wait3A_1070] : memref<65536xf32, #tpu.memory_space<hbm>> -> memref<1024xf32, #tpu.memory_space<hbm>>
        tpu.wait_dma2 semaphore(%run_scoped3A : memref<!tpu.dma_semaphore, #tpu.memory_space<semaphore_mem>>) src(%dma_wait3A_1071 : memref<1024xf32, #tpu.memory_space<hbm>>) dst(%dma_wait3A_1069 : memref<1024xf32, #tpu.memory_space<hbm>>)
        tpu.yield
      }) : () -> ()
    } else {
    }
    %add3A_711 = arith.constant 20480 : i32
    %add3A_712 = arith.addi %add3A_711, %squeeze3A_693 : i32
    %add3A_713 = arith.constant 1 : i32
    %add3A_714 = arith.addi %add3A_712, %add3A_713 : i32
    %gt3A_715 = arith.constant 1 : i32
    %gt3A_716 = arith.cmpi sgt, %squeeze3A_695, %gt3A_715 : i32
    %ge3A_717 = arith.cmpi sge, %add3A_714, %mul3A_6 : i32
    %and3A_718 = arith.andi %gt3A_716, %ge3A_717 : i1
    %add3A_719 = arith.constant 1024 : i32
    %add3A_720 = arith.addi %mul3A_6, %add3A_719 : i32
    %lt3A_721 = arith.cmpi slt, %add3A_714, %add3A_720 : i32
    %and3A_722 = arith.andi %and3A_718, %lt3A_721 : i1
    %convert_element_type3A_723 = arith.extui %and3A_722 : i1 to i32
    %cond3A_724 = arith.constant 0 : i32
    %cond3A_725 = arith.cmpi ne, %convert_element_type3A_723, %cond3A_724 : i32
    scf.if %cond3A_725 {
      %mul3A_1064 = arith.constant 1024 : i32
      %mul3A_1065 = arith.muli %add3A_714, %mul3A_1064 : i32
      "tpu.region"() ({
        %run_scoped3A = tpu.sem_alloc : memref<!tpu.dma_semaphore, #tpu.memory_space<semaphore_mem>>
        %dma_start3A_1066 = tpu.memref_slice %arg6[%mul3A_1065] : memref<33554432xf32, #tpu.memory_space<hbm>> -> memref<1024xf32, #tpu.memory_space<hbm>>
        %dma_start3A_1067 = arith.constant 41984 : i32
        %dma_start3A_1068 = tpu.memref_slice %arg3[%dma_start3A_1067] : memref<65536xf32, #tpu.memory_space<hbm>> -> memref<1024xf32, #tpu.memory_space<hbm>>
        tpu.enqueue_dma source(%dma_start3A_1068 : memref<1024xf32, #tpu.memory_space<hbm>>) target(%dma_start3A_1066 : memref<1024xf32, #tpu.memory_space<hbm>>) target_semaphore(%run_scoped3A : memref<!tpu.dma_semaphore, #tpu.memory_space<semaphore_mem>>)
        %dma_wait3A_1069 = tpu.memref_slice %arg6[%mul3A_1065] : memref<33554432xf32, #tpu.memory_space<hbm>> -> memref<1024xf32, #tpu.memory_space<hbm>>
        %dma_wait3A_1070 = arith.constant 41984 : i32
        %dma_wait3A_1071 = tpu.memref_slice %arg3[%dma_wait3A_1070] : memref<65536xf32, #tpu.memory_space<hbm>> -> memref<1024xf32, #tpu.memory_space<hbm>>
        tpu.wait_dma2 semaphore(%run_scoped3A : memref<!tpu.dma_semaphore, #tpu.memory_space<semaphore_mem>>) src(%dma_wait3A_1071 : memref<1024xf32, #tpu.memory_space<hbm>>) dst(%dma_wait3A_1069 : memref<1024xf32, #tpu.memory_space<hbm>>)
        tpu.yield
      }) : () -> ()
    } else {
    }
    %add3A_726 = arith.constant 20480 : i32
    %add3A_727 = arith.addi %add3A_726, %squeeze3A_693 : i32
    %add3A_728 = arith.constant 2 : i32
    %add3A_729 = arith.addi %add3A_727, %add3A_728 : i32
    %gt3A_730 = arith.constant 2 : i32
    %gt3A_731 = arith.cmpi sgt, %squeeze3A_695, %gt3A_730 : i32
    %ge3A_732 = arith.cmpi sge, %add3A_729, %mul3A_6 : i32
    %and3A_733 = arith.andi %gt3A_731, %ge3A_732 : i1
    %add3A_734 = arith.constant 1024 : i32
    %add3A_735 = arith.addi %mul3A_6, %add3A_734 : i32
    %lt3A_736 = arith.cmpi slt, %add3A_729, %add3A_735 : i32
    %and3A_737 = arith.andi %and3A_733, %lt3A_736 : i1
    %convert_element_type3A_738 = arith.extui %and3A_737 : i1 to i32
    %cond3A_739 = arith.constant 0 : i32
    %cond3A_740 = arith.cmpi ne, %convert_element_type3A_738, %cond3A_739 : i32
    scf.if %cond3A_740 {
      %mul3A_1064 = arith.constant 1024 : i32
      %mul3A_1065 = arith.muli %add3A_729, %mul3A_1064 : i32
      "tpu.region"() ({
        %run_scoped3A = tpu.sem_alloc : memref<!tpu.dma_semaphore, #tpu.memory_space<semaphore_mem>>
        %dma_start3A_1066 = tpu.memref_slice %arg6[%mul3A_1065] : memref<33554432xf32, #tpu.memory_space<hbm>> -> memref<1024xf32, #tpu.memory_space<hbm>>
        %dma_start3A_1067 = arith.constant 43008 : i32
        %dma_start3A_1068 = tpu.memref_slice %arg3[%dma_start3A_1067] : memref<65536xf32, #tpu.memory_space<hbm>> -> memref<1024xf32, #tpu.memory_space<hbm>>
        tpu.enqueue_dma source(%dma_start3A_1068 : memref<1024xf32, #tpu.memory_space<hbm>>) target(%dma_start3A_1066 : memref<1024xf32, #tpu.memory_space<hbm>>) target_semaphore(%run_scoped3A : memref<!tpu.dma_semaphore, #tpu.memory_space<semaphore_mem>>)
        %dma_wait3A_1069 = tpu.memref_slice %arg6[%mul3A_1065] : memref<33554432xf32, #tpu.memory_space<hbm>> -> memref<1024xf32, #tpu.memory_space<hbm>>
        %dma_wait3A_1070 = arith.constant 43008 : i32
        %dma_wait3A_1071 = tpu.memref_slice %arg3[%dma_wait3A_1070] : memref<65536xf32, #tpu.memory_space<hbm>> -> memref<1024xf32, #tpu.memory_space<hbm>>
        tpu.wait_dma2 semaphore(%run_scoped3A : memref<!tpu.dma_semaphore, #tpu.memory_space<semaphore_mem>>) src(%dma_wait3A_1071 : memref<1024xf32, #tpu.memory_space<hbm>>) dst(%dma_wait3A_1069 : memref<1024xf32, #tpu.memory_space<hbm>>)
        tpu.yield
      }) : () -> ()
    } else {
    }
    %add3A_741 = arith.constant 20480 : i32
    %add3A_742 = arith.addi %add3A_741, %squeeze3A_693 : i32
    %add3A_743 = arith.constant 3 : i32
    %add3A_744 = arith.addi %add3A_742, %add3A_743 : i32
    %gt3A_745 = arith.constant 3 : i32
    %gt3A_746 = arith.cmpi sgt, %squeeze3A_695, %gt3A_745 : i32
    %ge3A_747 = arith.cmpi sge, %add3A_744, %mul3A_6 : i32
    %and3A_748 = arith.andi %gt3A_746, %ge3A_747 : i1
    %add3A_749 = arith.constant 1024 : i32
    %add3A_750 = arith.addi %mul3A_6, %add3A_749 : i32
    %lt3A_751 = arith.cmpi slt, %add3A_744, %add3A_750 : i32
    %and3A_752 = arith.andi %and3A_748, %lt3A_751 : i1
    %convert_element_type3A_753 = arith.extui %and3A_752 : i1 to i32
    %cond3A_754 = arith.constant 0 : i32
    %cond3A_755 = arith.cmpi ne, %convert_element_type3A_753, %cond3A_754 : i32
    scf.if %cond3A_755 {
      %mul3A_1064 = arith.constant 1024 : i32
      %mul3A_1065 = arith.muli %add3A_744, %mul3A_1064 : i32
      "tpu.region"() ({
        %run_scoped3A = tpu.sem_alloc : memref<!tpu.dma_semaphore, #tpu.memory_space<semaphore_mem>>
        %dma_start3A_1066 = tpu.memref_slice %arg6[%mul3A_1065] : memref<33554432xf32, #tpu.memory_space<hbm>> -> memref<1024xf32, #tpu.memory_space<hbm>>
        %dma_start3A_1067 = arith.constant 44032 : i32
        %dma_start3A_1068 = tpu.memref_slice %arg3[%dma_start3A_1067] : memref<65536xf32, #tpu.memory_space<hbm>> -> memref<1024xf32, #tpu.memory_space<hbm>>
        tpu.enqueue_dma source(%dma_start3A_1068 : memref<1024xf32, #tpu.memory_space<hbm>>) target(%dma_start3A_1066 : memref<1024xf32, #tpu.memory_space<hbm>>) target_semaphore(%run_scoped3A : memref<!tpu.dma_semaphore, #tpu.memory_space<semaphore_mem>>)
        %dma_wait3A_1069 = tpu.memref_slice %arg6[%mul3A_1065] : memref<33554432xf32, #tpu.memory_space<hbm>> -> memref<1024xf32, #tpu.memory_space<hbm>>
        %dma_wait3A_1070 = arith.constant 44032 : i32
        %dma_wait3A_1071 = tpu.memref_slice %arg3[%dma_wait3A_1070] : memref<65536xf32, #tpu.memory_space<hbm>> -> memref<1024xf32, #tpu.memory_space<hbm>>
        tpu.wait_dma2 semaphore(%run_scoped3A : memref<!tpu.dma_semaphore, #tpu.memory_space<semaphore_mem>>) src(%dma_wait3A_1071 : memref<1024xf32, #tpu.memory_space<hbm>>) dst(%dma_wait3A_1069 : memref<1024xf32, #tpu.memory_space<hbm>>)
        tpu.yield
      }) : () -> ()
    } else {
    }
    %add3A_756 = arith.constant 20480 : i32
    %add3A_757 = arith.addi %add3A_756, %squeeze3A_693 : i32
    %add3A_758 = arith.constant 4 : i32
    %add3A_759 = arith.addi %add3A_757, %add3A_758 : i32
    %gt3A_760 = arith.constant 4 : i32
    %gt3A_761 = arith.cmpi sgt, %squeeze3A_695, %gt3A_760 : i32
    %ge3A_762 = arith.cmpi sge, %add3A_759, %mul3A_6 : i32
    %and3A_763 = arith.andi %gt3A_761, %ge3A_762 : i1
    %add3A_764 = arith.constant 1024 : i32
    %add3A_765 = arith.addi %mul3A_6, %add3A_764 : i32
    %lt3A_766 = arith.cmpi slt, %add3A_759, %add3A_765 : i32
    %and3A_767 = arith.andi %and3A_763, %lt3A_766 : i1
    %convert_element_type3A_768 = arith.extui %and3A_767 : i1 to i32
    %cond3A_769 = arith.constant 0 : i32
    %cond3A_770 = arith.cmpi ne, %convert_element_type3A_768, %cond3A_769 : i32
    scf.if %cond3A_770 {
      %mul3A_1064 = arith.constant 1024 : i32
      %mul3A_1065 = arith.muli %add3A_759, %mul3A_1064 : i32
      "tpu.region"() ({
        %run_scoped3A = tpu.sem_alloc : memref<!tpu.dma_semaphore, #tpu.memory_space<semaphore_mem>>
        %dma_start3A_1066 = tpu.memref_slice %arg6[%mul3A_1065] : memref<33554432xf32, #tpu.memory_space<hbm>> -> memref<1024xf32, #tpu.memory_space<hbm>>
        %dma_start3A_1067 = arith.constant 45056 : i32
        %dma_start3A_1068 = tpu.memref_slice %arg3[%dma_start3A_1067] : memref<65536xf32, #tpu.memory_space<hbm>> -> memref<1024xf32, #tpu.memory_space<hbm>>
        tpu.enqueue_dma source(%dma_start3A_1068 : memref<1024xf32, #tpu.memory_space<hbm>>) target(%dma_start3A_1066 : memref<1024xf32, #tpu.memory_space<hbm>>) target_semaphore(%run_scoped3A : memref<!tpu.dma_semaphore, #tpu.memory_space<semaphore_mem>>)
        %dma_wait3A_1069 = tpu.memref_slice %arg6[%mul3A_1065] : memref<33554432xf32, #tpu.memory_space<hbm>> -> memref<1024xf32, #tpu.memory_space<hbm>>
        %dma_wait3A_1070 = arith.constant 45056 : i32
        %dma_wait3A_1071 = tpu.memref_slice %arg3[%dma_wait3A_1070] : memref<65536xf32, #tpu.memory_space<hbm>> -> memref<1024xf32, #tpu.memory_space<hbm>>
        tpu.wait_dma2 semaphore(%run_scoped3A : memref<!tpu.dma_semaphore, #tpu.memory_space<semaphore_mem>>) src(%dma_wait3A_1071 : memref<1024xf32, #tpu.memory_space<hbm>>) dst(%dma_wait3A_1069 : memref<1024xf32, #tpu.memory_space<hbm>>)
        tpu.yield
      }) : () -> ()
    } else {
    }
    %add3A_771 = arith.constant 20480 : i32
    %add3A_772 = arith.addi %add3A_771, %squeeze3A_693 : i32
    %add3A_773 = arith.constant 5 : i32
    %add3A_774 = arith.addi %add3A_772, %add3A_773 : i32
    %gt3A_775 = arith.constant 5 : i32
    %gt3A_776 = arith.cmpi sgt, %squeeze3A_695, %gt3A_775 : i32
    %ge3A_777 = arith.cmpi sge, %add3A_774, %mul3A_6 : i32
    %and3A_778 = arith.andi %gt3A_776, %ge3A_777 : i1
    %add3A_779 = arith.constant 1024 : i32
    %add3A_780 = arith.addi %mul3A_6, %add3A_779 : i32
    %lt3A_781 = arith.cmpi slt, %add3A_774, %add3A_780 : i32
    %and3A_782 = arith.andi %and3A_778, %lt3A_781 : i1
    %convert_element_type3A_783 = arith.extui %and3A_782 : i1 to i32
    %cond3A_784 = arith.constant 0 : i32
    %cond3A_785 = arith.cmpi ne, %convert_element_type3A_783, %cond3A_784 : i32
    scf.if %cond3A_785 {
      %mul3A_1064 = arith.constant 1024 : i32
      %mul3A_1065 = arith.muli %add3A_774, %mul3A_1064 : i32
      "tpu.region"() ({
        %run_scoped3A = tpu.sem_alloc : memref<!tpu.dma_semaphore, #tpu.memory_space<semaphore_mem>>
        %dma_start3A_1066 = tpu.memref_slice %arg6[%mul3A_1065] : memref<33554432xf32, #tpu.memory_space<hbm>> -> memref<1024xf32, #tpu.memory_space<hbm>>
        %dma_start3A_1067 = arith.constant 46080 : i32
        %dma_start3A_1068 = tpu.memref_slice %arg3[%dma_start3A_1067] : memref<65536xf32, #tpu.memory_space<hbm>> -> memref<1024xf32, #tpu.memory_space<hbm>>
        tpu.enqueue_dma source(%dma_start3A_1068 : memref<1024xf32, #tpu.memory_space<hbm>>) target(%dma_start3A_1066 : memref<1024xf32, #tpu.memory_space<hbm>>) target_semaphore(%run_scoped3A : memref<!tpu.dma_semaphore, #tpu.memory_space<semaphore_mem>>)
        %dma_wait3A_1069 = tpu.memref_slice %arg6[%mul3A_1065] : memref<33554432xf32, #tpu.memory_space<hbm>> -> memref<1024xf32, #tpu.memory_space<hbm>>
        %dma_wait3A_1070 = arith.constant 46080 : i32
        %dma_wait3A_1071 = tpu.memref_slice %arg3[%dma_wait3A_1070] : memref<65536xf32, #tpu.memory_space<hbm>> -> memref<1024xf32, #tpu.memory_space<hbm>>
        tpu.wait_dma2 semaphore(%run_scoped3A : memref<!tpu.dma_semaphore, #tpu.memory_space<semaphore_mem>>) src(%dma_wait3A_1071 : memref<1024xf32, #tpu.memory_space<hbm>>) dst(%dma_wait3A_1069 : memref<1024xf32, #tpu.memory_space<hbm>>)
        tpu.yield
      }) : () -> ()
    } else {
    }
    %add3A_786 = arith.constant 20480 : i32
    %add3A_787 = arith.addi %add3A_786, %squeeze3A_693 : i32
    %add3A_788 = arith.constant 6 : i32
    %add3A_789 = arith.addi %add3A_787, %add3A_788 : i32
    %gt3A_790 = arith.constant 6 : i32
    %gt3A_791 = arith.cmpi sgt, %squeeze3A_695, %gt3A_790 : i32
    %ge3A_792 = arith.cmpi sge, %add3A_789, %mul3A_6 : i32
    %and3A_793 = arith.andi %gt3A_791, %ge3A_792 : i1
    %add3A_794 = arith.constant 1024 : i32
    %add3A_795 = arith.addi %mul3A_6, %add3A_794 : i32
    %lt3A_796 = arith.cmpi slt, %add3A_789, %add3A_795 : i32
    %and3A_797 = arith.andi %and3A_793, %lt3A_796 : i1
    %convert_element_type3A_798 = arith.extui %and3A_797 : i1 to i32
    %cond3A_799 = arith.constant 0 : i32
    %cond3A_800 = arith.cmpi ne, %convert_element_type3A_798, %cond3A_799 : i32
    scf.if %cond3A_800 {
      %mul3A_1064 = arith.constant 1024 : i32
      %mul3A_1065 = arith.muli %add3A_789, %mul3A_1064 : i32
      "tpu.region"() ({
        %run_scoped3A = tpu.sem_alloc : memref<!tpu.dma_semaphore, #tpu.memory_space<semaphore_mem>>
        %dma_start3A_1066 = tpu.memref_slice %arg6[%mul3A_1065] : memref<33554432xf32, #tpu.memory_space<hbm>> -> memref<1024xf32, #tpu.memory_space<hbm>>
        %dma_start3A_1067 = arith.constant 47104 : i32
        %dma_start3A_1068 = tpu.memref_slice %arg3[%dma_start3A_1067] : memref<65536xf32, #tpu.memory_space<hbm>> -> memref<1024xf32, #tpu.memory_space<hbm>>
        tpu.enqueue_dma source(%dma_start3A_1068 : memref<1024xf32, #tpu.memory_space<hbm>>) target(%dma_start3A_1066 : memref<1024xf32, #tpu.memory_space<hbm>>) target_semaphore(%run_scoped3A : memref<!tpu.dma_semaphore, #tpu.memory_space<semaphore_mem>>)
        %dma_wait3A_1069 = tpu.memref_slice %arg6[%mul3A_1065] : memref<33554432xf32, #tpu.memory_space<hbm>> -> memref<1024xf32, #tpu.memory_space<hbm>>
        %dma_wait3A_1070 = arith.constant 47104 : i32
        %dma_wait3A_1071 = tpu.memref_slice %arg3[%dma_wait3A_1070] : memref<65536xf32, #tpu.memory_space<hbm>> -> memref<1024xf32, #tpu.memory_space<hbm>>
        tpu.wait_dma2 semaphore(%run_scoped3A : memref<!tpu.dma_semaphore, #tpu.memory_space<semaphore_mem>>) src(%dma_wait3A_1071 : memref<1024xf32, #tpu.memory_space<hbm>>) dst(%dma_wait3A_1069 : memref<1024xf32, #tpu.memory_space<hbm>>)
        tpu.yield
      }) : () -> ()
    } else {
    }
    %add3A_801 = arith.constant 20480 : i32
    %add3A_802 = arith.addi %add3A_801, %squeeze3A_693 : i32
    %add3A_803 = arith.constant 7 : i32
    %add3A_804 = arith.addi %add3A_802, %add3A_803 : i32
    %gt3A_805 = arith.constant 7 : i32
    %gt3A_806 = arith.cmpi sgt, %squeeze3A_695, %gt3A_805 : i32
    %ge3A_807 = arith.cmpi sge, %add3A_804, %mul3A_6 : i32
    %and3A_808 = arith.andi %gt3A_806, %ge3A_807 : i1
    %add3A_809 = arith.constant 1024 : i32
    %add3A_810 = arith.addi %mul3A_6, %add3A_809 : i32
    %lt3A_811 = arith.cmpi slt, %add3A_804, %add3A_810 : i32
    %and3A_812 = arith.andi %and3A_808, %lt3A_811 : i1
    %convert_element_type3A_813 = arith.extui %and3A_812 : i1 to i32
    %cond3A_814 = arith.constant 0 : i32
    %cond3A_815 = arith.cmpi ne, %convert_element_type3A_813, %cond3A_814 : i32
    scf.if %cond3A_815 {
      %mul3A_1064 = arith.constant 1024 : i32
      %mul3A_1065 = arith.muli %add3A_804, %mul3A_1064 : i32
      "tpu.region"() ({
        %run_scoped3A = tpu.sem_alloc : memref<!tpu.dma_semaphore, #tpu.memory_space<semaphore_mem>>
        %dma_start3A_1066 = tpu.memref_slice %arg6[%mul3A_1065] : memref<33554432xf32, #tpu.memory_space<hbm>> -> memref<1024xf32, #tpu.memory_space<hbm>>
        %dma_start3A_1067 = arith.constant 48128 : i32
        %dma_start3A_1068 = tpu.memref_slice %arg3[%dma_start3A_1067] : memref<65536xf32, #tpu.memory_space<hbm>> -> memref<1024xf32, #tpu.memory_space<hbm>>
        tpu.enqueue_dma source(%dma_start3A_1068 : memref<1024xf32, #tpu.memory_space<hbm>>) target(%dma_start3A_1066 : memref<1024xf32, #tpu.memory_space<hbm>>) target_semaphore(%run_scoped3A : memref<!tpu.dma_semaphore, #tpu.memory_space<semaphore_mem>>)
        %dma_wait3A_1069 = tpu.memref_slice %arg6[%mul3A_1065] : memref<33554432xf32, #tpu.memory_space<hbm>> -> memref<1024xf32, #tpu.memory_space<hbm>>
        %dma_wait3A_1070 = arith.constant 48128 : i32
        %dma_wait3A_1071 = tpu.memref_slice %arg3[%dma_wait3A_1070] : memref<65536xf32, #tpu.memory_space<hbm>> -> memref<1024xf32, #tpu.memory_space<hbm>>
        tpu.wait_dma2 semaphore(%run_scoped3A : memref<!tpu.dma_semaphore, #tpu.memory_space<semaphore_mem>>) src(%dma_wait3A_1071 : memref<1024xf32, #tpu.memory_space<hbm>>) dst(%dma_wait3A_1069 : memref<1024xf32, #tpu.memory_space<hbm>>)
        tpu.yield
      }) : () -> ()
    } else {
    }
    %slice3A_816 = vector.extract_strided_slice %get3A_76 {offsets = [6], sizes = [1], strides = [1]} : vector<16xi32> to vector<1xi32>
    %squeeze3A_817 = vector.extract %slice3A_816[0] : i32 from vector<1xi32>
    %slice3A_818 = vector.extract_strided_slice %get3A_79 {offsets = [6], sizes = [1], strides = [1]} : vector<16xi32> to vector<1xi32>
    %squeeze3A_819 = vector.extract %slice3A_818[0] : i32 from vector<1xi32>
    %add3A_820 = arith.constant 24576 : i32
    %add3A_821 = arith.addi %add3A_820, %squeeze3A_817 : i32
    %add3A_822 = arith.constant 0 : i32
    %add3A_823 = arith.addi %add3A_821, %add3A_822 : i32
    %gt3A_824 = arith.constant 0 : i32
    %gt3A_825 = arith.cmpi sgt, %squeeze3A_819, %gt3A_824 : i32
    %ge3A_826 = arith.cmpi sge, %add3A_823, %mul3A_6 : i32
    %and3A_827 = arith.andi %gt3A_825, %ge3A_826 : i1
    %add3A_828 = arith.constant 1024 : i32
    %add3A_829 = arith.addi %mul3A_6, %add3A_828 : i32
    %lt3A_830 = arith.cmpi slt, %add3A_823, %add3A_829 : i32
    %and3A_831 = arith.andi %and3A_827, %lt3A_830 : i1
    %convert_element_type3A_832 = arith.extui %and3A_831 : i1 to i32
    %cond3A_833 = arith.constant 0 : i32
    %cond3A_834 = arith.cmpi ne, %convert_element_type3A_832, %cond3A_833 : i32
    scf.if %cond3A_834 {
      %mul3A_1064 = arith.constant 1024 : i32
      %mul3A_1065 = arith.muli %add3A_823, %mul3A_1064 : i32
      "tpu.region"() ({
        %run_scoped3A = tpu.sem_alloc : memref<!tpu.dma_semaphore, #tpu.memory_space<semaphore_mem>>
        %dma_start3A_1066 = tpu.memref_slice %arg6[%mul3A_1065] : memref<33554432xf32, #tpu.memory_space<hbm>> -> memref<1024xf32, #tpu.memory_space<hbm>>
        %dma_start3A_1067 = arith.constant 49152 : i32
        %dma_start3A_1068 = tpu.memref_slice %arg3[%dma_start3A_1067] : memref<65536xf32, #tpu.memory_space<hbm>> -> memref<1024xf32, #tpu.memory_space<hbm>>
        tpu.enqueue_dma source(%dma_start3A_1068 : memref<1024xf32, #tpu.memory_space<hbm>>) target(%dma_start3A_1066 : memref<1024xf32, #tpu.memory_space<hbm>>) target_semaphore(%run_scoped3A : memref<!tpu.dma_semaphore, #tpu.memory_space<semaphore_mem>>)
        %dma_wait3A_1069 = tpu.memref_slice %arg6[%mul3A_1065] : memref<33554432xf32, #tpu.memory_space<hbm>> -> memref<1024xf32, #tpu.memory_space<hbm>>
        %dma_wait3A_1070 = arith.constant 49152 : i32
        %dma_wait3A_1071 = tpu.memref_slice %arg3[%dma_wait3A_1070] : memref<65536xf32, #tpu.memory_space<hbm>> -> memref<1024xf32, #tpu.memory_space<hbm>>
        tpu.wait_dma2 semaphore(%run_scoped3A : memref<!tpu.dma_semaphore, #tpu.memory_space<semaphore_mem>>) src(%dma_wait3A_1071 : memref<1024xf32, #tpu.memory_space<hbm>>) dst(%dma_wait3A_1069 : memref<1024xf32, #tpu.memory_space<hbm>>)
        tpu.yield
      }) : () -> ()
    } else {
    }
    %add3A_835 = arith.constant 24576 : i32
    %add3A_836 = arith.addi %add3A_835, %squeeze3A_817 : i32
    %add3A_837 = arith.constant 1 : i32
    %add3A_838 = arith.addi %add3A_836, %add3A_837 : i32
    %gt3A_839 = arith.constant 1 : i32
    %gt3A_840 = arith.cmpi sgt, %squeeze3A_819, %gt3A_839 : i32
    %ge3A_841 = arith.cmpi sge, %add3A_838, %mul3A_6 : i32
    %and3A_842 = arith.andi %gt3A_840, %ge3A_841 : i1
    %add3A_843 = arith.constant 1024 : i32
    %add3A_844 = arith.addi %mul3A_6, %add3A_843 : i32
    %lt3A_845 = arith.cmpi slt, %add3A_838, %add3A_844 : i32
    %and3A_846 = arith.andi %and3A_842, %lt3A_845 : i1
    %convert_element_type3A_847 = arith.extui %and3A_846 : i1 to i32
    %cond3A_848 = arith.constant 0 : i32
    %cond3A_849 = arith.cmpi ne, %convert_element_type3A_847, %cond3A_848 : i32
    scf.if %cond3A_849 {
      %mul3A_1064 = arith.constant 1024 : i32
      %mul3A_1065 = arith.muli %add3A_838, %mul3A_1064 : i32
      "tpu.region"() ({
        %run_scoped3A = tpu.sem_alloc : memref<!tpu.dma_semaphore, #tpu.memory_space<semaphore_mem>>
        %dma_start3A_1066 = tpu.memref_slice %arg6[%mul3A_1065] : memref<33554432xf32, #tpu.memory_space<hbm>> -> memref<1024xf32, #tpu.memory_space<hbm>>
        %dma_start3A_1067 = arith.constant 50176 : i32
        %dma_start3A_1068 = tpu.memref_slice %arg3[%dma_start3A_1067] : memref<65536xf32, #tpu.memory_space<hbm>> -> memref<1024xf32, #tpu.memory_space<hbm>>
        tpu.enqueue_dma source(%dma_start3A_1068 : memref<1024xf32, #tpu.memory_space<hbm>>) target(%dma_start3A_1066 : memref<1024xf32, #tpu.memory_space<hbm>>) target_semaphore(%run_scoped3A : memref<!tpu.dma_semaphore, #tpu.memory_space<semaphore_mem>>)
        %dma_wait3A_1069 = tpu.memref_slice %arg6[%mul3A_1065] : memref<33554432xf32, #tpu.memory_space<hbm>> -> memref<1024xf32, #tpu.memory_space<hbm>>
        %dma_wait3A_1070 = arith.constant 50176 : i32
        %dma_wait3A_1071 = tpu.memref_slice %arg3[%dma_wait3A_1070] : memref<65536xf32, #tpu.memory_space<hbm>> -> memref<1024xf32, #tpu.memory_space<hbm>>
        tpu.wait_dma2 semaphore(%run_scoped3A : memref<!tpu.dma_semaphore, #tpu.memory_space<semaphore_mem>>) src(%dma_wait3A_1071 : memref<1024xf32, #tpu.memory_space<hbm>>) dst(%dma_wait3A_1069 : memref<1024xf32, #tpu.memory_space<hbm>>)
        tpu.yield
      }) : () -> ()
    } else {
    }
    %add3A_850 = arith.constant 24576 : i32
    %add3A_851 = arith.addi %add3A_850, %squeeze3A_817 : i32
    %add3A_852 = arith.constant 2 : i32
    %add3A_853 = arith.addi %add3A_851, %add3A_852 : i32
    %gt3A_854 = arith.constant 2 : i32
    %gt3A_855 = arith.cmpi sgt, %squeeze3A_819, %gt3A_854 : i32
    %ge3A_856 = arith.cmpi sge, %add3A_853, %mul3A_6 : i32
    %and3A_857 = arith.andi %gt3A_855, %ge3A_856 : i1
    %add3A_858 = arith.constant 1024 : i32
    %add3A_859 = arith.addi %mul3A_6, %add3A_858 : i32
    %lt3A_860 = arith.cmpi slt, %add3A_853, %add3A_859 : i32
    %and3A_861 = arith.andi %and3A_857, %lt3A_860 : i1
    %convert_element_type3A_862 = arith.extui %and3A_861 : i1 to i32
    %cond3A_863 = arith.constant 0 : i32
    %cond3A_864 = arith.cmpi ne, %convert_element_type3A_862, %cond3A_863 : i32
    scf.if %cond3A_864 {
      %mul3A_1064 = arith.constant 1024 : i32
      %mul3A_1065 = arith.muli %add3A_853, %mul3A_1064 : i32
      "tpu.region"() ({
        %run_scoped3A = tpu.sem_alloc : memref<!tpu.dma_semaphore, #tpu.memory_space<semaphore_mem>>
        %dma_start3A_1066 = tpu.memref_slice %arg6[%mul3A_1065] : memref<33554432xf32, #tpu.memory_space<hbm>> -> memref<1024xf32, #tpu.memory_space<hbm>>
        %dma_start3A_1067 = arith.constant 51200 : i32
        %dma_start3A_1068 = tpu.memref_slice %arg3[%dma_start3A_1067] : memref<65536xf32, #tpu.memory_space<hbm>> -> memref<1024xf32, #tpu.memory_space<hbm>>
        tpu.enqueue_dma source(%dma_start3A_1068 : memref<1024xf32, #tpu.memory_space<hbm>>) target(%dma_start3A_1066 : memref<1024xf32, #tpu.memory_space<hbm>>) target_semaphore(%run_scoped3A : memref<!tpu.dma_semaphore, #tpu.memory_space<semaphore_mem>>)
        %dma_wait3A_1069 = tpu.memref_slice %arg6[%mul3A_1065] : memref<33554432xf32, #tpu.memory_space<hbm>> -> memref<1024xf32, #tpu.memory_space<hbm>>
        %dma_wait3A_1070 = arith.constant 51200 : i32
        %dma_wait3A_1071 = tpu.memref_slice %arg3[%dma_wait3A_1070] : memref<65536xf32, #tpu.memory_space<hbm>> -> memref<1024xf32, #tpu.memory_space<hbm>>
        tpu.wait_dma2 semaphore(%run_scoped3A : memref<!tpu.dma_semaphore, #tpu.memory_space<semaphore_mem>>) src(%dma_wait3A_1071 : memref<1024xf32, #tpu.memory_space<hbm>>) dst(%dma_wait3A_1069 : memref<1024xf32, #tpu.memory_space<hbm>>)
        tpu.yield
      }) : () -> ()
    } else {
    }
    %add3A_865 = arith.constant 24576 : i32
    %add3A_866 = arith.addi %add3A_865, %squeeze3A_817 : i32
    %add3A_867 = arith.constant 3 : i32
    %add3A_868 = arith.addi %add3A_866, %add3A_867 : i32
    %gt3A_869 = arith.constant 3 : i32
    %gt3A_870 = arith.cmpi sgt, %squeeze3A_819, %gt3A_869 : i32
    %ge3A_871 = arith.cmpi sge, %add3A_868, %mul3A_6 : i32
    %and3A_872 = arith.andi %gt3A_870, %ge3A_871 : i1
    %add3A_873 = arith.constant 1024 : i32
    %add3A_874 = arith.addi %mul3A_6, %add3A_873 : i32
    %lt3A_875 = arith.cmpi slt, %add3A_868, %add3A_874 : i32
    %and3A_876 = arith.andi %and3A_872, %lt3A_875 : i1
    %convert_element_type3A_877 = arith.extui %and3A_876 : i1 to i32
    %cond3A_878 = arith.constant 0 : i32
    %cond3A_879 = arith.cmpi ne, %convert_element_type3A_877, %cond3A_878 : i32
    scf.if %cond3A_879 {
      %mul3A_1064 = arith.constant 1024 : i32
      %mul3A_1065 = arith.muli %add3A_868, %mul3A_1064 : i32
      "tpu.region"() ({
        %run_scoped3A = tpu.sem_alloc : memref<!tpu.dma_semaphore, #tpu.memory_space<semaphore_mem>>
        %dma_start3A_1066 = tpu.memref_slice %arg6[%mul3A_1065] : memref<33554432xf32, #tpu.memory_space<hbm>> -> memref<1024xf32, #tpu.memory_space<hbm>>
        %dma_start3A_1067 = arith.constant 52224 : i32
        %dma_start3A_1068 = tpu.memref_slice %arg3[%dma_start3A_1067] : memref<65536xf32, #tpu.memory_space<hbm>> -> memref<1024xf32, #tpu.memory_space<hbm>>
        tpu.enqueue_dma source(%dma_start3A_1068 : memref<1024xf32, #tpu.memory_space<hbm>>) target(%dma_start3A_1066 : memref<1024xf32, #tpu.memory_space<hbm>>) target_semaphore(%run_scoped3A : memref<!tpu.dma_semaphore, #tpu.memory_space<semaphore_mem>>)
        %dma_wait3A_1069 = tpu.memref_slice %arg6[%mul3A_1065] : memref<33554432xf32, #tpu.memory_space<hbm>> -> memref<1024xf32, #tpu.memory_space<hbm>>
        %dma_wait3A_1070 = arith.constant 52224 : i32
        %dma_wait3A_1071 = tpu.memref_slice %arg3[%dma_wait3A_1070] : memref<65536xf32, #tpu.memory_space<hbm>> -> memref<1024xf32, #tpu.memory_space<hbm>>
        tpu.wait_dma2 semaphore(%run_scoped3A : memref<!tpu.dma_semaphore, #tpu.memory_space<semaphore_mem>>) src(%dma_wait3A_1071 : memref<1024xf32, #tpu.memory_space<hbm>>) dst(%dma_wait3A_1069 : memref<1024xf32, #tpu.memory_space<hbm>>)
        tpu.yield
      }) : () -> ()
    } else {
    }
    %add3A_880 = arith.constant 24576 : i32
    %add3A_881 = arith.addi %add3A_880, %squeeze3A_817 : i32
    %add3A_882 = arith.constant 4 : i32
    %add3A_883 = arith.addi %add3A_881, %add3A_882 : i32
    %gt3A_884 = arith.constant 4 : i32
    %gt3A_885 = arith.cmpi sgt, %squeeze3A_819, %gt3A_884 : i32
    %ge3A_886 = arith.cmpi sge, %add3A_883, %mul3A_6 : i32
    %and3A_887 = arith.andi %gt3A_885, %ge3A_886 : i1
    %add3A_888 = arith.constant 1024 : i32
    %add3A_889 = arith.addi %mul3A_6, %add3A_888 : i32
    %lt3A_890 = arith.cmpi slt, %add3A_883, %add3A_889 : i32
    %and3A_891 = arith.andi %and3A_887, %lt3A_890 : i1
    %convert_element_type3A_892 = arith.extui %and3A_891 : i1 to i32
    %cond3A_893 = arith.constant 0 : i32
    %cond3A_894 = arith.cmpi ne, %convert_element_type3A_892, %cond3A_893 : i32
    scf.if %cond3A_894 {
      %mul3A_1064 = arith.constant 1024 : i32
      %mul3A_1065 = arith.muli %add3A_883, %mul3A_1064 : i32
      "tpu.region"() ({
        %run_scoped3A = tpu.sem_alloc : memref<!tpu.dma_semaphore, #tpu.memory_space<semaphore_mem>>
        %dma_start3A_1066 = tpu.memref_slice %arg6[%mul3A_1065] : memref<33554432xf32, #tpu.memory_space<hbm>> -> memref<1024xf32, #tpu.memory_space<hbm>>
        %dma_start3A_1067 = arith.constant 53248 : i32
        %dma_start3A_1068 = tpu.memref_slice %arg3[%dma_start3A_1067] : memref<65536xf32, #tpu.memory_space<hbm>> -> memref<1024xf32, #tpu.memory_space<hbm>>
        tpu.enqueue_dma source(%dma_start3A_1068 : memref<1024xf32, #tpu.memory_space<hbm>>) target(%dma_start3A_1066 : memref<1024xf32, #tpu.memory_space<hbm>>) target_semaphore(%run_scoped3A : memref<!tpu.dma_semaphore, #tpu.memory_space<semaphore_mem>>)
        %dma_wait3A_1069 = tpu.memref_slice %arg6[%mul3A_1065] : memref<33554432xf32, #tpu.memory_space<hbm>> -> memref<1024xf32, #tpu.memory_space<hbm>>
        %dma_wait3A_1070 = arith.constant 53248 : i32
        %dma_wait3A_1071 = tpu.memref_slice %arg3[%dma_wait3A_1070] : memref<65536xf32, #tpu.memory_space<hbm>> -> memref<1024xf32, #tpu.memory_space<hbm>>
        tpu.wait_dma2 semaphore(%run_scoped3A : memref<!tpu.dma_semaphore, #tpu.memory_space<semaphore_mem>>) src(%dma_wait3A_1071 : memref<1024xf32, #tpu.memory_space<hbm>>) dst(%dma_wait3A_1069 : memref<1024xf32, #tpu.memory_space<hbm>>)
        tpu.yield
      }) : () -> ()
    } else {
    }
    %add3A_895 = arith.constant 24576 : i32
    %add3A_896 = arith.addi %add3A_895, %squeeze3A_817 : i32
    %add3A_897 = arith.constant 5 : i32
    %add3A_898 = arith.addi %add3A_896, %add3A_897 : i32
    %gt3A_899 = arith.constant 5 : i32
    %gt3A_900 = arith.cmpi sgt, %squeeze3A_819, %gt3A_899 : i32
    %ge3A_901 = arith.cmpi sge, %add3A_898, %mul3A_6 : i32
    %and3A_902 = arith.andi %gt3A_900, %ge3A_901 : i1
    %add3A_903 = arith.constant 1024 : i32
    %add3A_904 = arith.addi %mul3A_6, %add3A_903 : i32
    %lt3A_905 = arith.cmpi slt, %add3A_898, %add3A_904 : i32
    %and3A_906 = arith.andi %and3A_902, %lt3A_905 : i1
    %convert_element_type3A_907 = arith.extui %and3A_906 : i1 to i32
    %cond3A_908 = arith.constant 0 : i32
    %cond3A_909 = arith.cmpi ne, %convert_element_type3A_907, %cond3A_908 : i32
    scf.if %cond3A_909 {
      %mul3A_1064 = arith.constant 1024 : i32
      %mul3A_1065 = arith.muli %add3A_898, %mul3A_1064 : i32
      "tpu.region"() ({
        %run_scoped3A = tpu.sem_alloc : memref<!tpu.dma_semaphore, #tpu.memory_space<semaphore_mem>>
        %dma_start3A_1066 = tpu.memref_slice %arg6[%mul3A_1065] : memref<33554432xf32, #tpu.memory_space<hbm>> -> memref<1024xf32, #tpu.memory_space<hbm>>
        %dma_start3A_1067 = arith.constant 54272 : i32
        %dma_start3A_1068 = tpu.memref_slice %arg3[%dma_start3A_1067] : memref<65536xf32, #tpu.memory_space<hbm>> -> memref<1024xf32, #tpu.memory_space<hbm>>
        tpu.enqueue_dma source(%dma_start3A_1068 : memref<1024xf32, #tpu.memory_space<hbm>>) target(%dma_start3A_1066 : memref<1024xf32, #tpu.memory_space<hbm>>) target_semaphore(%run_scoped3A : memref<!tpu.dma_semaphore, #tpu.memory_space<semaphore_mem>>)
        %dma_wait3A_1069 = tpu.memref_slice %arg6[%mul3A_1065] : memref<33554432xf32, #tpu.memory_space<hbm>> -> memref<1024xf32, #tpu.memory_space<hbm>>
        %dma_wait3A_1070 = arith.constant 54272 : i32
        %dma_wait3A_1071 = tpu.memref_slice %arg3[%dma_wait3A_1070] : memref<65536xf32, #tpu.memory_space<hbm>> -> memref<1024xf32, #tpu.memory_space<hbm>>
        tpu.wait_dma2 semaphore(%run_scoped3A : memref<!tpu.dma_semaphore, #tpu.memory_space<semaphore_mem>>) src(%dma_wait3A_1071 : memref<1024xf32, #tpu.memory_space<hbm>>) dst(%dma_wait3A_1069 : memref<1024xf32, #tpu.memory_space<hbm>>)
        tpu.yield
      }) : () -> ()
    } else {
    }
    %add3A_910 = arith.constant 24576 : i32
    %add3A_911 = arith.addi %add3A_910, %squeeze3A_817 : i32
    %add3A_912 = arith.constant 6 : i32
    %add3A_913 = arith.addi %add3A_911, %add3A_912 : i32
    %gt3A_914 = arith.constant 6 : i32
    %gt3A_915 = arith.cmpi sgt, %squeeze3A_819, %gt3A_914 : i32
    %ge3A_916 = arith.cmpi sge, %add3A_913, %mul3A_6 : i32
    %and3A_917 = arith.andi %gt3A_915, %ge3A_916 : i1
    %add3A_918 = arith.constant 1024 : i32
    %add3A_919 = arith.addi %mul3A_6, %add3A_918 : i32
    %lt3A_920 = arith.cmpi slt, %add3A_913, %add3A_919 : i32
    %and3A_921 = arith.andi %and3A_917, %lt3A_920 : i1
    %convert_element_type3A_922 = arith.extui %and3A_921 : i1 to i32
    %cond3A_923 = arith.constant 0 : i32
    %cond3A_924 = arith.cmpi ne, %convert_element_type3A_922, %cond3A_923 : i32
    scf.if %cond3A_924 {
      %mul3A_1064 = arith.constant 1024 : i32
      %mul3A_1065 = arith.muli %add3A_913, %mul3A_1064 : i32
      "tpu.region"() ({
        %run_scoped3A = tpu.sem_alloc : memref<!tpu.dma_semaphore, #tpu.memory_space<semaphore_mem>>
        %dma_start3A_1066 = tpu.memref_slice %arg6[%mul3A_1065] : memref<33554432xf32, #tpu.memory_space<hbm>> -> memref<1024xf32, #tpu.memory_space<hbm>>
        %dma_start3A_1067 = arith.constant 55296 : i32
        %dma_start3A_1068 = tpu.memref_slice %arg3[%dma_start3A_1067] : memref<65536xf32, #tpu.memory_space<hbm>> -> memref<1024xf32, #tpu.memory_space<hbm>>
        tpu.enqueue_dma source(%dma_start3A_1068 : memref<1024xf32, #tpu.memory_space<hbm>>) target(%dma_start3A_1066 : memref<1024xf32, #tpu.memory_space<hbm>>) target_semaphore(%run_scoped3A : memref<!tpu.dma_semaphore, #tpu.memory_space<semaphore_mem>>)
        %dma_wait3A_1069 = tpu.memref_slice %arg6[%mul3A_1065] : memref<33554432xf32, #tpu.memory_space<hbm>> -> memref<1024xf32, #tpu.memory_space<hbm>>
        %dma_wait3A_1070 = arith.constant 55296 : i32
        %dma_wait3A_1071 = tpu.memref_slice %arg3[%dma_wait3A_1070] : memref<65536xf32, #tpu.memory_space<hbm>> -> memref<1024xf32, #tpu.memory_space<hbm>>
        tpu.wait_dma2 semaphore(%run_scoped3A : memref<!tpu.dma_semaphore, #tpu.memory_space<semaphore_mem>>) src(%dma_wait3A_1071 : memref<1024xf32, #tpu.memory_space<hbm>>) dst(%dma_wait3A_1069 : memref<1024xf32, #tpu.memory_space<hbm>>)
        tpu.yield
      }) : () -> ()
    } else {
    }
    %add3A_925 = arith.constant 24576 : i32
    %add3A_926 = arith.addi %add3A_925, %squeeze3A_817 : i32
    %add3A_927 = arith.constant 7 : i32
    %add3A_928 = arith.addi %add3A_926, %add3A_927 : i32
    %gt3A_929 = arith.constant 7 : i32
    %gt3A_930 = arith.cmpi sgt, %squeeze3A_819, %gt3A_929 : i32
    %ge3A_931 = arith.cmpi sge, %add3A_928, %mul3A_6 : i32
    %and3A_932 = arith.andi %gt3A_930, %ge3A_931 : i1
    %add3A_933 = arith.constant 1024 : i32
    %add3A_934 = arith.addi %mul3A_6, %add3A_933 : i32
    %lt3A_935 = arith.cmpi slt, %add3A_928, %add3A_934 : i32
    %and3A_936 = arith.andi %and3A_932, %lt3A_935 : i1
    %convert_element_type3A_937 = arith.extui %and3A_936 : i1 to i32
    %cond3A_938 = arith.constant 0 : i32
    %cond3A_939 = arith.cmpi ne, %convert_element_type3A_937, %cond3A_938 : i32
    scf.if %cond3A_939 {
      %mul3A_1064 = arith.constant 1024 : i32
      %mul3A_1065 = arith.muli %add3A_928, %mul3A_1064 : i32
      "tpu.region"() ({
        %run_scoped3A = tpu.sem_alloc : memref<!tpu.dma_semaphore, #tpu.memory_space<semaphore_mem>>
        %dma_start3A_1066 = tpu.memref_slice %arg6[%mul3A_1065] : memref<33554432xf32, #tpu.memory_space<hbm>> -> memref<1024xf32, #tpu.memory_space<hbm>>
        %dma_start3A_1067 = arith.constant 56320 : i32
        %dma_start3A_1068 = tpu.memref_slice %arg3[%dma_start3A_1067] : memref<65536xf32, #tpu.memory_space<hbm>> -> memref<1024xf32, #tpu.memory_space<hbm>>
        tpu.enqueue_dma source(%dma_start3A_1068 : memref<1024xf32, #tpu.memory_space<hbm>>) target(%dma_start3A_1066 : memref<1024xf32, #tpu.memory_space<hbm>>) target_semaphore(%run_scoped3A : memref<!tpu.dma_semaphore, #tpu.memory_space<semaphore_mem>>)
        %dma_wait3A_1069 = tpu.memref_slice %arg6[%mul3A_1065] : memref<33554432xf32, #tpu.memory_space<hbm>> -> memref<1024xf32, #tpu.memory_space<hbm>>
        %dma_wait3A_1070 = arith.constant 56320 : i32
        %dma_wait3A_1071 = tpu.memref_slice %arg3[%dma_wait3A_1070] : memref<65536xf32, #tpu.memory_space<hbm>> -> memref<1024xf32, #tpu.memory_space<hbm>>
        tpu.wait_dma2 semaphore(%run_scoped3A : memref<!tpu.dma_semaphore, #tpu.memory_space<semaphore_mem>>) src(%dma_wait3A_1071 : memref<1024xf32, #tpu.memory_space<hbm>>) dst(%dma_wait3A_1069 : memref<1024xf32, #tpu.memory_space<hbm>>)
        tpu.yield
      }) : () -> ()
    } else {
    }
    %slice3A_940 = vector.extract_strided_slice %get3A_76 {offsets = [7], sizes = [1], strides = [1]} : vector<16xi32> to vector<1xi32>
    %squeeze3A_941 = vector.extract %slice3A_940[0] : i32 from vector<1xi32>
    %slice3A_942 = vector.extract_strided_slice %get3A_79 {offsets = [7], sizes = [1], strides = [1]} : vector<16xi32> to vector<1xi32>
    %squeeze3A_943 = vector.extract %slice3A_942[0] : i32 from vector<1xi32>
    %add3A_944 = arith.constant 28672 : i32
    %add3A_945 = arith.addi %add3A_944, %squeeze3A_941 : i32
    %add3A_946 = arith.constant 0 : i32
    %add3A_947 = arith.addi %add3A_945, %add3A_946 : i32
    %gt3A_948 = arith.constant 0 : i32
    %gt3A_949 = arith.cmpi sgt, %squeeze3A_943, %gt3A_948 : i32
    %ge3A_950 = arith.cmpi sge, %add3A_947, %mul3A_6 : i32
    %and3A_951 = arith.andi %gt3A_949, %ge3A_950 : i1
    %add3A_952 = arith.constant 1024 : i32
    %add3A_953 = arith.addi %mul3A_6, %add3A_952 : i32
    %lt3A_954 = arith.cmpi slt, %add3A_947, %add3A_953 : i32
    %and3A_955 = arith.andi %and3A_951, %lt3A_954 : i1
    %convert_element_type3A_956 = arith.extui %and3A_955 : i1 to i32
    %cond3A_957 = arith.constant 0 : i32
    %cond3A_958 = arith.cmpi ne, %convert_element_type3A_956, %cond3A_957 : i32
    scf.if %cond3A_958 {
      %mul3A_1064 = arith.constant 1024 : i32
      %mul3A_1065 = arith.muli %add3A_947, %mul3A_1064 : i32
      "tpu.region"() ({
        %run_scoped3A = tpu.sem_alloc : memref<!tpu.dma_semaphore, #tpu.memory_space<semaphore_mem>>
        %dma_start3A_1066 = tpu.memref_slice %arg6[%mul3A_1065] : memref<33554432xf32, #tpu.memory_space<hbm>> -> memref<1024xf32, #tpu.memory_space<hbm>>
        %dma_start3A_1067 = arith.constant 57344 : i32
        %dma_start3A_1068 = tpu.memref_slice %arg3[%dma_start3A_1067] : memref<65536xf32, #tpu.memory_space<hbm>> -> memref<1024xf32, #tpu.memory_space<hbm>>
        tpu.enqueue_dma source(%dma_start3A_1068 : memref<1024xf32, #tpu.memory_space<hbm>>) target(%dma_start3A_1066 : memref<1024xf32, #tpu.memory_space<hbm>>) target_semaphore(%run_scoped3A : memref<!tpu.dma_semaphore, #tpu.memory_space<semaphore_mem>>)
        %dma_wait3A_1069 = tpu.memref_slice %arg6[%mul3A_1065] : memref<33554432xf32, #tpu.memory_space<hbm>> -> memref<1024xf32, #tpu.memory_space<hbm>>
        %dma_wait3A_1070 = arith.constant 57344 : i32
        %dma_wait3A_1071 = tpu.memref_slice %arg3[%dma_wait3A_1070] : memref<65536xf32, #tpu.memory_space<hbm>> -> memref<1024xf32, #tpu.memory_space<hbm>>
        tpu.wait_dma2 semaphore(%run_scoped3A : memref<!tpu.dma_semaphore, #tpu.memory_space<semaphore_mem>>) src(%dma_wait3A_1071 : memref<1024xf32, #tpu.memory_space<hbm>>) dst(%dma_wait3A_1069 : memref<1024xf32, #tpu.memory_space<hbm>>)
        tpu.yield
      }) : () -> ()
    } else {
    }
    %add3A_959 = arith.constant 28672 : i32
    %add3A_960 = arith.addi %add3A_959, %squeeze3A_941 : i32
    %add3A_961 = arith.constant 1 : i32
    %add3A_962 = arith.addi %add3A_960, %add3A_961 : i32
    %gt3A_963 = arith.constant 1 : i32
    %gt3A_964 = arith.cmpi sgt, %squeeze3A_943, %gt3A_963 : i32
    %ge3A_965 = arith.cmpi sge, %add3A_962, %mul3A_6 : i32
    %and3A_966 = arith.andi %gt3A_964, %ge3A_965 : i1
    %add3A_967 = arith.constant 1024 : i32
    %add3A_968 = arith.addi %mul3A_6, %add3A_967 : i32
    %lt3A_969 = arith.cmpi slt, %add3A_962, %add3A_968 : i32
    %and3A_970 = arith.andi %and3A_966, %lt3A_969 : i1
    %convert_element_type3A_971 = arith.extui %and3A_970 : i1 to i32
    %cond3A_972 = arith.constant 0 : i32
    %cond3A_973 = arith.cmpi ne, %convert_element_type3A_971, %cond3A_972 : i32
    scf.if %cond3A_973 {
      %mul3A_1064 = arith.constant 1024 : i32
      %mul3A_1065 = arith.muli %add3A_962, %mul3A_1064 : i32
      "tpu.region"() ({
        %run_scoped3A = tpu.sem_alloc : memref<!tpu.dma_semaphore, #tpu.memory_space<semaphore_mem>>
        %dma_start3A_1066 = tpu.memref_slice %arg6[%mul3A_1065] : memref<33554432xf32, #tpu.memory_space<hbm>> -> memref<1024xf32, #tpu.memory_space<hbm>>
        %dma_start3A_1067 = arith.constant 58368 : i32
        %dma_start3A_1068 = tpu.memref_slice %arg3[%dma_start3A_1067] : memref<65536xf32, #tpu.memory_space<hbm>> -> memref<1024xf32, #tpu.memory_space<hbm>>
        tpu.enqueue_dma source(%dma_start3A_1068 : memref<1024xf32, #tpu.memory_space<hbm>>) target(%dma_start3A_1066 : memref<1024xf32, #tpu.memory_space<hbm>>) target_semaphore(%run_scoped3A : memref<!tpu.dma_semaphore, #tpu.memory_space<semaphore_mem>>)
        %dma_wait3A_1069 = tpu.memref_slice %arg6[%mul3A_1065] : memref<33554432xf32, #tpu.memory_space<hbm>> -> memref<1024xf32, #tpu.memory_space<hbm>>
        %dma_wait3A_1070 = arith.constant 58368 : i32
        %dma_wait3A_1071 = tpu.memref_slice %arg3[%dma_wait3A_1070] : memref<65536xf32, #tpu.memory_space<hbm>> -> memref<1024xf32, #tpu.memory_space<hbm>>
        tpu.wait_dma2 semaphore(%run_scoped3A : memref<!tpu.dma_semaphore, #tpu.memory_space<semaphore_mem>>) src(%dma_wait3A_1071 : memref<1024xf32, #tpu.memory_space<hbm>>) dst(%dma_wait3A_1069 : memref<1024xf32, #tpu.memory_space<hbm>>)
        tpu.yield
      }) : () -> ()
    } else {
    }
    %add3A_974 = arith.constant 28672 : i32
    %add3A_975 = arith.addi %add3A_974, %squeeze3A_941 : i32
    %add3A_976 = arith.constant 2 : i32
    %add3A_977 = arith.addi %add3A_975, %add3A_976 : i32
    %gt3A_978 = arith.constant 2 : i32
    %gt3A_979 = arith.cmpi sgt, %squeeze3A_943, %gt3A_978 : i32
    %ge3A_980 = arith.cmpi sge, %add3A_977, %mul3A_6 : i32
    %and3A_981 = arith.andi %gt3A_979, %ge3A_980 : i1
    %add3A_982 = arith.constant 1024 : i32
    %add3A_983 = arith.addi %mul3A_6, %add3A_982 : i32
    %lt3A_984 = arith.cmpi slt, %add3A_977, %add3A_983 : i32
    %and3A_985 = arith.andi %and3A_981, %lt3A_984 : i1
    %convert_element_type3A_986 = arith.extui %and3A_985 : i1 to i32
    %cond3A_987 = arith.constant 0 : i32
    %cond3A_988 = arith.cmpi ne, %convert_element_type3A_986, %cond3A_987 : i32
    scf.if %cond3A_988 {
      %mul3A_1064 = arith.constant 1024 : i32
      %mul3A_1065 = arith.muli %add3A_977, %mul3A_1064 : i32
      "tpu.region"() ({
        %run_scoped3A = tpu.sem_alloc : memref<!tpu.dma_semaphore, #tpu.memory_space<semaphore_mem>>
        %dma_start3A_1066 = tpu.memref_slice %arg6[%mul3A_1065] : memref<33554432xf32, #tpu.memory_space<hbm>> -> memref<1024xf32, #tpu.memory_space<hbm>>
        %dma_start3A_1067 = arith.constant 59392 : i32
        %dma_start3A_1068 = tpu.memref_slice %arg3[%dma_start3A_1067] : memref<65536xf32, #tpu.memory_space<hbm>> -> memref<1024xf32, #tpu.memory_space<hbm>>
        tpu.enqueue_dma source(%dma_start3A_1068 : memref<1024xf32, #tpu.memory_space<hbm>>) target(%dma_start3A_1066 : memref<1024xf32, #tpu.memory_space<hbm>>) target_semaphore(%run_scoped3A : memref<!tpu.dma_semaphore, #tpu.memory_space<semaphore_mem>>)
        %dma_wait3A_1069 = tpu.memref_slice %arg6[%mul3A_1065] : memref<33554432xf32, #tpu.memory_space<hbm>> -> memref<1024xf32, #tpu.memory_space<hbm>>
        %dma_wait3A_1070 = arith.constant 59392 : i32
        %dma_wait3A_1071 = tpu.memref_slice %arg3[%dma_wait3A_1070] : memref<65536xf32, #tpu.memory_space<hbm>> -> memref<1024xf32, #tpu.memory_space<hbm>>
        tpu.wait_dma2 semaphore(%run_scoped3A : memref<!tpu.dma_semaphore, #tpu.memory_space<semaphore_mem>>) src(%dma_wait3A_1071 : memref<1024xf32, #tpu.memory_space<hbm>>) dst(%dma_wait3A_1069 : memref<1024xf32, #tpu.memory_space<hbm>>)
        tpu.yield
      }) : () -> ()
    } else {
    }
    %add3A_989 = arith.constant 28672 : i32
    %add3A_990 = arith.addi %add3A_989, %squeeze3A_941 : i32
    %add3A_991 = arith.constant 3 : i32
    %add3A_992 = arith.addi %add3A_990, %add3A_991 : i32
    %gt3A_993 = arith.constant 3 : i32
    %gt3A_994 = arith.cmpi sgt, %squeeze3A_943, %gt3A_993 : i32
    %ge3A_995 = arith.cmpi sge, %add3A_992, %mul3A_6 : i32
    %and3A_996 = arith.andi %gt3A_994, %ge3A_995 : i1
    %add3A_997 = arith.constant 1024 : i32
    %add3A_998 = arith.addi %mul3A_6, %add3A_997 : i32
    %lt3A_999 = arith.cmpi slt, %add3A_992, %add3A_998 : i32
    %and3A_1000 = arith.andi %and3A_996, %lt3A_999 : i1
    %convert_element_type3A_1001 = arith.extui %and3A_1000 : i1 to i32
    %cond3A_1002 = arith.constant 0 : i32
    %cond3A_1003 = arith.cmpi ne, %convert_element_type3A_1001, %cond3A_1002 : i32
    scf.if %cond3A_1003 {
      %mul3A_1064 = arith.constant 1024 : i32
      %mul3A_1065 = arith.muli %add3A_992, %mul3A_1064 : i32
      "tpu.region"() ({
        %run_scoped3A = tpu.sem_alloc : memref<!tpu.dma_semaphore, #tpu.memory_space<semaphore_mem>>
        %dma_start3A_1066 = tpu.memref_slice %arg6[%mul3A_1065] : memref<33554432xf32, #tpu.memory_space<hbm>> -> memref<1024xf32, #tpu.memory_space<hbm>>
        %dma_start3A_1067 = arith.constant 60416 : i32
        %dma_start3A_1068 = tpu.memref_slice %arg3[%dma_start3A_1067] : memref<65536xf32, #tpu.memory_space<hbm>> -> memref<1024xf32, #tpu.memory_space<hbm>>
        tpu.enqueue_dma source(%dma_start3A_1068 : memref<1024xf32, #tpu.memory_space<hbm>>) target(%dma_start3A_1066 : memref<1024xf32, #tpu.memory_space<hbm>>) target_semaphore(%run_scoped3A : memref<!tpu.dma_semaphore, #tpu.memory_space<semaphore_mem>>)
        %dma_wait3A_1069 = tpu.memref_slice %arg6[%mul3A_1065] : memref<33554432xf32, #tpu.memory_space<hbm>> -> memref<1024xf32, #tpu.memory_space<hbm>>
        %dma_wait3A_1070 = arith.constant 60416 : i32
        %dma_wait3A_1071 = tpu.memref_slice %arg3[%dma_wait3A_1070] : memref<65536xf32, #tpu.memory_space<hbm>> -> memref<1024xf32, #tpu.memory_space<hbm>>
        tpu.wait_dma2 semaphore(%run_scoped3A : memref<!tpu.dma_semaphore, #tpu.memory_space<semaphore_mem>>) src(%dma_wait3A_1071 : memref<1024xf32, #tpu.memory_space<hbm>>) dst(%dma_wait3A_1069 : memref<1024xf32, #tpu.memory_space<hbm>>)
        tpu.yield
      }) : () -> ()
    } else {
    }
    %add3A_1004 = arith.constant 28672 : i32
    %add3A_1005 = arith.addi %add3A_1004, %squeeze3A_941 : i32
    %add3A_1006 = arith.constant 4 : i32
    %add3A_1007 = arith.addi %add3A_1005, %add3A_1006 : i32
    %gt3A_1008 = arith.constant 4 : i32
    %gt3A_1009 = arith.cmpi sgt, %squeeze3A_943, %gt3A_1008 : i32
    %ge3A_1010 = arith.cmpi sge, %add3A_1007, %mul3A_6 : i32
    %and3A_1011 = arith.andi %gt3A_1009, %ge3A_1010 : i1
    %add3A_1012 = arith.constant 1024 : i32
    %add3A_1013 = arith.addi %mul3A_6, %add3A_1012 : i32
    %lt3A_1014 = arith.cmpi slt, %add3A_1007, %add3A_1013 : i32
    %and3A_1015 = arith.andi %and3A_1011, %lt3A_1014 : i1
    %convert_element_type3A_1016 = arith.extui %and3A_1015 : i1 to i32
    %cond3A_1017 = arith.constant 0 : i32
    %cond3A_1018 = arith.cmpi ne, %convert_element_type3A_1016, %cond3A_1017 : i32
    scf.if %cond3A_1018 {
      %mul3A_1064 = arith.constant 1024 : i32
      %mul3A_1065 = arith.muli %add3A_1007, %mul3A_1064 : i32
      "tpu.region"() ({
        %run_scoped3A = tpu.sem_alloc : memref<!tpu.dma_semaphore, #tpu.memory_space<semaphore_mem>>
        %dma_start3A_1066 = tpu.memref_slice %arg6[%mul3A_1065] : memref<33554432xf32, #tpu.memory_space<hbm>> -> memref<1024xf32, #tpu.memory_space<hbm>>
        %dma_start3A_1067 = arith.constant 61440 : i32
        %dma_start3A_1068 = tpu.memref_slice %arg3[%dma_start3A_1067] : memref<65536xf32, #tpu.memory_space<hbm>> -> memref<1024xf32, #tpu.memory_space<hbm>>
        tpu.enqueue_dma source(%dma_start3A_1068 : memref<1024xf32, #tpu.memory_space<hbm>>) target(%dma_start3A_1066 : memref<1024xf32, #tpu.memory_space<hbm>>) target_semaphore(%run_scoped3A : memref<!tpu.dma_semaphore, #tpu.memory_space<semaphore_mem>>)
        %dma_wait3A_1069 = tpu.memref_slice %arg6[%mul3A_1065] : memref<33554432xf32, #tpu.memory_space<hbm>> -> memref<1024xf32, #tpu.memory_space<hbm>>
        %dma_wait3A_1070 = arith.constant 61440 : i32
        %dma_wait3A_1071 = tpu.memref_slice %arg3[%dma_wait3A_1070] : memref<65536xf32, #tpu.memory_space<hbm>> -> memref<1024xf32, #tpu.memory_space<hbm>>
        tpu.wait_dma2 semaphore(%run_scoped3A : memref<!tpu.dma_semaphore, #tpu.memory_space<semaphore_mem>>) src(%dma_wait3A_1071 : memref<1024xf32, #tpu.memory_space<hbm>>) dst(%dma_wait3A_1069 : memref<1024xf32, #tpu.memory_space<hbm>>)
        tpu.yield
      }) : () -> ()
    } else {
    }
    %add3A_1019 = arith.constant 28672 : i32
    %add3A_1020 = arith.addi %add3A_1019, %squeeze3A_941 : i32
    %add3A_1021 = arith.constant 5 : i32
    %add3A_1022 = arith.addi %add3A_1020, %add3A_1021 : i32
    %gt3A_1023 = arith.constant 5 : i32
    %gt3A_1024 = arith.cmpi sgt, %squeeze3A_943, %gt3A_1023 : i32
    %ge3A_1025 = arith.cmpi sge, %add3A_1022, %mul3A_6 : i32
    %and3A_1026 = arith.andi %gt3A_1024, %ge3A_1025 : i1
    %add3A_1027 = arith.constant 1024 : i32
    %add3A_1028 = arith.addi %mul3A_6, %add3A_1027 : i32
    %lt3A_1029 = arith.cmpi slt, %add3A_1022, %add3A_1028 : i32
    %and3A_1030 = arith.andi %and3A_1026, %lt3A_1029 : i1
    %convert_element_type3A_1031 = arith.extui %and3A_1030 : i1 to i32
    %cond3A_1032 = arith.constant 0 : i32
    %cond3A_1033 = arith.cmpi ne, %convert_element_type3A_1031, %cond3A_1032 : i32
    scf.if %cond3A_1033 {
      %mul3A_1064 = arith.constant 1024 : i32
      %mul3A_1065 = arith.muli %add3A_1022, %mul3A_1064 : i32
      "tpu.region"() ({
        %run_scoped3A = tpu.sem_alloc : memref<!tpu.dma_semaphore, #tpu.memory_space<semaphore_mem>>
        %dma_start3A_1066 = tpu.memref_slice %arg6[%mul3A_1065] : memref<33554432xf32, #tpu.memory_space<hbm>> -> memref<1024xf32, #tpu.memory_space<hbm>>
        %dma_start3A_1067 = arith.constant 62464 : i32
        %dma_start3A_1068 = tpu.memref_slice %arg3[%dma_start3A_1067] : memref<65536xf32, #tpu.memory_space<hbm>> -> memref<1024xf32, #tpu.memory_space<hbm>>
        tpu.enqueue_dma source(%dma_start3A_1068 : memref<1024xf32, #tpu.memory_space<hbm>>) target(%dma_start3A_1066 : memref<1024xf32, #tpu.memory_space<hbm>>) target_semaphore(%run_scoped3A : memref<!tpu.dma_semaphore, #tpu.memory_space<semaphore_mem>>)
        %dma_wait3A_1069 = tpu.memref_slice %arg6[%mul3A_1065] : memref<33554432xf32, #tpu.memory_space<hbm>> -> memref<1024xf32, #tpu.memory_space<hbm>>
        %dma_wait3A_1070 = arith.constant 62464 : i32
        %dma_wait3A_1071 = tpu.memref_slice %arg3[%dma_wait3A_1070] : memref<65536xf32, #tpu.memory_space<hbm>> -> memref<1024xf32, #tpu.memory_space<hbm>>
        tpu.wait_dma2 semaphore(%run_scoped3A : memref<!tpu.dma_semaphore, #tpu.memory_space<semaphore_mem>>) src(%dma_wait3A_1071 : memref<1024xf32, #tpu.memory_space<hbm>>) dst(%dma_wait3A_1069 : memref<1024xf32, #tpu.memory_space<hbm>>)
        tpu.yield
      }) : () -> ()
    } else {
    }
    %add3A_1034 = arith.constant 28672 : i32
    %add3A_1035 = arith.addi %add3A_1034, %squeeze3A_941 : i32
    %add3A_1036 = arith.constant 6 : i32
    %add3A_1037 = arith.addi %add3A_1035, %add3A_1036 : i32
    %gt3A_1038 = arith.constant 6 : i32
    %gt3A_1039 = arith.cmpi sgt, %squeeze3A_943, %gt3A_1038 : i32
    %ge3A_1040 = arith.cmpi sge, %add3A_1037, %mul3A_6 : i32
    %and3A_1041 = arith.andi %gt3A_1039, %ge3A_1040 : i1
    %add3A_1042 = arith.constant 1024 : i32
    %add3A_1043 = arith.addi %mul3A_6, %add3A_1042 : i32
    %lt3A_1044 = arith.cmpi slt, %add3A_1037, %add3A_1043 : i32
    %and3A_1045 = arith.andi %and3A_1041, %lt3A_1044 : i1
    %convert_element_type3A_1046 = arith.extui %and3A_1045 : i1 to i32
    %cond3A_1047 = arith.constant 0 : i32
    %cond3A_1048 = arith.cmpi ne, %convert_element_type3A_1046, %cond3A_1047 : i32
    scf.if %cond3A_1048 {
      %mul3A_1064 = arith.constant 1024 : i32
      %mul3A_1065 = arith.muli %add3A_1037, %mul3A_1064 : i32
      "tpu.region"() ({
        %run_scoped3A = tpu.sem_alloc : memref<!tpu.dma_semaphore, #tpu.memory_space<semaphore_mem>>
        %dma_start3A_1066 = tpu.memref_slice %arg6[%mul3A_1065] : memref<33554432xf32, #tpu.memory_space<hbm>> -> memref<1024xf32, #tpu.memory_space<hbm>>
        %dma_start3A_1067 = arith.constant 63488 : i32
        %dma_start3A_1068 = tpu.memref_slice %arg3[%dma_start3A_1067] : memref<65536xf32, #tpu.memory_space<hbm>> -> memref<1024xf32, #tpu.memory_space<hbm>>
        tpu.enqueue_dma source(%dma_start3A_1068 : memref<1024xf32, #tpu.memory_space<hbm>>) target(%dma_start3A_1066 : memref<1024xf32, #tpu.memory_space<hbm>>) target_semaphore(%run_scoped3A : memref<!tpu.dma_semaphore, #tpu.memory_space<semaphore_mem>>)
        %dma_wait3A_1069 = tpu.memref_slice %arg6[%mul3A_1065] : memref<33554432xf32, #tpu.memory_space<hbm>> -> memref<1024xf32, #tpu.memory_space<hbm>>
        %dma_wait3A_1070 = arith.constant 63488 : i32
        %dma_wait3A_1071 = tpu.memref_slice %arg3[%dma_wait3A_1070] : memref<65536xf32, #tpu.memory_space<hbm>> -> memref<1024xf32, #tpu.memory_space<hbm>>
        tpu.wait_dma2 semaphore(%run_scoped3A : memref<!tpu.dma_semaphore, #tpu.memory_space<semaphore_mem>>) src(%dma_wait3A_1071 : memref<1024xf32, #tpu.memory_space<hbm>>) dst(%dma_wait3A_1069 : memref<1024xf32, #tpu.memory_space<hbm>>)
        tpu.yield
      }) : () -> ()
    } else {
    }
    %add3A_1049 = arith.constant 28672 : i32
    %add3A_1050 = arith.addi %add3A_1049, %squeeze3A_941 : i32
    %add3A_1051 = arith.constant 7 : i32
    %add3A_1052 = arith.addi %add3A_1050, %add3A_1051 : i32
    %gt3A_1053 = arith.constant 7 : i32
    %gt3A_1054 = arith.cmpi sgt, %squeeze3A_943, %gt3A_1053 : i32
    %ge3A_1055 = arith.cmpi sge, %add3A_1052, %mul3A_6 : i32
    %and3A_1056 = arith.andi %gt3A_1054, %ge3A_1055 : i1
    %add3A_1057 = arith.constant 1024 : i32
    %add3A_1058 = arith.addi %mul3A_6, %add3A_1057 : i32
    %lt3A_1059 = arith.cmpi slt, %add3A_1052, %add3A_1058 : i32
    %and3A_1060 = arith.andi %and3A_1056, %lt3A_1059 : i1
    %convert_element_type3A_1061 = arith.extui %and3A_1060 : i1 to i32
    %cond3A_1062 = arith.constant 0 : i32
    %cond3A_1063 = arith.cmpi ne, %convert_element_type3A_1061, %cond3A_1062 : i32
    scf.if %cond3A_1063 {
      %mul3A_1064 = arith.constant 1024 : i32
      %mul3A_1065 = arith.muli %add3A_1052, %mul3A_1064 : i32
      "tpu.region"() ({
        %run_scoped3A = tpu.sem_alloc : memref<!tpu.dma_semaphore, #tpu.memory_space<semaphore_mem>>
        %dma_start3A_1066 = tpu.memref_slice %arg6[%mul3A_1065] : memref<33554432xf32, #tpu.memory_space<hbm>> -> memref<1024xf32, #tpu.memory_space<hbm>>
        %dma_start3A_1067 = arith.constant 64512 : i32
        %dma_start3A_1068 = tpu.memref_slice %arg3[%dma_start3A_1067] : memref<65536xf32, #tpu.memory_space<hbm>> -> memref<1024xf32, #tpu.memory_space<hbm>>
        tpu.enqueue_dma source(%dma_start3A_1068 : memref<1024xf32, #tpu.memory_space<hbm>>) target(%dma_start3A_1066 : memref<1024xf32, #tpu.memory_space<hbm>>) target_semaphore(%run_scoped3A : memref<!tpu.dma_semaphore, #tpu.memory_space<semaphore_mem>>)
        %dma_wait3A_1069 = tpu.memref_slice %arg6[%mul3A_1065] : memref<33554432xf32, #tpu.memory_space<hbm>> -> memref<1024xf32, #tpu.memory_space<hbm>>
        %dma_wait3A_1070 = arith.constant 64512 : i32
        %dma_wait3A_1071 = tpu.memref_slice %arg3[%dma_wait3A_1070] : memref<65536xf32, #tpu.memory_space<hbm>> -> memref<1024xf32, #tpu.memory_space<hbm>>
        tpu.wait_dma2 semaphore(%run_scoped3A : memref<!tpu.dma_semaphore, #tpu.memory_space<semaphore_mem>>) src(%dma_wait3A_1071 : memref<1024xf32, #tpu.memory_space<hbm>>) dst(%dma_wait3A_1069 : memref<1024xf32, #tpu.memory_space<hbm>>)
        tpu.yield
      }) : () -> ()
    } else {
    }
    return
  }
}

module attributes {stable_mosaic.version = 14 : i64} {
  func.func @_tc_k_body(%arg0: i32, %arg1: i32, %arg2: memref<8xi32, #tpu.memory_space<smem>>, %arg3: memref<8xi32, #tpu.memory_space<smem>>, %arg4: memref<1x1024x8x128xf32, #tpu.memory_space<vmem>>, %arg5: memref<1x8x8x128xf32, #tpu.memory_space<vmem>>, %arg6: memref<1x1024x8x128xf32, #tpu.memory_space<vmem>>, %arg7: memref<8xi32, #tpu.memory_space<smem>>) attributes {dimension_semantics = [#tpu.dimension_semantics<arbitrary>, #tpu.dimension_semantics<arbitrary>], iteration_bounds = array<i64: 8, 4>, scalar_prefetch = 2 : i64, scratch_operands = 0 : i64, tpu.core_type = #tpu.core_type<tc>, window_params = [{transform_indices = @transform_0, window_bounds = array<i64: 1, 1024, 8, 128>}, {transform_indices = @transform_1, window_bounds = array<i64: 1, 8, 8, 128>}, {transform_indices = @transform_2, window_bounds = array<i64: 1, 1024, 8, 128>}, {transform_indices = @transform_3, window_bounds = array<i64: 8>}]} {
    %mul3A = arith.constant 1024 : i32
    %mul3A_0 = arith.muli %arg1, %mul3A : i32
    %get3A = arith.index_cast %arg0 : i32 to index
    %get3A_1 = memref.load %arg2[%get3A] : memref<8xi32, #tpu.memory_space<smem>>
    %get3A_2 = arith.index_cast %arg0 : i32 to index
    %get3A_3 = memref.load %arg3[%get3A_2] : memref<8xi32, #tpu.memory_space<smem>>
    %get3A_4 = arith.constant 0 : index
    %get3A_5 = arith.constant 0 : index
    %get3A_6 = arith.constant 0 : index
    %get3A_7 = arith.constant 0 : index
    %get3A_8 = vector.load %arg4[%get3A_4, %get3A_5, %get3A_6, %get3A_7] : memref<1x1024x8x128xf32, #tpu.memory_space<vmem>>, vector<1x1024x8x128xf32>
    %swap3A = arith.constant 0 : index
    %swap3A_9 = arith.constant 0 : index
    %swap3A_10 = arith.constant 0 : index
    %swap3A_11 = arith.constant 0 : index
    %swap3A_12 = vector.load %arg6[%swap3A, %swap3A_9, %swap3A_10, %swap3A_11] : memref<1x1024x8x128xf32, #tpu.memory_space<vmem>>, vector<1x1024x8x128xf32>
    tpu.vector_store %arg6[%swap3A, %swap3A_9, %swap3A_10, %swap3A_11], %get3A_8 {strides = array<i32>} : memref<1x1024x8x128xf32, #tpu.memory_space<vmem>>, vector<1x1024x8x128xf32>,
    %add3A = arith.constant 0 : i32
    %add3A_13 = arith.addi %get3A_1, %add3A : i32
    %gt3A = arith.constant 0 : i32
    %gt3A_14 = arith.cmpi sgt, %get3A_3, %gt3A : i32
    %ge3A = arith.cmpi sge, %add3A_13, %mul3A_0 : i32
    %and3A = arith.andi %gt3A_14, %ge3A : i1
    %add3A_15 = arith.constant 1024 : i32
    %add3A_16 = arith.addi %mul3A_0, %add3A_15 : i32
    %lt3A = arith.cmpi slt, %add3A_13, %add3A_16 : i32
    %and3A_17 = arith.andi %and3A, %lt3A : i1
    %convert_element_type3A = arith.extui %and3A_17 : i1 to i32
    %cond3A = arith.constant 0 : i32
    %cond3A_18 = arith.cmpi ne, %convert_element_type3A, %cond3A : i32
    scf.if %cond3A_18 {
      %get3A_114 = arith.constant 0 : index
      %get3A_115 = arith.constant 0 : index
      %get3A_116 = arith.constant 0 : index
      %get3A_117 = arith.constant 0 : index
      %get3A_118 = vector.load %arg5[%get3A_114, %get3A_115, %get3A_116, %get3A_117] : memref<1x8x8x128xf32, #tpu.memory_space<vmem>>, vector<1x1x8x128xf32>
      %get3A_119 = vector.shape_cast %get3A_118 : vector<1x1x8x128xf32> to vector<1x8x128xf32>
      %sub3A = arith.subi %add3A_13, %mul3A_0 : i32
      %swap3A_120 = arith.constant 0 : index
      %swap3A_121 = arith.index_cast %sub3A : i32 to index
      %swap3A_122 = arith.constant 0 : index
      %swap3A_123 = arith.constant 0 : index
      %swap3A_124 = vector.load %arg6[%swap3A_120, %swap3A_121, %swap3A_122, %swap3A_123] : memref<1x1024x8x128xf32, #tpu.memory_space<vmem>>, vector<1x1x8x128xf32>
      %swap3A_125 = vector.shape_cast %swap3A_124 : vector<1x1x8x128xf32> to vector<1x8x128xf32>
      %swap3A_126 = vector.shape_cast %get3A_119 : vector<1x8x128xf32> to vector<1x1x8x128xf32>
      tpu.vector_store %arg6[%swap3A_120, %swap3A_121, %swap3A_122, %swap3A_123], %swap3A_126 {strides = array<i32>} : memref<1x1024x8x128xf32, #tpu.memory_space<vmem>>, vector<1x1x8x128xf32>,
    } else {
    }
    %add3A_19 = arith.constant 1 : i32
    %add3A_20 = arith.addi %get3A_1, %add3A_19 : i32
    %gt3A_21 = arith.constant 1 : i32
    %gt3A_22 = arith.cmpi sgt, %get3A_3, %gt3A_21 : i32
    %ge3A_23 = arith.cmpi sge, %add3A_20, %mul3A_0 : i32
    %and3A_24 = arith.andi %gt3A_22, %ge3A_23 : i1
    %add3A_25 = arith.constant 1024 : i32
    %add3A_26 = arith.addi %mul3A_0, %add3A_25 : i32
    %lt3A_27 = arith.cmpi slt, %add3A_20, %add3A_26 : i32
    %and3A_28 = arith.andi %and3A_24, %lt3A_27 : i1
    %convert_element_type3A_29 = arith.extui %and3A_28 : i1 to i32
    %cond3A_30 = arith.constant 0 : i32
    %cond3A_31 = arith.cmpi ne, %convert_element_type3A_29, %cond3A_30 : i32
    scf.if %cond3A_31 {
      %get3A_114 = arith.constant 0 : index
      %get3A_115 = arith.constant 1 : index
      %get3A_116 = arith.constant 0 : index
      %get3A_117 = arith.constant 0 : index
      %get3A_118 = vector.load %arg5[%get3A_114, %get3A_115, %get3A_116, %get3A_117] : memref<1x8x8x128xf32, #tpu.memory_space<vmem>>, vector<1x1x8x128xf32>
      %get3A_119 = vector.shape_cast %get3A_118 : vector<1x1x8x128xf32> to vector<1x8x128xf32>
      %sub3A = arith.subi %add3A_20, %mul3A_0 : i32
      %swap3A_120 = arith.constant 0 : index
      %swap3A_121 = arith.index_cast %sub3A : i32 to index
      %swap3A_122 = arith.constant 0 : index
      %swap3A_123 = arith.constant 0 : index
      %swap3A_124 = vector.load %arg6[%swap3A_120, %swap3A_121, %swap3A_122, %swap3A_123] : memref<1x1024x8x128xf32, #tpu.memory_space<vmem>>, vector<1x1x8x128xf32>
      %swap3A_125 = vector.shape_cast %swap3A_124 : vector<1x1x8x128xf32> to vector<1x8x128xf32>
      %swap3A_126 = vector.shape_cast %get3A_119 : vector<1x8x128xf32> to vector<1x1x8x128xf32>
      tpu.vector_store %arg6[%swap3A_120, %swap3A_121, %swap3A_122, %swap3A_123], %swap3A_126 {strides = array<i32>} : memref<1x1024x8x128xf32, #tpu.memory_space<vmem>>, vector<1x1x8x128xf32>,
    } else {
    }
    %add3A_32 = arith.constant 2 : i32
    %add3A_33 = arith.addi %get3A_1, %add3A_32 : i32
    %gt3A_34 = arith.constant 2 : i32
    %gt3A_35 = arith.cmpi sgt, %get3A_3, %gt3A_34 : i32
    %ge3A_36 = arith.cmpi sge, %add3A_33, %mul3A_0 : i32
    %and3A_37 = arith.andi %gt3A_35, %ge3A_36 : i1
    %add3A_38 = arith.constant 1024 : i32
    %add3A_39 = arith.addi %mul3A_0, %add3A_38 : i32
    %lt3A_40 = arith.cmpi slt, %add3A_33, %add3A_39 : i32
    %and3A_41 = arith.andi %and3A_37, %lt3A_40 : i1
    %convert_element_type3A_42 = arith.extui %and3A_41 : i1 to i32
    %cond3A_43 = arith.constant 0 : i32
    %cond3A_44 = arith.cmpi ne, %convert_element_type3A_42, %cond3A_43 : i32
    scf.if %cond3A_44 {
      %get3A_114 = arith.constant 0 : index
      %get3A_115 = arith.constant 2 : index
      %get3A_116 = arith.constant 0 : index
      %get3A_117 = arith.constant 0 : index
      %get3A_118 = vector.load %arg5[%get3A_114, %get3A_115, %get3A_116, %get3A_117] : memref<1x8x8x128xf32, #tpu.memory_space<vmem>>, vector<1x1x8x128xf32>
      %get3A_119 = vector.shape_cast %get3A_118 : vector<1x1x8x128xf32> to vector<1x8x128xf32>
      %sub3A = arith.subi %add3A_33, %mul3A_0 : i32
      %swap3A_120 = arith.constant 0 : index
      %swap3A_121 = arith.index_cast %sub3A : i32 to index
      %swap3A_122 = arith.constant 0 : index
      %swap3A_123 = arith.constant 0 : index
      %swap3A_124 = vector.load %arg6[%swap3A_120, %swap3A_121, %swap3A_122, %swap3A_123] : memref<1x1024x8x128xf32, #tpu.memory_space<vmem>>, vector<1x1x8x128xf32>
      %swap3A_125 = vector.shape_cast %swap3A_124 : vector<1x1x8x128xf32> to vector<1x8x128xf32>
      %swap3A_126 = vector.shape_cast %get3A_119 : vector<1x8x128xf32> to vector<1x1x8x128xf32>
      tpu.vector_store %arg6[%swap3A_120, %swap3A_121, %swap3A_122, %swap3A_123], %swap3A_126 {strides = array<i32>} : memref<1x1024x8x128xf32, #tpu.memory_space<vmem>>, vector<1x1x8x128xf32>,
    } else {
    }
    %add3A_45 = arith.constant 3 : i32
    %add3A_46 = arith.addi %get3A_1, %add3A_45 : i32
    %gt3A_47 = arith.constant 3 : i32
    %gt3A_48 = arith.cmpi sgt, %get3A_3, %gt3A_47 : i32
    %ge3A_49 = arith.cmpi sge, %add3A_46, %mul3A_0 : i32
    %and3A_50 = arith.andi %gt3A_48, %ge3A_49 : i1
    %add3A_51 = arith.constant 1024 : i32
    %add3A_52 = arith.addi %mul3A_0, %add3A_51 : i32
    %lt3A_53 = arith.cmpi slt, %add3A_46, %add3A_52 : i32
    %and3A_54 = arith.andi %and3A_50, %lt3A_53 : i1
    %convert_element_type3A_55 = arith.extui %and3A_54 : i1 to i32
    %cond3A_56 = arith.constant 0 : i32
    %cond3A_57 = arith.cmpi ne, %convert_element_type3A_55, %cond3A_56 : i32
    scf.if %cond3A_57 {
      %get3A_114 = arith.constant 0 : index
      %get3A_115 = arith.constant 3 : index
      %get3A_116 = arith.constant 0 : index
      %get3A_117 = arith.constant 0 : index
      %get3A_118 = vector.load %arg5[%get3A_114, %get3A_115, %get3A_116, %get3A_117] : memref<1x8x8x128xf32, #tpu.memory_space<vmem>>, vector<1x1x8x128xf32>
      %get3A_119 = vector.shape_cast %get3A_118 : vector<1x1x8x128xf32> to vector<1x8x128xf32>
      %sub3A = arith.subi %add3A_46, %mul3A_0 : i32
      %swap3A_120 = arith.constant 0 : index
      %swap3A_121 = arith.index_cast %sub3A : i32 to index
      %swap3A_122 = arith.constant 0 : index
      %swap3A_123 = arith.constant 0 : index
      %swap3A_124 = vector.load %arg6[%swap3A_120, %swap3A_121, %swap3A_122, %swap3A_123] : memref<1x1024x8x128xf32, #tpu.memory_space<vmem>>, vector<1x1x8x128xf32>
      %swap3A_125 = vector.shape_cast %swap3A_124 : vector<1x1x8x128xf32> to vector<1x8x128xf32>
      %swap3A_126 = vector.shape_cast %get3A_119 : vector<1x8x128xf32> to vector<1x1x8x128xf32>
      tpu.vector_store %arg6[%swap3A_120, %swap3A_121, %swap3A_122, %swap3A_123], %swap3A_126 {strides = array<i32>} : memref<1x1024x8x128xf32, #tpu.memory_space<vmem>>, vector<1x1x8x128xf32>,
    } else {
    }
    %add3A_58 = arith.constant 4 : i32
    %add3A_59 = arith.addi %get3A_1, %add3A_58 : i32
    %gt3A_60 = arith.constant 4 : i32
    %gt3A_61 = arith.cmpi sgt, %get3A_3, %gt3A_60 : i32
    %ge3A_62 = arith.cmpi sge, %add3A_59, %mul3A_0 : i32
    %and3A_63 = arith.andi %gt3A_61, %ge3A_62 : i1
    %add3A_64 = arith.constant 1024 : i32
    %add3A_65 = arith.addi %mul3A_0, %add3A_64 : i32
    %lt3A_66 = arith.cmpi slt, %add3A_59, %add3A_65 : i32
    %and3A_67 = arith.andi %and3A_63, %lt3A_66 : i1
    %convert_element_type3A_68 = arith.extui %and3A_67 : i1 to i32
    %cond3A_69 = arith.constant 0 : i32
    %cond3A_70 = arith.cmpi ne, %convert_element_type3A_68, %cond3A_69 : i32
    scf.if %cond3A_70 {
      %get3A_114 = arith.constant 0 : index
      %get3A_115 = arith.constant 4 : index
      %get3A_116 = arith.constant 0 : index
      %get3A_117 = arith.constant 0 : index
      %get3A_118 = vector.load %arg5[%get3A_114, %get3A_115, %get3A_116, %get3A_117] : memref<1x8x8x128xf32, #tpu.memory_space<vmem>>, vector<1x1x8x128xf32>
      %get3A_119 = vector.shape_cast %get3A_118 : vector<1x1x8x128xf32> to vector<1x8x128xf32>
      %sub3A = arith.subi %add3A_59, %mul3A_0 : i32
      %swap3A_120 = arith.constant 0 : index
      %swap3A_121 = arith.index_cast %sub3A : i32 to index
      %swap3A_122 = arith.constant 0 : index
      %swap3A_123 = arith.constant 0 : index
      %swap3A_124 = vector.load %arg6[%swap3A_120, %swap3A_121, %swap3A_122, %swap3A_123] : memref<1x1024x8x128xf32, #tpu.memory_space<vmem>>, vector<1x1x8x128xf32>
      %swap3A_125 = vector.shape_cast %swap3A_124 : vector<1x1x8x128xf32> to vector<1x8x128xf32>
      %swap3A_126 = vector.shape_cast %get3A_119 : vector<1x8x128xf32> to vector<1x1x8x128xf32>
      tpu.vector_store %arg6[%swap3A_120, %swap3A_121, %swap3A_122, %swap3A_123], %swap3A_126 {strides = array<i32>} : memref<1x1024x8x128xf32, #tpu.memory_space<vmem>>, vector<1x1x8x128xf32>,
    } else {
    }
    %add3A_71 = arith.constant 5 : i32
    %add3A_72 = arith.addi %get3A_1, %add3A_71 : i32
    %gt3A_73 = arith.constant 5 : i32
    %gt3A_74 = arith.cmpi sgt, %get3A_3, %gt3A_73 : i32
    %ge3A_75 = arith.cmpi sge, %add3A_72, %mul3A_0 : i32
    %and3A_76 = arith.andi %gt3A_74, %ge3A_75 : i1
    %add3A_77 = arith.constant 1024 : i32
    %add3A_78 = arith.addi %mul3A_0, %add3A_77 : i32
    %lt3A_79 = arith.cmpi slt, %add3A_72, %add3A_78 : i32
    %and3A_80 = arith.andi %and3A_76, %lt3A_79 : i1
    %convert_element_type3A_81 = arith.extui %and3A_80 : i1 to i32
    %cond3A_82 = arith.constant 0 : i32
    %cond3A_83 = arith.cmpi ne, %convert_element_type3A_81, %cond3A_82 : i32
    scf.if %cond3A_83 {
      %get3A_114 = arith.constant 0 : index
      %get3A_115 = arith.constant 5 : index
      %get3A_116 = arith.constant 0 : index
      %get3A_117 = arith.constant 0 : index
      %get3A_118 = vector.load %arg5[%get3A_114, %get3A_115, %get3A_116, %get3A_117] : memref<1x8x8x128xf32, #tpu.memory_space<vmem>>, vector<1x1x8x128xf32>
      %get3A_119 = vector.shape_cast %get3A_118 : vector<1x1x8x128xf32> to vector<1x8x128xf32>
      %sub3A = arith.subi %add3A_72, %mul3A_0 : i32
      %swap3A_120 = arith.constant 0 : index
      %swap3A_121 = arith.index_cast %sub3A : i32 to index
      %swap3A_122 = arith.constant 0 : index
      %swap3A_123 = arith.constant 0 : index
      %swap3A_124 = vector.load %arg6[%swap3A_120, %swap3A_121, %swap3A_122, %swap3A_123] : memref<1x1024x8x128xf32, #tpu.memory_space<vmem>>, vector<1x1x8x128xf32>
      %swap3A_125 = vector.shape_cast %swap3A_124 : vector<1x1x8x128xf32> to vector<1x8x128xf32>
      %swap3A_126 = vector.shape_cast %get3A_119 : vector<1x8x128xf32> to vector<1x1x8x128xf32>
      tpu.vector_store %arg6[%swap3A_120, %swap3A_121, %swap3A_122, %swap3A_123], %swap3A_126 {strides = array<i32>} : memref<1x1024x8x128xf32, #tpu.memory_space<vmem>>, vector<1x1x8x128xf32>,
    } else {
    }
    %add3A_84 = arith.constant 6 : i32
    %add3A_85 = arith.addi %get3A_1, %add3A_84 : i32
    %gt3A_86 = arith.constant 6 : i32
    %gt3A_87 = arith.cmpi sgt, %get3A_3, %gt3A_86 : i32
    %ge3A_88 = arith.cmpi sge, %add3A_85, %mul3A_0 : i32
    %and3A_89 = arith.andi %gt3A_87, %ge3A_88 : i1
    %add3A_90 = arith.constant 1024 : i32
    %add3A_91 = arith.addi %mul3A_0, %add3A_90 : i32
    %lt3A_92 = arith.cmpi slt, %add3A_85, %add3A_91 : i32
    %and3A_93 = arith.andi %and3A_89, %lt3A_92 : i1
    %convert_element_type3A_94 = arith.extui %and3A_93 : i1 to i32
    %cond3A_95 = arith.constant 0 : i32
    %cond3A_96 = arith.cmpi ne, %convert_element_type3A_94, %cond3A_95 : i32
    scf.if %cond3A_96 {
      %get3A_114 = arith.constant 0 : index
      %get3A_115 = arith.constant 6 : index
      %get3A_116 = arith.constant 0 : index
      %get3A_117 = arith.constant 0 : index
      %get3A_118 = vector.load %arg5[%get3A_114, %get3A_115, %get3A_116, %get3A_117] : memref<1x8x8x128xf32, #tpu.memory_space<vmem>>, vector<1x1x8x128xf32>
      %get3A_119 = vector.shape_cast %get3A_118 : vector<1x1x8x128xf32> to vector<1x8x128xf32>
      %sub3A = arith.subi %add3A_85, %mul3A_0 : i32
      %swap3A_120 = arith.constant 0 : index
      %swap3A_121 = arith.index_cast %sub3A : i32 to index
      %swap3A_122 = arith.constant 0 : index
      %swap3A_123 = arith.constant 0 : index
      %swap3A_124 = vector.load %arg6[%swap3A_120, %swap3A_121, %swap3A_122, %swap3A_123] : memref<1x1024x8x128xf32, #tpu.memory_space<vmem>>, vector<1x1x8x128xf32>
      %swap3A_125 = vector.shape_cast %swap3A_124 : vector<1x1x8x128xf32> to vector<1x8x128xf32>
      %swap3A_126 = vector.shape_cast %get3A_119 : vector<1x8x128xf32> to vector<1x1x8x128xf32>
      tpu.vector_store %arg6[%swap3A_120, %swap3A_121, %swap3A_122, %swap3A_123], %swap3A_126 {strides = array<i32>} : memref<1x1024x8x128xf32, #tpu.memory_space<vmem>>, vector<1x1x8x128xf32>,
    } else {
    }
    %add3A_97 = arith.constant 7 : i32
    %add3A_98 = arith.addi %get3A_1, %add3A_97 : i32
    %gt3A_99 = arith.constant 7 : i32
    %gt3A_100 = arith.cmpi sgt, %get3A_3, %gt3A_99 : i32
    %ge3A_101 = arith.cmpi sge, %add3A_98, %mul3A_0 : i32
    %and3A_102 = arith.andi %gt3A_100, %ge3A_101 : i1
    %add3A_103 = arith.constant 1024 : i32
    %add3A_104 = arith.addi %mul3A_0, %add3A_103 : i32
    %lt3A_105 = arith.cmpi slt, %add3A_98, %add3A_104 : i32
    %and3A_106 = arith.andi %and3A_102, %lt3A_105 : i1
    %convert_element_type3A_107 = arith.extui %and3A_106 : i1 to i32
    %cond3A_108 = arith.constant 0 : i32
    %cond3A_109 = arith.cmpi ne, %convert_element_type3A_107, %cond3A_108 : i32
    scf.if %cond3A_109 {
      %get3A_114 = arith.constant 0 : index
      %get3A_115 = arith.constant 7 : index
      %get3A_116 = arith.constant 0 : index
      %get3A_117 = arith.constant 0 : index
      %get3A_118 = vector.load %arg5[%get3A_114, %get3A_115, %get3A_116, %get3A_117] : memref<1x8x8x128xf32, #tpu.memory_space<vmem>>, vector<1x1x8x128xf32>
      %get3A_119 = vector.shape_cast %get3A_118 : vector<1x1x8x128xf32> to vector<1x8x128xf32>
      %sub3A = arith.subi %add3A_98, %mul3A_0 : i32
      %swap3A_120 = arith.constant 0 : index
      %swap3A_121 = arith.index_cast %sub3A : i32 to index
      %swap3A_122 = arith.constant 0 : index
      %swap3A_123 = arith.constant 0 : index
      %swap3A_124 = vector.load %arg6[%swap3A_120, %swap3A_121, %swap3A_122, %swap3A_123] : memref<1x1024x8x128xf32, #tpu.memory_space<vmem>>, vector<1x1x8x128xf32>
      %swap3A_125 = vector.shape_cast %swap3A_124 : vector<1x1x8x128xf32> to vector<1x8x128xf32>
      %swap3A_126 = vector.shape_cast %get3A_119 : vector<1x8x128xf32> to vector<1x1x8x128xf32>
      tpu.vector_store %arg6[%swap3A_120, %swap3A_121, %swap3A_122, %swap3A_123], %swap3A_126 {strides = array<i32>} : memref<1x1024x8x128xf32, #tpu.memory_space<vmem>>, vector<1x1x8x128xf32>,
    } else {
    }
    %eq3A = arith.constant 0 : i32
    %eq3A_110 = arith.cmpi eq, %arg1, %eq3A : i32
    %convert_element_type3A_111 = arith.extui %eq3A_110 : i1 to i32
    %cond3A_112 = arith.constant 0 : i32
    %cond3A_113 = arith.cmpi ne, %convert_element_type3A_111, %cond3A_112 : i32
    scf.if %cond3A_113 {
      %add3A_114 = arith.addi %get3A_1, %get3A_3 : i32
      %swap3A_115 = arith.index_cast %arg0 : i32 to index
      %swap3A_116 = memref.load %arg7[%swap3A_115] : memref<8xi32, #tpu.memory_space<smem>>
      memref.store %add3A_114, %arg7[%swap3A_115] : memref<8xi32, #tpu.memory_space<smem>>
    } else {
    }
    return
  }
  func.func @transform_0(%arg0: i32, %arg1: i32, %arg2: memref<8xi32, #tpu.memory_space<smem>>, %arg3: memref<8xi32, #tpu.memory_space<smem>>) -> (i32, i32, i32, i32) {
    %c0_i32 = arith.constant 0 : i32
    %c0_i32_0 = arith.constant 0 : i32
    %c0_i32_1 = arith.constant 0 : i32
    return %arg0, %arg1, %c0_i32, %c0_i32_0 : i32, i32, i32, i32
  }
  func.func @transform_1(%arg0: i32, %arg1: i32, %arg2: memref<8xi32, #tpu.memory_space<smem>>, %arg3: memref<8xi32, #tpu.memory_space<smem>>) -> (i32, i32, i32, i32) {
    %c0_i32 = arith.constant 0 : i32
    %c0_i32_0 = arith.constant 0 : i32
    %c0_i32_1 = arith.constant 0 : i32
    %c0_i32_2 = arith.constant 0 : i32
    return %arg0, %c0_i32, %c0_i32_0, %c0_i32_1 : i32, i32, i32, i32
  }
  func.func @transform_2(%arg0: i32, %arg1: i32, %arg2: memref<8xi32, #tpu.memory_space<smem>>, %arg3: memref<8xi32, #tpu.memory_space<smem>>) -> (i32, i32, i32, i32) {
    %c0_i32 = arith.constant 0 : i32
    %c0_i32_0 = arith.constant 0 : i32
    %c0_i32_1 = arith.constant 0 : i32
    return %arg0, %arg1, %c0_i32, %c0_i32_0 : i32, i32, i32, i32
  }
  func.func @transform_3(%arg0: i32, %arg1: i32, %arg2: memref<8xi32, #tpu.memory_space<smem>>, %arg3: memref<8xi32, #tpu.memory_space<smem>>) -> i32 {
    %c0_i32 = arith.constant 0 : i32
    %c0_i32_0 = arith.constant 0 : i32
    return %c0_i32 : i32
  }
}

</mosaic_0001>

<sc_bundles>
// kernel: kernel.4.cloned.1.call-start
scs
__scs_entry_jumppad:
0x0: {  	(pc) =	sbr.rel $0x88, $3  }
0x1: {  	(tag) =	ssettag $0x0;
	lr =	simm.s32 $0x1  }
0x2: {  	[smem:$0x3F9B] =	sst lr;
	_ =	strace $0xD0000000  }
0x3: {  	_ = 	snop  }
0x4: {  	_ = 	snop  }
0x5: {  	_ = 	snop  }
0x6: {  	_ = 	snop  }
0x7: {  	_ = 	snop  }
__scs_overlays_trampoline_lowered:
0x8: {  	[smem:$0x3FAA] =	sst s0  }
0x9: {  	[smem:$0x3FAB] =	sst s1  }
0xa: {  	[smem:$0x3FAC] =	sst s2  }
0xb: {  	[smem:$0x3FAD] =	sst s3  }
0xc: {  	[smem:$0x3FAE] =	sst s4  }
0xd: {  	[smem:$0x3FAF] =	sst s5  }
0xe: {  	[smem:$0x3FB0] =	sst s6  }
0xf: {  	[smem:$0x3FB1] =	sst s7  }
0x10: {  	[smem:$0x3FB2] =	sst s8  }
0x11: {  	[smem:$0x3FB3] =	sst s9;
	s0 =	simm.s32 @!p0 $0x0  }
0x12: {  	s1 =	sld [smem:$0x3F99];
	s0 =	simm.s32 @p0 $0x1  }
0x13: {  	[smem:$0x3FB4] =	sst s0;
	s0 =	simm.s32 @!p1 $0x0  }
0x14: {  	s2 =	sld [smem:$0x3F98];
	s0 =	simm.s32 @p1 $0x1  }
0x15: {  	[smem:$0x3FB5] =	sst s0;
	s0 =	simm.s32 @!p2 $0x0  }
0x16: {  	s3 =	sld [smem:$0x3FDB];
	s0 =	simm.s32 @p2 $0x1  }
0x17: {  	s4 =	simm.s32 $0x1BF5;
	[smem:$0x3FB7] =	sst s0  }
0x18: {  	s0 =	sld [smem:$0x3F9A];
	_ =	swait.ge [sflag:s4], $0x0  }
0x19: {  	s7 =	sld [smem:$0x3F9B]  }
0x1a: {  	s8 =	sadd.s32 $0xFFFFE003, lr  }
0x1b: {  	s9 =	sadd.s32 $0xFFFFFEF7, lr;
	s5 =	simm.s32 $0xFFFFFFFF;
	p2 =	slt.u32 s8, $0xFFFFF086  }
0x1c: {  	p1 =	slt.u32 s9, $0xF7A;
	s5 =	simm.s32 @!p2 $0x0  }
0x1d: {  	s5 =	simm.s32 @p1 $0x1;
	p0 =	seq.s32 s7, s2  }
0x1e: {  	s7 =	smul.u32 @!p0 $0xF7A, s2;
	p2 =	seq.s32 @!p0 s5, $0x0  }
0x1f: {  	s9 =	smul.u32 $0xF7A, s1;
	s8 =	simm.s32 @!p0 $0x1BF5;
	p2 =	por !p2, p0  }
0x20: {  	[sflag:s8] =	ssyncset.s32 @!p0 $0xFFFFF086;
	s6 =	sadd.s32 @!p0 s3, s7;
	s7 =	simm.s32 @!p0 $0x108  }
0x21: {  	s3 =	sadd.s32 s3, s9;
	s6 =	sadd.s32 @!p0 $0x88, s6;
	s7 =	simm.s32 @p2 $0x1082  }
0x22: {  	[simem:s7], [sflag:s8] =	dma.local @!p0 [hbm:s6], $0xF7A  }
0x23: {  	s9 =	sor.u32 $0xD0000000, s2;
	s6 =	simm.s32 $0x108;
	_ =	swait.ge @!p0 [sflag:s8], $0x0  }
0x24: {  	s3 =	sadd.s32 $0x88, s3;
	s6 =	simm.s32 @!p1 $0x1082;
	[sflag:s4] =	ssyncset.s32 $0xFFFFF086  }
0x25: {  	[simem:s6], [sflag:s4] =	dma.local [hbm:s3], $0xF7A  }
0x26: {  	[smem:$0x3F9B] =	sst s1;
	(tag) =	ssettag s2;
	_ =	strace s9  }
0x27: {  	s1 =	sld [smem:$0x3FAB]  }
0x28: {  	s2 =	sld [smem:$0x3FAC]  }
0x29: {  	s4 =	sld [smem:$0x3FAE]  }
0x2a: {  	p0 =	seq.s32 s5, $0x0;
	s5 =	sld [smem:$0x3FAF]  }
0x2b: {  	s6 =	sld [smem:$0x3FB0]  }
0x2c: {  	s7 =	sld [smem:$0x3FB1]  }
0x2d: {  	s3 =	simm.s32 $0x108;
	s8 =	sld [smem:$0x3FB2]  }
0x2e: {  	s3 =	simm.s32 @!p0 $0x1082;
	s9 =	sld [smem:$0x3FB3]  }
0x2f: {  	lr =	sadd.s32 s0, s3;
	s0 =	sld [smem:$0x3FAA]  }
0x30: {  	s3 =	sld [smem:$0x3FAD]  }
0x31: {  	[smem:$0x3FB6] =	sst s10  }
0x32: {  	s10 =	sld [smem:$0x3FB4];
	_ =	sdelay $0x3  }
0x33: {  	p0 =	seq.s32 s10, $0x1;
	s10 =	sld [smem:$0x3FB6];
	_ =	sdelay $0x3  }
0x34: {  	[smem:$0x3FB6] =	sst s10  }
0x35: {  	s10 =	sld [smem:$0x3FB5];
	_ =	sdelay $0x3  }
0x36: {  	p1 =	seq.s32 s10, $0x1;
	s10 =	sld [smem:$0x3FB6];
	_ =	sdelay $0x3  }
0x37: {  	[smem:$0x3FB6] =	sst s10  }
0x38: {  	s10 =	sld [smem:$0x3FB7]  }
0x39: {  	_ = 	snop;
	(pc) =	sbr.ind lr, $3  }
0x3a: {  	_ = 	snop  }
0x3b: {  	_ = 	snop  }
0x3c: {  	p2 =	seq.s32 s10, $0x1;
	s10 =	sld [smem:$0x3FB6]  }
0x3d: {  	_ =	shalt  }
0x3e: {  	_ =	shalt  }
0x3f: {  	_ =	shalt  }
0x40: {  	_ =	shalt  }
0x41: {  	_ =	shalt  }
0x42: {  	_ =	shalt  }
0x43: {  	_ =	shalt  }
0x44: {  	_ =	shalt  }
0x45: {  	_ =	shalt  }
0x46: {  	_ =	shalt  }
0x47: {  	_ =	shalt  }
0x48: {  	_ =	shalt  }
0x49: {  	_ =	shalt  }
0x4a: {  	_ =	shalt  }
0x4b: {  	_ =	shalt  }
0x4c: {  	_ =	shalt  }
0x4d: {  	_ =	shalt  }
0x4e: {  	_ =	shalt  }
0x4f: {  	_ =	shalt  }
0x50: {  	_ =	shalt  }
0x51: {  	_ =	shalt  }
0x52: {  	_ =	shalt  }
0x53: {  	_ =	shalt  }
0x54: {  	_ =	shalt  }
0x55: {  	_ =	shalt  }
0x56: {  	_ =	shalt  }
0x57: {  	_ =	shalt  }
0x58: {  	_ =	shalt  }
0x59: {  	_ =	shalt  }
0x5a: {  	_ =	shalt  }
0x5b: {  	_ =	shalt  }
0x5c: {  	_ =	shalt  }
0x5d: {  	_ =	shalt  }
0x5e: {  	_ =	shalt  }
0x5f: {  	_ =	shalt  }
0x60: {  	_ =	shalt  }
0x61: {  	_ =	shalt  }
0x62: {  	_ =	shalt  }
0x63: {  	_ =	shalt  }
0x64: {  	_ =	shalt  }
0x65: {  	_ =	shalt  }
0x66: {  	_ =	shalt  }
0x67: {  	_ =	shalt  }
0x68: {  	_ =	shalt  }
0x69: {  	_ =	shalt  }
0x6a: {  	_ =	shalt  }
0x6b: {  	_ =	shalt  }
0x6c: {  	_ =	shalt  }
0x6d: {  	_ =	shalt  }
0x6e: {  	_ =	shalt  }
0x6f: {  	_ =	shalt  }
0x70: {  	_ =	shalt  }
0x71: {  	_ =	shalt  }
0x72: {  	_ =	shalt  }
0x73: {  	_ =	shalt  }
0x74: {  	_ =	shalt  }
0x75: {  	_ =	shalt  }
0x76: {  	_ =	shalt  }
0x77: {  	_ =	shalt  }
0x78: {  	_ =	shalt  }
0x79: {  	_ =	shalt  }
0x7a: {  	_ =	shalt  }
0x7b: {  	_ =	shalt  }
0x7c: {  	_ =	shalt  }
0x7d: {  	_ =	shalt  }
0x7e: {  	_ =	shalt  }
0x7f: {  	_ =	shalt  }
0x80: {  	_ =	shalt  }
0x81: {  	_ =	shalt  }
0x82: {  	_ =	shalt  }
0x83: {  	_ =	shalt  }
0x84: {  	_ =	shalt  }
0x85: {  	_ =	shalt  }
0x86: {  	_ =	shalt  }
0x87: {  	_ =	shalt  }
.Lfunc_end0:
.L_simem_size_0:
called_computation_lowered:
.L_overlay_start_0:
0x88: {  	s2 =	sld [smem:$0x3FD9]  }
0x89: {  	s3 =	sld [smem:$0x3FFE];
	_ =	sdelay $0x1  }
0x8a: {  	s1 =	srdreg.scid  }
0x8b: {  	s0 =	sand.u32 $0x1, s1  }
0x8c: {  	s15 =	sshll.u32 s0, $0xA;
	s2 =	sadd.s32 s3, s2  }
0x8d: {  	s2 =	sadd.s32 s2, s15  }
0x8e: {  	[smem:$0x3FC2] =	sst s2  }
0x8f: {  	_ = 	snop  }
0x90: {  	s2 =	sld [smem:$0x3FC8]  }
0x91: {  	s16 =	sld [smem:$0x3FD0]  }
0x92: {  	s4 =	sld [smem:$0x3FC7]  }
0x93: {  	s5 =	sld [smem:$0x3FC5]  }
0x94: {  	s7 =	simm.s32 $0xA;
	s8 =	simm.s32 $0x10;
	s6 =	sld [smem:$0x3FC4]  }
0x95: {  	[smem:s8], [sflag:s7] =	dma.local [hbm:s16], $0x1  }
0x96: {  	_ =	swait.eq [sflag:s7], $0x1  }
0x97: {  	[sflag:s7] =	ssyncset.done $0x0  }
0x98: {  	[sflag:s7] =	ssyncadd.s32 $0xFFFFFFFF  }
0x99: {  	s17 =	sld [smem:$0x11];
	(tm) =	ssettm $0x1  }
0x9a: {  	s18 =	sld [smem:$0x3FFB];
	_ =	sdelay $0x3  }
0x9b: {  	_ =	strace s18  }
0x9c: {  	s7 =	sld [smem:$0x3FFC];
	_ =	sdelay $0x3  }
0x9d: {  	_ =	strace s7  }
0x9e: {  	s7 =	sld [smem:$0x3FFD];
	_ =	sdelay $0x3  }
0x9f: {  	_ =	strace s7  }
0xa0: {  	_ =	strace $0x8FFFFFFF  }
0xa1: {  	s19 =	sld [smem:$0x3FDB];
	_ =	sdelay $0x1  }
0xa2: {  	s20 =	simm.s32 $_scs_section_size  }
0xa3: {  	s9 =	simm.s32 $_size__tile_overlayer_lowered;
	s10 =	simm.s32 $_tile_overlayer_lowered  }
0xa4: {  	s23 =	simm.s32 $0x1BFF;
	s22 =	sshll.u32 s10, $0x1;
	s7 =	sadd.s32 s20, s19  }
0xa5: {  	s11 =	simm.s32 $0x0;
	s21 =	sshll.u32 s9, $0x1;
	s9 =	sadd.s32 s22, s7  }
0xa6: {  	[timem:s11], [sflag:s23] =	dma.local [hbm:s9], s21  }
0xa7: {  	_ =	swait.ge [sflag:s23], s21  }
0xa8: {  	s8 =	ssub.s32 $0x0, s21;
	[sflag:s23] =	ssyncset.done $0x0  }
0xa9: {  	[sflag:s23] =	ssyncadd.s32 s8;
	_ =	sdelay $0x1  }
0xaa: {  	s24 =	simm.s32 $0x1B8B  }
0xab: {  	_ =	swait.ge [sflag:s24], $0x1  }
0xac: {  	[sflag:s24] =	ssyncset.done $0x0  }
0xad: {  	s25 =	simm.s32 $0x1B8E;
	[sflag:s24] =	ssyncadd.s32 $0xFFFFFFFF  }
0xae: {  	s26 =	simm.s32 $execute0_lowered;
	[smem:$0x3FD2] =	sst s25  }
0xaf: {  	s8 =	sshll.u32 s26, $0x1;
	_ =	strace $0x80000046;
	[dreg:$0x1] =	wrdreg $0xFFFFFFFF  }
0xb0: {  	s28 =	simm.s32 $_size_execute0_lowered;
	s7 =	sadd.s32 s7, s8;
	[dreg:$0x0] =	wrdreg $0x0  }
0xb1: {  	s8 =	sshll.u32 s28, $0x1;
	[dreg:$0x2] =	wrdreg s7  }
0xb2: {  	[dreg:$0x3] =	wrdreg s8  }
0xb3: {  	[dreg:$0x4] =	wrdreg $0xC0  }
0xb4: {  	_ =	task [dreg:s11], $0x5FFFF  }
0xb5: {  	[dreg:$0x1] =	wrdreg $0xFFFFFFFF  }
0xb6: {  	[dreg:$0x0] =	wrdreg $0x60  }
0xb7: {  	[dreg:$0x2] =	wrdreg s2  }
0xb8: {  	[dreg:$0x3] =	wrdreg s5  }
0xb9: {  	[dreg:$0x4] =	wrdreg s4  }
0xba: {  	[dreg:$0x5] =	wrdreg s6  }
0xbb: {  	[dreg:$0x6] =	wrdreg s17  }
0xbc: {  	[dreg:$0x7] =	wrdreg $0x9  }
0xbd: {  	_ =	task.clear_ibuf [dreg:s11], $0x8FFFF;
	_ =	strace $0x90000046  }
0xbe: {  	s29 =	simm.s32 $0x9;
	_ =	strace $0x80000048  }
0xbf: {  	_ =	swait.ge [sflag:s29], $0x1  }
0xc0: {  	[sflag:s29] =	ssyncadd.s32 $0xFFFFFFFF  }
0xc1: {  	_ =	strace $0x90000048  }
0xc2: {  	_ =	sfence  }
0xc3: {  	s30 =	sld [smem:$0x0];
	_ =	sdelay $0x2  }
0xc4: {  	s31 =	sshll.u32 s1, $0xD;
	s1 =	sshrl.u32 s1, $0x2  }
0xc5: {  	s3 =	sand.u32 $0x4000, s31;
	s1 =	sadd.s32 s1, s30  }
0xc6: {  	s0 =	sor.u32 s3, s0;
	s1 =	sshll.u32 s1, $0x11  }
0xc7: {  	s0 =	sor.u32 s1, s0  }
0xc8: {  	s0 =	sadd.s32 $0x8F2B, s0  }
0xc9: {  	[sflag:s0] =	ssyncadd.remote.s32 $0x1  }
0xca: {  	_ =	sfence.sel $0xFFFF  }
0xcb: {  	[dreg:$0x0] =	wrdreg $0xFFFFFFFF;
	(pc) =	sbr.abs _section_cstart, $3  }
0xcc: {  	[dreg:$0x1] =	wrdreg $0xFFFFFFFF  }
0xcd: {  	_ =	task.clear_ibuf [dreg:s11], $0x2FFFF;
	_ =	strace $0x9FFFFFFF  }
0xce: {  	(tm) =	ssettm $0x7FFFFFFF  }
0xcf: {  	_ =	shalt  }
tec
execute0_lowered:
.L_overlay_start_1:
0x0: {  	(tag) =	ssettag $0x1  }
0x1: {  	s0 =	rddreg [dreg:$0x0]  }
0x2: {  	s17 =	rddreg [dreg:$0x1]  }
0x3: {  	s6 =	rddreg [dreg:$0x4];
	s7 =	simm.s32 $0x0  }
0x4: {  	[smem:$0x7FF] =	sst s7;
	s25 =	sadd.s32 $0x80, s17  }
0x5: {  	s26 =	sadd.s32 $0x100, s17;
	_ =	strace $0x80000047;
	[dreg:$0x6] =	wrdreg s25  }
0x6: {  	s28 =	sadd.s32 $0x180, s17;
	[dreg:$0x7] =	wrdreg s26  }
0x7: {  	s29 =	sadd.s32 $0x200, s17;
	[dreg:$0x8] =	wrdreg s28  }
0x8: {  	s30 =	sadd.s32 $0x280, s17;
	[dreg:$0x9] =	wrdreg s29  }
0x9: {  	s18 =	sadd.s32 $0x400, s17;
	[dreg:$0xa] =	wrdreg s30  }
0xa: {  	s20 =	sadd.s32 $0x480, s17;
	[dreg:$0xd] =	wrdreg s18  }
0xb: {  	s21 =	sadd.s32 $0x500, s17;
	[dreg:$0xf] =	wrdreg s20  }
0xc: {  	s22 =	sadd.s32 $0x580, s17;
	[dreg:$0x10] =	wrdreg s21  }
0xd: {  	s23 =	sadd.s32 $0x600, s17;
	[dreg:$0x11] =	wrdreg s22  }
0xe: {  	[dreg:$0x12] =	wrdreg s23;
	s25 =	sadd.s32 $0x700, s17  }
0xf: {  	s26 =	sadd.s32 $0x780, s17;
	[dreg:$0x14] =	wrdreg s25  }
0x10: {  	s28 =	sadd.s32 $0x800, s17;
	[dreg:$0x15] =	wrdreg s26  }
0x11: {  	s29 =	sadd.s32 $0x880, s17;
	[dreg:$0x16] =	wrdreg s28  }
0x12: {  	s30 =	sadd.s32 $0x900, s17;
	[dreg:$0x17] =	wrdreg s29  }
0x13: {  	s18 =	sadd.s32 $0xB00, s17;
	[dreg:$0x18] =	wrdreg s30  }
0x14: {  	s20 =	sadd.s32 $0xC00, s17;
	[dreg:$0x1c] =	wrdreg s18  }
0x15: {  	s21 =	sadd.s32 $0xC80, s17;
	[dreg:$0x1e] =	wrdreg s20  }
0x16: {  	s22 =	sadd.s32 $0xD00, s17;
	[dreg:$0x1f] =	wrdreg s21  }
0x17: {  	s23 =	sadd.s32 $0xD80, s17;
	[smem:$0x7D8] =	sst s22  }
0x18: {  	[smem:$0x7D9] =	sst s23;
	s25 =	sadd.s32 $0xE80, s17  }
0x19: {  	s26 =	sadd.s32 $0xF00, s17;
	[smem:$0x7DB] =	sst s25  }
0x1a: {  	s1 =	srdreg.scid;
	s28 =	sadd.s32 $0xF80, s17;
	[smem:$0x7DC] =	sst s26  }
0x1b: {  	s3 =	stileid.u32;
	s29 =	sadd.s32 $0x1000, s17;
	[smem:$0x7DD] =	sst s28  }
0x1c: {  	s1 =	sand.u32 $0x1, s1;
	s30 =	sadd.s32 $0x1080, s17;
	[smem:$0x7DE] =	sst s29  }
0x1d: {  	s2 =	sshll.u32 s3, $0x1;
	s18 =	sadd.s32 $0x1280, s17;
	[smem:$0x7DF] =	sst s30  }
0x1e: {  	s4 =	ssub.s32 $0x2, s1;
	s20 =	sadd.s32 $0x1380, s17;
	[smem:$0x7E3] =	sst s18  }
0x1f: {  	s1 =	sor.u32 s1, s2;
	s21 =	sadd.s32 $0x1400, s17;
	[smem:$0x7E5] =	sst s20  }
0x20: {  	s24 =	sshrl.u32 s4, $0x1;
	s22 =	sadd.s32 $0x1480, s17;
	[smem:$0x7E6] =	sst s21  }
0x21: {  	s5 =	sshll.u32 s1, $0x11;
	s23 =	sadd.s32 $0x1500, s17;
	[smem:$0x7E7] =	sst s22  }
0x22: {  	s2 =	ssub.s32 s4, s24;
	s4 =	sadd.s32 $0x300, s17;
	[smem:$0x7E8] =	sst s23  }
0x23: {  	s8 =	sadd.s32 s0, s5;
	s5 =	sadd.s32 $0x380, s17;
	[dreg:$0xb] =	wrdreg s4  }
0x24: {  	s24 =	sadd.s32 $0x680, s17;
	[dreg:$0xc] =	wrdreg s5  }
0x25: {  	s25 =	sadd.s32 $0x1600, s17;
	[dreg:$0x13] =	wrdreg s24  }
0x26: {  	s26 =	sadd.s32 $0x1680, s17;
	[smem:$0x7EA] =	sst s25  }
0x27: {  	s28 =	sadd.s32 $0x1700, s17;
	[smem:$0x7EB] =	sst s26  }
0x28: {  	s29 =	sadd.s32 $0x1780, s17;
	[smem:$0x7EC] =	sst s28  }
0x29: {  	s30 =	sadd.s32 $0x1800, s17;
	[smem:$0x7ED] =	sst s29  }
0x2a: {  	s18 =	sadd.s32 $0x1A00, s17;
	[smem:$0x7EE] =	sst s30  }
0x2b: {  	s20 =	sadd.s32 $0x1B00, s17;
	[smem:$0x7F2] =	sst s18  }
0x2c: {  	s21 =	sadd.s32 $0x1B80, s17;
	[smem:$0x7F4] =	sst s20  }
0x2d: {  	s22 =	sadd.s32 $0x1C00, s17;
	[smem:$0x7F5] =	sst s21  }
0x2e: {  	s23 =	sadd.s32 $0x1C80, s17;
	[smem:$0x7F6] =	sst s22  }
0x2f: {  	s19 =	smax.u32 s2, $0x1;
	[smem:$0x7F7] =	sst s23  }
0x30: {  	s2 =	sadd.s32 $0x980, s17;
	[dreg:$0xe] =	wrdreg s19  }
0x31: {  	s4 =	sadd.s32 $0xA00, s17;
	[dreg:$0x19] =	wrdreg s2  }
0x32: {  	s5 =	sadd.s32 $0xA80, s17;
	[dreg:$0x1a] =	wrdreg s4  }
0x33: {  	s24 =	sadd.s32 $0xE00, s17;
	[dreg:$0x1b] =	wrdreg s5  }
0x34: {  	s31 =	simm.s32 $0x9;
	s25 =	sadd.s32 $0x1D80, s17;
	[smem:$0x7DA] =	sst s24  }
0x35: {  	s9 =	sshll.u32 s1, $0x14;
	s26 =	sadd.s32 $0x1E00, s17;
	[smem:$0x7F9] =	sst s25  }
0x36: {  	s10 =	sshll.u32 s1, $0xA;
	s28 =	sadd.s32 $0x1E80, s17;
	[smem:$0x7FA] =	sst s26  }
0x37: {  	s1 =	simm.s32 $0x1;
	s29 =	sadd.s32 $0x1F00, s17;
	[smem:$0x7FB] =	sst s28  }
0x38: {  	s12 =	sor.u32 $0x8000, s9;
	s30 =	sadd.s32 $0x1F80, s17;
	[smem:$0x7FC] =	sst s29  }
0x39: {  	s13 =	sor.u32 $0xC000, s9;
	s19 =	sadd.s32 $0xB80, s17;
	[smem:$0x7FD] =	sst s30  }
0x3a: {  	s14 =	sor.u32 $0x10000, s9;
	s2 =	sadd.s32 $0x1100, s17;
	[dreg:$0x1d] =	wrdreg s19  }
0x3b: {  	s15 =	sor.u32 $0x14000, s9;
	s4 =	sadd.s32 $0x1180, s17;
	[smem:$0x7E0] =	sst s2  }
0x3c: {  	s16 =	sadd.s32 $0x400, s10;
	s5 =	sadd.s32 $0x1200, s17;
	[smem:$0x7E1] =	sst s4  }
0x3d: {  	s11 =	sadd.s32 $0x800, s8;
	s24 =	sadd.s32 $0x1580, s17;
	[smem:$0x7E2] =	sst s5  }
0x3e: {  	s18 =	simm.s32 $0x5;
	s19 =	sadd.s32 $0x1300, s17;
	[smem:$0x7E9] =	sst s24  }
0x3f: {  	s21 =	simm.s32 $0x8;
	s2 =	sadd.s32 $0x1880, s17;
	[smem:$0x7E4] =	sst s19  }
.Ltmp0:
0x40: {  	s4 =	sadd.s32 $0x1900, s17;
	[smem:$0x7EF] =	sst s2;
	(pc) =	sbr.rel .LBB2_1-.Ltmp0, $4  }
0x41: {  	s22 =	simm.s32 $0x0;
	s5 =	sadd.s32 $0x1980, s17;
	[smem:$0x7F0] =	sst s4  }
0x42: {  	s24 =	sadd.s32 $0x1D00, s17;
	[smem:$0x7F1] =	sst s5;
	s19 =	sadd.s32 $0x1A80, s17  }
0x43: {  	[smem:$0x7F8] =	sst s24;
	s4 =	simm.s32 $0x2;
	s5 =	simm.s32 $0x3  }
0x44: {  	s17 =	simm.s32 $0x4;
	[smem:$0x7F3] =	sst s19;
	s19 =	simm.s32 $0x6  }
.LBB2_26:
0x45: {  	_ =	swait.ge [sflag:s18], $0x4000  }
0x46: {  	[sflag:s18] =	ssyncset.done $0x0  }
0x47: {  	[sflag:s18] =	ssyncadd.s32 $0xFFFFC000  }
0x48: {  	_ =	swait.ge [sflag:s19], $0x4000  }
0x49: {  	[sflag:s19] =	ssyncset.done $0x0  }
0x4a: {  	s2 =	simm.s32 $0x7;
	[sflag:s19] =	ssyncadd.s32 $0xFFFFC000  }
0x4b: {  	_ =	swait.ge [sflag:s2], $0x4000  }
0x4c: {  	[sflag:s2] =	ssyncset.done $0x0  }
0x4d: {  	[sflag:s2] =	ssyncadd.s32 $0xFFFFC000  }
0x4e: {  	_ =	swait.ge [sflag:s21], $0x4000  }
0x4f: {  	[sflag:s21] =	ssyncset.done $0x0  }
0x50: {  	[sflag:s21] =	ssyncadd.s32 $0xFFFFC000  }
0x51: {  	v0 =	vld [tilespmem:$0x10000];
	_ =	sdelay $0x2  }
0x52: {  	v1 =	vld [tilespmem:$0x10080];
	_ =	sdelay $0x1  }
0x53: {  	(v2sf) =	vpush v0, $0x0;
	_ =	sdelay $0x2  }
0x54: {  	(v2sf) =	vpush v1, $0x0;
	_ =	sdelay $0xb  }
0x55: {  	s23 =	spop (v2sf)  }
0x56: {  	p0 =	sge.s32 s23, s16  }
0x57: {  	p1 =	slt.s32 @!p0 s23, s10  }
0x58: {  	s24 =	spop (v2sf);
	p2 =	por p1, p0  }
0x59: {  	p2 =	slt.s32 @!p2 s24, $0x1  }
0x5a: {  	p1 =	por @!p0 p2, p1  }
0x5b: {  	p1 =	por p1, p0  }
0x5c: {  	s2 =	sshll.u32 @!p1 s23, $0x7  }
0x5d: {  	s20 =	sshll.u32 @!p1 s3, $0x6;
	s2 =	sand.u32 @!p1 $0x1FFFFF80, s2  }
0x5e: {  	s25 =	rddreg [dreg:$0x1];
	s20 =	sor.u32 @!p1 $0x1C09, s20;
	s2 =	sadd.s32 @!p1 s6, s2  }
0x5f: {  	[hbm:s2], [sflag:s20] =	dma.local @!p1 [hbm:s25], $0x80  }
0x60: {  	s2 =	sadd.s32 $0x1, s23  }
0x61: {  	p0 =	sge.s32 s2, s16  }
0x62: {  	p2 =	slt.s32 @!p0 s24, $0x2  }
0x63: {  	p3 =	por p2, p0  }
0x64: {  	p3 =	slt.s32 @!p3 s2, s10  }
0x65: {  	s20 =	simm.s32 @!p1 $0x9;
	p2 =	por @!p0 p3, p2  }
0x66: {  	_ =	swait.ge @!p1 [sflag:s20], $0x80;
	p0 =	por p2, p0  }
0x67: {  	[sflag:s20] =	ssyncset.done @!p1 $0x0;
	s2 =	sshll.u32 @!p0 s2, $0x7  }
0x68: {  	[sflag:s20] =	ssyncadd.s32 @!p1 $0xFFFFFF80;
	s25 =	sshll.u32 @!p0 s3, $0x6;
	s2 =	sand.u32 @!p0 $0x1FFFFF80, s2  }
0x69: {  	s20 =	sor.u32 @!p0 $0x1C09, s25;
	s25 =	rddreg [dreg:$0x6];
	s2 =	sadd.s32 @!p0 s6, s2  }
0x6a: {  	[hbm:s2], [sflag:s20] =	dma.local @!p0 [hbm:s25], $0x80  }
0x6b: {  	s2 =	sadd.s32 $0x2, s23  }
0x6c: {  	p1 =	sge.s32 s2, s16  }
0x6d: {  	p2 =	slt.s32 @!p1 s24, $0x3  }
0x6e: {  	p3 =	por p2, p1  }
0x6f: {  	p3 =	slt.s32 @!p3 s2, s10  }
0x70: {  	s20 =	simm.s32 @!p0 $0x9;
	p2 =	por @!p1 p3, p2  }
0x71: {  	_ =	swait.ge @!p0 [sflag:s20], $0x80;
	p1 =	por p2, p1  }
0x72: {  	[sflag:s20] =	ssyncset.done @!p0 $0x0;
	s2 =	sshll.u32 @!p1 s2, $0x7  }
0x73: {  	[sflag:s20] =	ssyncadd.s32 @!p0 $0xFFFFFF80;
	s25 =	sshll.u32 @!p1 s3, $0x6;
	s2 =	sand.u32 @!p1 $0x1FFFFF80, s2  }
0x74: {  	s20 =	sor.u32 @!p1 $0x1C09, s25;
	s25 =	rddreg [dreg:$0x7];
	s2 =	sadd.s32 @!p1 s6, s2  }
0x75: {  	[hbm:s2], [sflag:s20] =	dma.local @!p1 [hbm:s25], $0x80  }
0x76: {  	s2 =	sadd.s32 $0x3, s23  }
0x77: {  	p0 =	sge.s32 s2, s16  }
0x78: {  	p2 =	slt.s32 @!p0 s24, $0x4  }
0x79: {  	p3 =	por p2, p0  }
0x7a: {  	p3 =	slt.s32 @!p3 s2, s10  }
0x7b: {  	s20 =	simm.s32 @!p1 $0x9;
	p2 =	por @!p0 p3, p2  }
0x7c: {  	_ =	swait.ge @!p1 [sflag:s20], $0x80;
	p0 =	por p2, p0  }
0x7d: {  	[sflag:s20] =	ssyncset.done @!p1 $0x0;
	s2 =	sshll.u32 @!p0 s2, $0x7  }
0x7e: {  	[sflag:s20] =	ssyncadd.s32 @!p1 $0xFFFFFF80;
	s25 =	sshll.u32 @!p0 s3, $0x6;
	s2 =	sand.u32 @!p0 $0x1FFFFF80, s2  }
0x7f: {  	s20 =	sor.u32 @!p0 $0x1C09, s25;
	s25 =	rddreg [dreg:$0x8];
	s2 =	sadd.s32 @!p0 s6, s2  }
0x80: {  	[hbm:s2], [sflag:s20] =	dma.local @!p0 [hbm:s25], $0x80  }
0x81: {  	s2 =	sadd.s32 $0x4, s23  }
0x82: {  	p1 =	sge.s32 s2, s16  }
0x83: {  	p2 =	slt.s32 @!p1 s24, $0x5  }
0x84: {  	p3 =	por p2, p1  }
0x85: {  	p3 =	slt.s32 @!p3 s2, s10  }
0x86: {  	s20 =	simm.s32 @!p0 $0x9;
	p2 =	por @!p1 p3, p2  }
0x87: {  	_ =	swait.ge @!p0 [sflag:s20], $0x80;
	p1 =	por p2, p1  }
0x88: {  	[sflag:s20] =	ssyncset.done @!p0 $0x0;
	s2 =	sshll.u32 @!p1 s2, $0x7  }
0x89: {  	[sflag:s20] =	ssyncadd.s32 @!p0 $0xFFFFFF80;
	s25 =	sshll.u32 @!p1 s3, $0x6;
	s2 =	sand.u32 @!p1 $0x1FFFFF80, s2  }
0x8a: {  	s20 =	sor.u32 @!p1 $0x1C09, s25;
	s25 =	rddreg [dreg:$0x9];
	s2 =	sadd.s32 @!p1 s6, s2  }
0x8b: {  	[hbm:s2], [sflag:s20] =	dma.local @!p1 [hbm:s25], $0x80  }
0x8c: {  	s2 =	sadd.s32 $0x5, s23  }
0x8d: {  	p0 =	sge.s32 s2, s16  }
0x8e: {  	p2 =	slt.s32 @!p0 s24, $0x6  }
0x8f: {  	p3 =	por p2, p0  }
0x90: {  	p3 =	slt.s32 @!p3 s2, s10  }
0x91: {  	s20 =	simm.s32 @!p1 $0x9;
	p2 =	por @!p0 p3, p2  }
0x92: {  	_ =	swait.ge @!p1 [sflag:s20], $0x80;
	p0 =	por p2, p0  }
0x93: {  	[sflag:s20] =	ssyncset.done @!p1 $0x0;
	s2 =	sshll.u32 @!p0 s2, $0x7  }
0x94: {  	[sflag:s20] =	ssyncadd.s32 @!p1 $0xFFFFFF80;
	s25 =	sshll.u32 @!p0 s3, $0x6;
	s2 =	sand.u32 @!p0 $0x1FFFFF80, s2  }
0x95: {  	s20 =	sor.u32 @!p0 $0x1C09, s25;
	s25 =	rddreg [dreg:$0xa];
	s2 =	sadd.s32 @!p0 s6, s2  }
0x96: {  	[hbm:s2], [sflag:s20] =	dma.local @!p0 [hbm:s25], $0x80  }
0x97: {  	s2 =	sadd.s32 $0x6, s23  }
0x98: {  	p1 =	sge.s32 s2, s16  }
0x99: {  	p2 =	slt.s32 @!p1 s24, $0x7  }
0x9a: {  	p3 =	por p2, p1  }
0x9b: {  	p3 =	slt.s32 @!p3 s2, s10  }
0x9c: {  	s20 =	simm.s32 @!p0 $0x9;
	p2 =	por @!p1 p3, p2  }
0x9d: {  	_ =	swait.ge @!p0 [sflag:s20], $0x80;
	p1 =	por p2, p1  }
0x9e: {  	[sflag:s20] =	ssyncset.done @!p0 $0x0;
	s2 =	sshll.u32 @!p1 s2, $0x7  }
0x9f: {  	[sflag:s20] =	ssyncadd.s32 @!p0 $0xFFFFFF80;
	s25 =	sshll.u32 @!p1 s3, $0x6;
	s2 =	sand.u32 @!p1 $0x1FFFFF80, s2  }
0xa0: {  	s20 =	sor.u32 @!p1 $0x1C09, s25;
	s25 =	rddreg [dreg:$0xb];
	s2 =	sadd.s32 @!p1 s6, s2  }
0xa1: {  	[hbm:s2], [sflag:s20] =	dma.local @!p1 [hbm:s25], $0x80  }
0xa2: {  	s2 =	sadd.s32 $0x7, s23  }
0xa3: {  	p0 =	sge.s32 s2, s16  }
0xa4: {  	p2 =	slt.s32 @!p0 s24, $0x8  }
0xa5: {  	p3 =	por p2, p0  }
0xa6: {  	p3 =	slt.s32 @!p3 s2, s10  }
0xa7: {  	s20 =	simm.s32 @!p1 $0x9;
	p2 =	por @!p0 p3, p2  }
0xa8: {  	_ =	swait.ge @!p1 [sflag:s20], $0x80;
	p0 =	por p2, p0  }
0xa9: {  	[sflag:s20] =	ssyncset.done @!p1 $0x0;
	s2 =	sshll.u32 @!p0 s2, $0x7  }
0xaa: {  	[sflag:s20] =	ssyncadd.s32 @!p1 $0xFFFFFF80;
	s23 =	sshll.u32 @!p0 s3, $0x6;
	s2 =	sand.u32 @!p0 $0x1FFFFF80, s2  }
0xab: {  	s20 =	sor.u32 @!p0 $0x1C09, s23;
	s23 =	rddreg [dreg:$0xc];
	s2 =	sadd.s32 @!p0 s6, s2  }
0xac: {  	[hbm:s2], [sflag:s20] =	dma.local @!p0 [hbm:s23], $0x80  }
0xad: {  	s2 =	simm.s32 @!p0 $0x9  }
0xae: {  	_ =	swait.ge @!p0 [sflag:s2], $0x80  }
0xaf: {  	(v2sf) =	vpush v0, $0x1;
	_ =	sdelay $0x1  }
0xb0: {  	(v2sf) =	vpush v1, $0x1;
	_ =	sdelay $0xc  }
0xb1: {  	s26 =	spop (v2sf)  }
0xb2: {  	s20 =	sadd.s32 $0x1000, s26  }
0xb3: {  	s24 =	spop (v2sf);
	p1 =	sge.s32 s20, s16  }
0xb4: {  	p2 =	slt.s32 @!p1 s24, $0x1  }
0xb5: {  	p3 =	por p2, p1  }
0xb6: {  	p3 =	slt.s32 @!p3 s20, s10  }
0xb7: {  	p2 =	por @!p1 p3, p2  }
0xb8: {  	p1 =	por p2, p1  }
0xb9: {  	[sflag:s2] =	ssyncset.done @!p0 $0x0;
	s20 =	sshll.u32 @!p1 s20, $0x7  }
0xba: {  	[sflag:s2] =	ssyncadd.s32 @!p0 $0xFFFFFF80;
	s25 =	sshll.u32 @!p1 s3, $0x6;
	s20 =	sand.u32 @!p1 $0x1FFFFF80, s20  }
0xbb: {  	s2 =	sadd.s32 @!p1 s6, s20;
	s20 =	sor.u32 @!p1 $0x1C09, s25;
	s25 =	rddreg [dreg:$0xd]  }
0xbc: {  	[hbm:s2], [sflag:s20] =	dma.local @!p1 [hbm:s25], $0x80  }
0xbd: {  	s2 =	sadd.s32 $0x1001, s26  }
0xbe: {  	p0 =	sge.s32 s2, s16  }
0xbf: {  	p2 =	slt.s32 @!p0 s24, $0x2  }
0xc0: {  	p3 =	por p2, p0  }
0xc1: {  	p3 =	slt.s32 @!p3 s2, s10  }
0xc2: {  	s20 =	simm.s32 @!p1 $0x9;
	p2 =	por @!p0 p3, p2  }
0xc3: {  	_ =	swait.ge @!p1 [sflag:s20], $0x80;
	p0 =	por p2, p0  }
0xc4: {  	[sflag:s20] =	ssyncset.done @!p1 $0x0;
	s2 =	sshll.u32 @!p0 s2, $0x7  }
0xc5: {  	[sflag:s20] =	ssyncadd.s32 @!p1 $0xFFFFFF80;
	s25 =	sshll.u32 @!p0 s3, $0x6;
	s2 =	sand.u32 @!p0 $0x1FFFFF80, s2  }
0xc6: {  	s20 =	sor.u32 @!p0 $0x1C09, s25;
	s25 =	rddreg [dreg:$0xf];
	s2 =	sadd.s32 @!p0 s6, s2  }
0xc7: {  	[hbm:s2], [sflag:s20] =	dma.local @!p0 [hbm:s25], $0x80  }
0xc8: {  	s2 =	sadd.s32 $0x1002, s26  }
0xc9: {  	p1 =	sge.s32 s2, s16  }
0xca: {  	p2 =	slt.s32 @!p1 s24, $0x3  }
0xcb: {  	p3 =	por p2, p1  }
0xcc: {  	p3 =	slt.s32 @!p3 s2, s10  }
0xcd: {  	s20 =	simm.s32 @!p0 $0x9;
	p2 =	por @!p1 p3, p2  }
0xce: {  	_ =	swait.ge @!p0 [sflag:s20], $0x80;
	p1 =	por p2, p1  }
0xcf: {  	[sflag:s20] =	ssyncset.done @!p0 $0x0;
	s2 =	sshll.u32 @!p1 s2, $0x7  }
0xd0: {  	[sflag:s20] =	ssyncadd.s32 @!p0 $0xFFFFFF80;
	s25 =	sshll.u32 @!p1 s3, $0x6;
	s2 =	sand.u32 @!p1 $0x1FFFFF80, s2  }
0xd1: {  	s20 =	sor.u32 @!p1 $0x1C09, s25;
	s25 =	rddreg [dreg:$0x10];
	s2 =	sadd.s32 @!p1 s6, s2  }
0xd2: {  	[hbm:s2], [sflag:s20] =	dma.local @!p1 [hbm:s25], $0x80  }
0xd3: {  	s2 =	sadd.s32 $0x1003, s26  }
0xd4: {  	p0 =	sge.s32 s2, s16  }
0xd5: {  	p2 =	slt.s32 @!p0 s24, $0x4  }
0xd6: {  	p3 =	por p2, p0  }
0xd7: {  	p3 =	slt.s32 @!p3 s2, s10  }
0xd8: {  	s20 =	simm.s32 @!p1 $0x9;
	p2 =	por @!p0 p3, p2  }
0xd9: {  	_ =	swait.ge @!p1 [sflag:s20], $0x80;
	p0 =	por p2, p0  }
0xda: {  	[sflag:s20] =	ssyncset.done @!p1 $0x0;
	s2 =	sshll.u32 @!p0 s2, $0x7  }
0xdb: {  	[sflag:s20] =	ssyncadd.s32 @!p1 $0xFFFFFF80;
	s25 =	sshll.u32 @!p0 s3, $0x6;
	s2 =	sand.u32 @!p0 $0x1FFFFF80, s2  }
0xdc: {  	s20 =	sor.u32 @!p0 $0x1C09, s25;
	s25 =	rddreg [dreg:$0x11];
	s2 =	sadd.s32 @!p0 s6, s2  }
0xdd: {  	[hbm:s2], [sflag:s20] =	dma.local @!p0 [hbm:s25], $0x80  }
0xde: {  	s2 =	sadd.s32 $0x1004, s26  }
0xdf: {  	p1 =	sge.s32 s2, s16  }
0xe0: {  	p2 =	slt.s32 @!p1 s24, $0x5  }
0xe1: {  	p3 =	por p2, p1  }
0xe2: {  	p3 =	slt.s32 @!p3 s2, s10  }
0xe3: {  	s20 =	simm.s32 @!p0 $0x9;
	p2 =	por @!p1 p3, p2  }
0xe4: {  	_ =	swait.ge @!p0 [sflag:s20], $0x80;
	p1 =	por p2, p1  }
0xe5: {  	[sflag:s20] =	ssyncset.done @!p0 $0x0;
	s2 =	sshll.u32 @!p1 s2, $0x7  }
0xe6: {  	[sflag:s20] =	ssyncadd.s32 @!p0 $0xFFFFFF80;
	s25 =	sshll.u32 @!p1 s3, $0x6;
	s2 =	sand.u32 @!p1 $0x1FFFFF80, s2  }
0xe7: {  	s20 =	sor.u32 @!p1 $0x1C09, s25;
	s25 =	rddreg [dreg:$0x12];
	s2 =	sadd.s32 @!p1 s6, s2  }
0xe8: {  	[hbm:s2], [sflag:s20] =	dma.local @!p1 [hbm:s25], $0x80  }
0xe9: {  	s2 =	sadd.s32 $0x1005, s26  }
0xea: {  	p0 =	sge.s32 s2, s16  }
0xeb: {  	p2 =	slt.s32 @!p0 s24, $0x6  }
0xec: {  	p3 =	por p2, p0  }
0xed: {  	p3 =	slt.s32 @!p3 s2, s10  }
0xee: {  	s20 =	simm.s32 @!p1 $0x9;
	p2 =	por @!p0 p3, p2  }
0xef: {  	_ =	swait.ge @!p1 [sflag:s20], $0x80;
	p0 =	por p2, p0  }
0xf0: {  	[sflag:s20] =	ssyncset.done @!p1 $0x0;
	s2 =	sshll.u32 @!p0 s2, $0x7  }
0xf1: {  	[sflag:s20] =	ssyncadd.s32 @!p1 $0xFFFFFF80;
	s25 =	sshll.u32 @!p0 s3, $0x6;
	s2 =	sand.u32 @!p0 $0x1FFFFF80, s2  }
0xf2: {  	s20 =	sor.u32 @!p0 $0x1C09, s25;
	s25 =	rddreg [dreg:$0x13];
	s2 =	sadd.s32 @!p0 s6, s2  }
0xf3: {  	[hbm:s2], [sflag:s20] =	dma.local @!p0 [hbm:s25], $0x80  }
0xf4: {  	s2 =	sadd.s32 $0x1006, s26  }
0xf5: {  	p1 =	sge.s32 s2, s16  }
0xf6: {  	p2 =	slt.s32 @!p1 s24, $0x7  }
0xf7: {  	p3 =	por p2, p1  }
0xf8: {  	p3 =	slt.s32 @!p3 s2, s10  }
0xf9: {  	s20 =	simm.s32 @!p0 $0x9;
	p2 =	por @!p1 p3, p2  }
0xfa: {  	_ =	swait.ge @!p0 [sflag:s20], $0x80;
	p1 =	por p2, p1  }
0xfb: {  	[sflag:s20] =	ssyncset.done @!p0 $0x0;
	s2 =	sshll.u32 @!p1 s2, $0x7  }
0xfc: {  	[sflag:s20] =	ssyncadd.s32 @!p0 $0xFFFFFF80;
	s25 =	sshll.u32 @!p1 s3, $0x6;
	s2 =	sand.u32 @!p1 $0x1FFFFF80, s2  }
0xfd: {  	s20 =	sor.u32 @!p1 $0x1C09, s25;
	s25 =	rddreg [dreg:$0x14];
	s2 =	sadd.s32 @!p1 s6, s2  }
0xfe: {  	[hbm:s2], [sflag:s20] =	dma.local @!p1 [hbm:s25], $0x80  }
0xff: {  	s2 =	sadd.s32 $0x1007, s26  }
0x100: {  	p0 =	sge.s32 s2, s16  }
0x101: {  	p2 =	slt.s32 @!p0 s24, $0x8  }
0x102: {  	p3 =	por p2, p0  }
0x103: {  	p3 =	slt.s32 @!p3 s2, s10  }
0x104: {  	s20 =	simm.s32 @!p1 $0x9;
	p2 =	por @!p0 p3, p2  }
0x105: {  	_ =	swait.ge @!p1 [sflag:s20], $0x80;
	p0 =	por p2, p0  }
0x106: {  	[sflag:s20] =	ssyncset.done @!p1 $0x0;
	s2 =	sshll.u32 @!p0 s2, $0x7  }
0x107: {  	[sflag:s20] =	ssyncadd.s32 @!p1 $0xFFFFFF80;
	s23 =	sshll.u32 @!p0 s3, $0x6;
	s2 =	sand.u32 @!p0 $0x1FFFFF80, s2  }
0x108: {  	s20 =	sor.u32 @!p0 $0x1C09, s23;
	s23 =	rddreg [dreg:$0x15];
	s2 =	sadd.s32 @!p0 s6, s2  }
0x109: {  	[hbm:s2], [sflag:s20] =	dma.local @!p0 [hbm:s23], $0x80  }
0x10a: {  	s2 =	simm.s32 @!p0 $0x9  }
0x10b: {  	_ =	swait.ge @!p0 [sflag:s2], $0x80  }
0x10c: {  	(v2sf) =	vpush v0, $0x2;
	_ =	sdelay $0x1  }
0x10d: {  	(v2sf) =	vpush v1, $0x2;
	_ =	sdelay $0xc  }
0x10e: {  	s28 =	spop (v2sf)  }
0x10f: {  	s20 =	sadd.s32 $0x2000, s28  }
0x110: {  	s24 =	spop (v2sf);
	p1 =	sge.s32 s20, s16  }
0x111: {  	p2 =	slt.s32 @!p1 s24, $0x1  }
0x112: {  	p3 =	por p2, p1  }
0x113: {  	p3 =	slt.s32 @!p3 s20, s10  }
0x114: {  	p2 =	por @!p1 p3, p2  }
0x115: {  	p1 =	por p2, p1  }
0x116: {  	[sflag:s2] =	ssyncset.done @!p0 $0x0;
	s20 =	sshll.u32 @!p1 s20, $0x7  }
0x117: {  	[sflag:s2] =	ssyncadd.s32 @!p0 $0xFFFFFF80;
	s25 =	sshll.u32 @!p1 s3, $0x6;
	s20 =	sand.u32 @!p1 $0x1FFFFF80, s20  }
0x118: {  	s2 =	sadd.s32 @!p1 s6, s20;
	s20 =	sor.u32 @!p1 $0x1C09, s25;
	s25 =	rddreg [dreg:$0x16]  }
0x119: {  	[hbm:s2], [sflag:s20] =	dma.local @!p1 [hbm:s25], $0x80  }
0x11a: {  	s2 =	sadd.s32 $0x2001, s28  }
0x11b: {  	p0 =	sge.s32 s2, s16  }
0x11c: {  	p2 =	slt.s32 @!p0 s24, $0x2  }
0x11d: {  	p3 =	por p2, p0  }
0x11e: {  	p3 =	slt.s32 @!p3 s2, s10  }
0x11f: {  	s20 =	simm.s32 @!p1 $0x9;
	p2 =	por @!p0 p3, p2  }
0x120: {  	_ =	swait.ge @!p1 [sflag:s20], $0x80;
	p0 =	por p2, p0  }
0x121: {  	[sflag:s20] =	ssyncset.done @!p1 $0x0;
	s2 =	sshll.u32 @!p0 s2, $0x7  }
0x122: {  	[sflag:s20] =	ssyncadd.s32 @!p1 $0xFFFFFF80;
	s25 =	sshll.u32 @!p0 s3, $0x6;
	s2 =	sand.u32 @!p0 $0x1FFFFF80, s2  }
0x123: {  	s20 =	sor.u32 @!p0 $0x1C09, s25;
	s25 =	rddreg [dreg:$0x17];
	s2 =	sadd.s32 @!p0 s6, s2  }
0x124: {  	[hbm:s2], [sflag:s20] =	dma.local @!p0 [hbm:s25], $0x80  }
0x125: {  	s2 =	sadd.s32 $0x2002, s28  }
0x126: {  	p1 =	sge.s32 s2, s16  }
0x127: {  	p2 =	slt.s32 @!p1 s24, $0x3  }
0x128: {  	p3 =	por p2, p1  }
0x129: {  	p3 =	slt.s32 @!p3 s2, s10  }
0x12a: {  	s20 =	simm.s32 @!p0 $0x9;
	p2 =	por @!p1 p3, p2  }
0x12b: {  	_ =	swait.ge @!p0 [sflag:s20], $0x80;
	p1 =	por p2, p1  }
0x12c: {  	[sflag:s20] =	ssyncset.done @!p0 $0x0;
	s2 =	sshll.u32 @!p1 s2, $0x7  }
0x12d: {  	[sflag:s20] =	ssyncadd.s32 @!p0 $0xFFFFFF80;
	s25 =	sshll.u32 @!p1 s3, $0x6;
	s2 =	sand.u32 @!p1 $0x1FFFFF80, s2  }
0x12e: {  	s20 =	sor.u32 @!p1 $0x1C09, s25;
	s25 =	rddreg [dreg:$0x18];
	s2 =	sadd.s32 @!p1 s6, s2  }
0x12f: {  	[hbm:s2], [sflag:s20] =	dma.local @!p1 [hbm:s25], $0x80  }
0x130: {  	s2 =	sadd.s32 $0x2003, s28  }
0x131: {  	p0 =	sge.s32 s2, s16  }
0x132: {  	p2 =	slt.s32 @!p0 s24, $0x4  }
0x133: {  	p3 =	por p2, p0  }
0x134: {  	p3 =	slt.s32 @!p3 s2, s10  }
0x135: {  	s20 =	simm.s32 @!p1 $0x9;
	p2 =	por @!p0 p3, p2  }
0x136: {  	_ =	swait.ge @!p1 [sflag:s20], $0x80;
	p0 =	por p2, p0  }
0x137: {  	[sflag:s20] =	ssyncset.done @!p1 $0x0;
	s2 =	sshll.u32 @!p0 s2, $0x7  }
0x138: {  	[sflag:s20] =	ssyncadd.s32 @!p1 $0xFFFFFF80;
	s25 =	sshll.u32 @!p0 s3, $0x6;
	s2 =	sand.u32 @!p0 $0x1FFFFF80, s2  }
0x139: {  	s20 =	sor.u32 @!p0 $0x1C09, s25;
	s25 =	rddreg [dreg:$0x19];
	s2 =	sadd.s32 @!p0 s6, s2  }
0x13a: {  	[hbm:s2], [sflag:s20] =	dma.local @!p0 [hbm:s25], $0x80  }
0x13b: {  	s2 =	sadd.s32 $0x2004, s28  }
0x13c: {  	p1 =	sge.s32 s2, s16  }
0x13d: {  	p2 =	slt.s32 @!p1 s24, $0x5  }
0x13e: {  	p3 =	por p2, p1  }
0x13f: {  	p3 =	slt.s32 @!p3 s2, s10  }
0x140: {  	s20 =	simm.s32 @!p0 $0x9;
	p2 =	por @!p1 p3, p2  }
0x141: {  	_ =	swait.ge @!p0 [sflag:s20], $0x80;
	p1 =	por p2, p1  }
0x142: {  	[sflag:s20] =	ssyncset.done @!p0 $0x0;
	s2 =	sshll.u32 @!p1 s2, $0x7  }
0x143: {  	[sflag:s20] =	ssyncadd.s32 @!p0 $0xFFFFFF80;
	s25 =	sshll.u32 @!p1 s3, $0x6;
	s2 =	sand.u32 @!p1 $0x1FFFFF80, s2  }
0x144: {  	s20 =	sor.u32 @!p1 $0x1C09, s25;
	s25 =	rddreg [dreg:$0x1a];
	s2 =	sadd.s32 @!p1 s6, s2  }
0x145: {  	[hbm:s2], [sflag:s20] =	dma.local @!p1 [hbm:s25], $0x80  }
0x146: {  	s2 =	sadd.s32 $0x2005, s28  }
0x147: {  	p0 =	sge.s32 s2, s16  }
0x148: {  	p2 =	slt.s32 @!p0 s24, $0x6  }
0x149: {  	p3 =	por p2, p0  }
0x14a: {  	p3 =	slt.s32 @!p3 s2, s10  }
0x14b: {  	s20 =	simm.s32 @!p1 $0x9;
	p2 =	por @!p0 p3, p2  }
0x14c: {  	_ =	swait.ge @!p1 [sflag:s20], $0x80;
	p0 =	por p2, p0  }
0x14d: {  	[sflag:s20] =	ssyncset.done @!p1 $0x0;
	s2 =	sshll.u32 @!p0 s2, $0x7  }
0x14e: {  	[sflag:s20] =	ssyncadd.s32 @!p1 $0xFFFFFF80;
	s25 =	sshll.u32 @!p0 s3, $0x6;
	s2 =	sand.u32 @!p0 $0x1FFFFF80, s2  }
0x14f: {  	s20 =	sor.u32 @!p0 $0x1C09, s25;
	s25 =	rddreg [dreg:$0x1b];
	s2 =	sadd.s32 @!p0 s6, s2  }
0x150: {  	[hbm:s2], [sflag:s20] =	dma.local @!p0 [hbm:s25], $0x80  }
0x151: {  	s2 =	sadd.s32 $0x2006, s28  }
0x152: {  	p1 =	sge.s32 s2, s16  }
0x153: {  	p2 =	slt.s32 @!p1 s24, $0x7  }
0x154: {  	p3 =	por p2, p1  }
0x155: {  	p3 =	slt.s32 @!p3 s2, s10  }
0x156: {  	s20 =	simm.s32 @!p0 $0x9;
	p2 =	por @!p1 p3, p2  }
0x157: {  	_ =	swait.ge @!p0 [sflag:s20], $0x80;
	p1 =	por p2, p1  }
0x158: {  	[sflag:s20] =	ssyncset.done @!p0 $0x0;
	s2 =	sshll.u32 @!p1 s2, $0x7  }
0x159: {  	[sflag:s20] =	ssyncadd.s32 @!p0 $0xFFFFFF80;
	s25 =	sshll.u32 @!p1 s3, $0x6;
	s2 =	sand.u32 @!p1 $0x1FFFFF80, s2  }
0x15a: {  	s20 =	sor.u32 @!p1 $0x1C09, s25;
	s25 =	rddreg [dreg:$0x1c];
	s2 =	sadd.s32 @!p1 s6, s2  }
0x15b: {  	[hbm:s2], [sflag:s20] =	dma.local @!p1 [hbm:s25], $0x80  }
0x15c: {  	s2 =	sadd.s32 $0x2007, s28  }
0x15d: {  	p0 =	sge.s32 s2, s16  }
0x15e: {  	p2 =	slt.s32 @!p0 s24, $0x8  }
0x15f: {  	p3 =	por p2, p0  }
0x160: {  	p3 =	slt.s32 @!p3 s2, s10  }
0x161: {  	s20 =	simm.s32 @!p1 $0x9;
	p2 =	por @!p0 p3, p2  }
0x162: {  	_ =	swait.ge @!p1 [sflag:s20], $0x80;
	p0 =	por p2, p0  }
0x163: {  	[sflag:s20] =	ssyncset.done @!p1 $0x0;
	s2 =	sshll.u32 @!p0 s2, $0x7  }
0x164: {  	[sflag:s20] =	ssyncadd.s32 @!p1 $0xFFFFFF80;
	s23 =	sshll.u32 @!p0 s3, $0x6;
	s2 =	sand.u32 @!p0 $0x1FFFFF80, s2  }
0x165: {  	s20 =	sor.u32 @!p0 $0x1C09, s23;
	s23 =	rddreg [dreg:$0x1d];
	s2 =	sadd.s32 @!p0 s6, s2  }
0x166: {  	[hbm:s2], [sflag:s20] =	dma.local @!p0 [hbm:s23], $0x80  }
0x167: {  	s2 =	simm.s32 @!p0 $0x9  }
0x168: {  	_ =	swait.ge @!p0 [sflag:s2], $0x80  }
0x169: {  	(v2sf) =	vpush v0, $0x3;
	_ =	sdelay $0x1  }
0x16a: {  	(v2sf) =	vpush v1, $0x3;
	_ =	sdelay $0xc  }
0x16b: {  	s29 =	spop (v2sf)  }
0x16c: {  	s20 =	sadd.s32 $0x3000, s29  }
0x16d: {  	s24 =	spop (v2sf);
	p1 =	sge.s32 s20, s16  }
0x16e: {  	p2 =	slt.s32 @!p1 s24, $0x1  }
0x16f: {  	p3 =	por p2, p1  }
0x170: {  	p3 =	slt.s32 @!p3 s20, s10  }
0x171: {  	p2 =	por @!p1 p3, p2  }
0x172: {  	p1 =	por p2, p1  }
0x173: {  	[sflag:s2] =	ssyncset.done @!p0 $0x0;
	s20 =	sshll.u32 @!p1 s20, $0x7  }
0x174: {  	[sflag:s2] =	ssyncadd.s32 @!p0 $0xFFFFFF80;
	s25 =	sshll.u32 @!p1 s3, $0x6;
	s20 =	sand.u32 @!p1 $0x1FFFFF80, s20  }
0x175: {  	s2 =	sadd.s32 @!p1 s6, s20;
	s20 =	sor.u32 @!p1 $0x1C09, s25;
	s25 =	rddreg [dreg:$0x1e]  }
0x176: {  	[hbm:s2], [sflag:s20] =	dma.local @!p1 [hbm:s25], $0x80  }
0x177: {  	s2 =	sadd.s32 $0x3001, s29  }
0x178: {  	p0 =	sge.s32 s2, s16  }
0x179: {  	p2 =	slt.s32 @!p0 s24, $0x2  }
0x17a: {  	p3 =	por p2, p0  }
0x17b: {  	p3 =	slt.s32 @!p3 s2, s10  }
0x17c: {  	s20 =	simm.s32 @!p1 $0x9;
	p2 =	por @!p0 p3, p2  }
0x17d: {  	_ =	swait.ge @!p1 [sflag:s20], $0x80;
	p0 =	por p2, p0  }
0x17e: {  	[sflag:s20] =	ssyncset.done @!p1 $0x0;
	s2 =	sshll.u32 @!p0 s2, $0x7  }
0x17f: {  	[sflag:s20] =	ssyncadd.s32 @!p1 $0xFFFFFF80;
	s25 =	sshll.u32 @!p0 s3, $0x6;
	s2 =	sand.u32 @!p0 $0x1FFFFF80, s2  }
0x180: {  	s20 =	sor.u32 @!p0 $0x1C09, s25;
	s25 =	rddreg [dreg:$0x1f];
	s2 =	sadd.s32 @!p0 s6, s2  }
0x181: {  	[hbm:s2], [sflag:s20] =	dma.local @!p0 [hbm:s25], $0x80  }
0x182: {  	s2 =	sadd.s32 $0x3002, s29  }
0x183: {  	p1 =	sge.s32 s2, s16  }
0x184: {  	p2 =	slt.s32 @!p1 s24, $0x3  }
0x185: {  	p3 =	por p2, p1  }
0x186: {  	s20 =	simm.s32 @!p0 $0x9;
	p3 =	slt.s32 @!p3 s2, s10  }
0x187: {  	_ =	swait.ge @!p0 [sflag:s20], $0x80;
	p2 =	por @!p1 p3, p2  }
0x188: {  	[sflag:s20] =	ssyncset.done @!p0 $0x0;
	p1 =	por p2, p1  }
0x189: {  	[sflag:s20] =	ssyncadd.s32 @!p0 $0xFFFFFF80;
	s25 =	sshll.u32 @!p1 s3, $0x6  }
0x18a: {  	s2 =	sshll.u32 @!p1 s2, $0x7;
	s20 =	sor.u32 @!p1 $0x1C09, s25;
	s25 =	sld [smem:$0x7D8]  }
0x18b: {  	s2 =	sand.u32 @!p1 $0x1FFFFF80, s2  }
0x18c: {  	s2 =	sadd.s32 @!p1 s6, s2  }
0x18d: {  	[hbm:s2], [sflag:s20] =	dma.local @!p1 [hbm:s25], $0x80  }
0x18e: {  	s2 =	sadd.s32 $0x3003, s29  }
0x18f: {  	p0 =	sge.s32 s2, s16  }
0x190: {  	p2 =	slt.s32 @!p0 s24, $0x4  }
0x191: {  	p3 =	por p2, p0  }
0x192: {  	s20 =	simm.s32 @!p1 $0x9;
	p3 =	slt.s32 @!p3 s2, s10  }
0x193: {  	_ =	swait.ge @!p1 [sflag:s20], $0x80;
	p2 =	por @!p0 p3, p2  }
0x194: {  	[sflag:s20] =	ssyncset.done @!p1 $0x0;
	p0 =	por p2, p0  }
0x195: {  	[sflag:s20] =	ssyncadd.s32 @!p1 $0xFFFFFF80;
	s25 =	sshll.u32 @!p0 s3, $0x6  }
0x196: {  	s2 =	sshll.u32 @!p0 s2, $0x7;
	s20 =	sor.u32 @!p0 $0x1C09, s25;
	s25 =	sld [smem:$0x7D9]  }
0x197: {  	s2 =	sand.u32 @!p0 $0x1FFFFF80, s2  }
0x198: {  	s2 =	sadd.s32 @!p0 s6, s2  }
0x199: {  	[hbm:s2], [sflag:s20] =	dma.local @!p0 [hbm:s25], $0x80  }
0x19a: {  	s2 =	sadd.s32 $0x3004, s29  }
0x19b: {  	p1 =	sge.s32 s2, s16  }
0x19c: {  	p2 =	slt.s32 @!p1 s24, $0x5  }
0x19d: {  	p3 =	por p2, p1  }
0x19e: {  	s20 =	simm.s32 @!p0 $0x9;
	p3 =	slt.s32 @!p3 s2, s10  }
0x19f: {  	_ =	swait.ge @!p0 [sflag:s20], $0x80;
	p2 =	por @!p1 p3, p2  }
0x1a0: {  	[sflag:s20] =	ssyncset.done @!p0 $0x0;
	p1 =	por p2, p1  }
0x1a1: {  	[sflag:s20] =	ssyncadd.s32 @!p0 $0xFFFFFF80;
	s25 =	sshll.u32 @!p1 s3, $0x6  }
0x1a2: {  	s2 =	sshll.u32 @!p1 s2, $0x7;
	s20 =	sor.u32 @!p1 $0x1C09, s25;
	s25 =	sld [smem:$0x7DA]  }
0x1a3: {  	s2 =	sand.u32 @!p1 $0x1FFFFF80, s2  }
0x1a4: {  	s2 =	sadd.s32 @!p1 s6, s2  }
0x1a5: {  	[hbm:s2], [sflag:s20] =	dma.local @!p1 [hbm:s25], $0x80  }
0x1a6: {  	s2 =	sadd.s32 $0x3005, s29  }
0x1a7: {  	p0 =	sge.s32 s2, s16  }
0x1a8: {  	p2 =	slt.s32 @!p0 s24, $0x6  }
0x1a9: {  	p3 =	por p2, p0  }
0x1aa: {  	s20 =	simm.s32 @!p1 $0x9;
	p3 =	slt.s32 @!p3 s2, s10  }
0x1ab: {  	_ =	swait.ge @!p1 [sflag:s20], $0x80;
	p2 =	por @!p0 p3, p2  }
0x1ac: {  	[sflag:s20] =	ssyncset.done @!p1 $0x0;
	p0 =	por p2, p0  }
0x1ad: {  	[sflag:s20] =	ssyncadd.s32 @!p1 $0xFFFFFF80;
	s25 =	sshll.u32 @!p0 s3, $0x6  }
0x1ae: {  	s2 =	sshll.u32 @!p0 s2, $0x7;
	s20 =	sor.u32 @!p0 $0x1C09, s25;
	s25 =	sld [smem:$0x7DB]  }
0x1af: {  	s2 =	sand.u32 @!p0 $0x1FFFFF80, s2  }
0x1b0: {  	s2 =	sadd.s32 @!p0 s6, s2  }
0x1b1: {  	[hbm:s2], [sflag:s20] =	dma.local @!p0 [hbm:s25], $0x80  }
0x1b2: {  	s2 =	sadd.s32 $0x3006, s29  }
0x1b3: {  	p1 =	sge.s32 s2, s16  }
0x1b4: {  	p2 =	slt.s32 @!p1 s24, $0x7  }
0x1b5: {  	p3 =	por p2, p1  }
0x1b6: {  	s20 =	simm.s32 @!p0 $0x9;
	p3 =	slt.s32 @!p3 s2, s10  }
0x1b7: {  	_ =	swait.ge @!p0 [sflag:s20], $0x80;
	p2 =	por @!p1 p3, p2  }
0x1b8: {  	[sflag:s20] =	ssyncset.done @!p0 $0x0;
	p1 =	por p2, p1  }
0x1b9: {  	[sflag:s20] =	ssyncadd.s32 @!p0 $0xFFFFFF80;
	s25 =	sshll.u32 @!p1 s3, $0x6  }
0x1ba: {  	s2 =	sshll.u32 @!p1 s2, $0x7;
	s20 =	sor.u32 @!p1 $0x1C09, s25;
	s25 =	sld [smem:$0x7DC]  }
0x1bb: {  	s2 =	sand.u32 @!p1 $0x1FFFFF80, s2  }
0x1bc: {  	s2 =	sadd.s32 @!p1 s6, s2  }
0x1bd: {  	[hbm:s2], [sflag:s20] =	dma.local @!p1 [hbm:s25], $0x80  }
0x1be: {  	s2 =	sadd.s32 $0x3007, s29  }
0x1bf: {  	p0 =	sge.s32 s2, s16  }
0x1c0: {  	p2 =	slt.s32 @!p0 s24, $0x8  }
0x1c1: {  	p3 =	por p2, p0  }
0x1c2: {  	s20 =	simm.s32 @!p1 $0x9;
	p3 =	slt.s32 @!p3 s2, s10  }
0x1c3: {  	_ =	swait.ge @!p1 [sflag:s20], $0x80;
	p2 =	por @!p0 p3, p2  }
0x1c4: {  	[sflag:s20] =	ssyncset.done @!p1 $0x0;
	p0 =	por p2, p0  }
0x1c5: {  	[sflag:s20] =	ssyncadd.s32 @!p1 $0xFFFFFF80;
	s23 =	sshll.u32 @!p0 s3, $0x6  }
0x1c6: {  	s2 =	sshll.u32 @!p0 s2, $0x7;
	s20 =	sor.u32 @!p0 $0x1C09, s23;
	s23 =	sld [smem:$0x7DD]  }
0x1c7: {  	s2 =	sand.u32 @!p0 $0x1FFFFF80, s2  }
0x1c8: {  	s2 =	sadd.s32 @!p0 s6, s2  }
0x1c9: {  	[hbm:s2], [sflag:s20] =	dma.local @!p0 [hbm:s23], $0x80  }
0x1ca: {  	s2 =	simm.s32 @!p0 $0x9  }
0x1cb: {  	_ =	swait.ge @!p0 [sflag:s2], $0x80  }
0x1cc: {  	(v2sf) =	vpush v0, $0x4;
	_ =	sdelay $0x1  }
0x1cd: {  	(v2sf) =	vpush v1, $0x4;
	_ =	sdelay $0xc  }
0x1ce: {  	s30 =	spop (v2sf)  }
0x1cf: {  	s20 =	sadd.s32 $0x4000, s30  }
0x1d0: {  	s24 =	spop (v2sf);
	p1 =	sge.s32 s20, s16  }
0x1d1: {  	p2 =	slt.s32 @!p1 s24, $0x1  }
0x1d2: {  	p3 =	por p2, p1  }
0x1d3: {  	p3 =	slt.s32 @!p3 s20, s10  }
0x1d4: {  	p2 =	por @!p1 p3, p2  }
0x1d5: {  	p1 =	por p2, p1  }
0x1d6: {  	[sflag:s2] =	ssyncset.done @!p0 $0x0;
	s20 =	sshll.u32 @!p1 s20, $0x7  }
0x1d7: {  	[sflag:s2] =	ssyncadd.s32 @!p0 $0xFFFFFF80;
	s25 =	sshll.u32 @!p1 s3, $0x6;
	s20 =	sand.u32 @!p1 $0x1FFFFF80, s20  }
0x1d8: {  	s2 =	sadd.s32 @!p1 s6, s20;
	s20 =	sor.u32 @!p1 $0x1C09, s25;
	s25 =	sld [smem:$0x7DE]  }
0x1d9: {  	_ =	sdelay $0x1  }
0x1da: {  	[hbm:s2], [sflag:s20] =	dma.local @!p1 [hbm:s25], $0x80  }
0x1db: {  	s2 =	sadd.s32 $0x4001, s30  }
0x1dc: {  	p0 =	sge.s32 s2, s16  }
0x1dd: {  	p2 =	slt.s32 @!p0 s24, $0x2  }
0x1de: {  	p3 =	por p2, p0  }
0x1df: {  	s20 =	simm.s32 @!p1 $0x9;
	p3 =	slt.s32 @!p3 s2, s10  }
0x1e0: {  	_ =	swait.ge @!p1 [sflag:s20], $0x80;
	p2 =	por @!p0 p3, p2  }
0x1e1: {  	[sflag:s20] =	ssyncset.done @!p1 $0x0;
	p0 =	por p2, p0  }
0x1e2: {  	[sflag:s20] =	ssyncadd.s32 @!p1 $0xFFFFFF80;
	s25 =	sshll.u32 @!p0 s3, $0x6  }
0x1e3: {  	s2 =	sshll.u32 @!p0 s2, $0x7;
	s20 =	sor.u32 @!p0 $0x1C09, s25;
	s25 =	sld [smem:$0x7DF]  }
0x1e4: {  	s2 =	sand.u32 @!p0 $0x1FFFFF80, s2  }
0x1e5: {  	s2 =	sadd.s32 @!p0 s6, s2  }
0x1e6: {  	[hbm:s2], [sflag:s20] =	dma.local @!p0 [hbm:s25], $0x80  }
0x1e7: {  	s2 =	sadd.s32 $0x4002, s30  }
0x1e8: {  	p1 =	sge.s32 s2, s16  }
0x1e9: {  	p2 =	slt.s32 @!p1 s24, $0x3  }
0x1ea: {  	p3 =	por p2, p1  }
0x1eb: {  	s20 =	simm.s32 @!p0 $0x9;
	p3 =	slt.s32 @!p3 s2, s10  }
0x1ec: {  	_ =	swait.ge @!p0 [sflag:s20], $0x80;
	p2 =	por @!p1 p3, p2  }
0x1ed: {  	[sflag:s20] =	ssyncset.done @!p0 $0x0;
	p1 =	por p2, p1  }
0x1ee: {  	[sflag:s20] =	ssyncadd.s32 @!p0 $0xFFFFFF80;
	s25 =	sshll.u32 @!p1 s3, $0x6  }
0x1ef: {  	s2 =	sshll.u32 @!p1 s2, $0x7;
	s20 =	sor.u32 @!p1 $0x1C09, s25;
	s25 =	sld [smem:$0x7E0]  }
0x1f0: {  	s2 =	sand.u32 @!p1 $0x1FFFFF80, s2  }
0x1f1: {  	s2 =	sadd.s32 @!p1 s6, s2  }
0x1f2: {  	[hbm:s2], [sflag:s20] =	dma.local @!p1 [hbm:s25], $0x80  }
0x1f3: {  	s2 =	sadd.s32 $0x4003, s30  }
0x1f4: {  	p0 =	sge.s32 s2, s16  }
0x1f5: {  	p2 =	slt.s32 @!p0 s24, $0x4  }
0x1f6: {  	p3 =	por p2, p0  }
0x1f7: {  	s20 =	simm.s32 @!p1 $0x9;
	p3 =	slt.s32 @!p3 s2, s10  }
0x1f8: {  	_ =	swait.ge @!p1 [sflag:s20], $0x80;
	p2 =	por @!p0 p3, p2  }
0x1f9: {  	[sflag:s20] =	ssyncset.done @!p1 $0x0;
	p0 =	por p2, p0  }
0x1fa: {  	[sflag:s20] =	ssyncadd.s32 @!p1 $0xFFFFFF80;
	s25 =	sshll.u32 @!p0 s3, $0x6  }
0x1fb: {  	s2 =	sshll.u32 @!p0 s2, $0x7;
	s20 =	sor.u32 @!p0 $0x1C09, s25;
	s25 =	sld [smem:$0x7E1]  }
0x1fc: {  	s2 =	sand.u32 @!p0 $0x1FFFFF80, s2  }
0x1fd: {  	s2 =	sadd.s32 @!p0 s6, s2  }
0x1fe: {  	[hbm:s2], [sflag:s20] =	dma.local @!p0 [hbm:s25], $0x80  }
0x1ff: {  	s2 =	sadd.s32 $0x4004, s30  }
0x200: {  	p1 =	sge.s32 s2, s16  }
0x201: {  	p2 =	slt.s32 @!p1 s24, $0x5  }
0x202: {  	p3 =	por p2, p1  }
0x203: {  	s20 =	simm.s32 @!p0 $0x9;
	p3 =	slt.s32 @!p3 s2, s10  }
0x204: {  	_ =	swait.ge @!p0 [sflag:s20], $0x80;
	p2 =	por @!p1 p3, p2  }
0x205: {  	[sflag:s20] =	ssyncset.done @!p0 $0x0;
	p1 =	por p2, p1  }
0x206: {  	[sflag:s20] =	ssyncadd.s32 @!p0 $0xFFFFFF80;
	s25 =	sshll.u32 @!p1 s3, $0x6  }
0x207: {  	s2 =	sshll.u32 @!p1 s2, $0x7;
	s20 =	sor.u32 @!p1 $0x1C09, s25;
	s25 =	sld [smem:$0x7E2]  }
0x208: {  	s2 =	sand.u32 @!p1 $0x1FFFFF80, s2  }
0x209: {  	s2 =	sadd.s32 @!p1 s6, s2  }
0x20a: {  	[hbm:s2], [sflag:s20] =	dma.local @!p1 [hbm:s25], $0x80  }
0x20b: {  	s2 =	sadd.s32 $0x4005, s30  }
0x20c: {  	p0 =	sge.s32 s2, s16  }
0x20d: {  	p2 =	slt.s32 @!p0 s24, $0x6  }
0x20e: {  	p3 =	por p2, p0  }
0x20f: {  	s20 =	simm.s32 @!p1 $0x9;
	p3 =	slt.s32 @!p3 s2, s10  }
0x210: {  	_ =	swait.ge @!p1 [sflag:s20], $0x80;
	p2 =	por @!p0 p3, p2  }
0x211: {  	[sflag:s20] =	ssyncset.done @!p1 $0x0;
	p0 =	por p2, p0  }
0x212: {  	[sflag:s20] =	ssyncadd.s32 @!p1 $0xFFFFFF80;
	s25 =	sshll.u32 @!p0 s3, $0x6  }
0x213: {  	s2 =	sshll.u32 @!p0 s2, $0x7;
	s20 =	sor.u32 @!p0 $0x1C09, s25;
	s25 =	sld [smem:$0x7E3]  }
0x214: {  	s2 =	sand.u32 @!p0 $0x1FFFFF80, s2  }
0x215: {  	s2 =	sadd.s32 @!p0 s6, s2  }
0x216: {  	[hbm:s2], [sflag:s20] =	dma.local @!p0 [hbm:s25], $0x80  }
0x217: {  	s2 =	sadd.s32 $0x4006, s30  }
0x218: {  	p1 =	sge.s32 s2, s16  }
0x219: {  	p2 =	slt.s32 @!p1 s24, $0x7  }
0x21a: {  	p3 =	por p2, p1  }
0x21b: {  	s20 =	simm.s32 @!p0 $0x9;
	p3 =	slt.s32 @!p3 s2, s10  }
0x21c: {  	_ =	swait.ge @!p0 [sflag:s20], $0x80;
	p2 =	por @!p1 p3, p2  }
0x21d: {  	[sflag:s20] =	ssyncset.done @!p0 $0x0;
	p1 =	por p2, p1  }
0x21e: {  	[sflag:s20] =	ssyncadd.s32 @!p0 $0xFFFFFF80;
	s25 =	sshll.u32 @!p1 s3, $0x6  }
0x21f: {  	s2 =	sshll.u32 @!p1 s2, $0x7;
	s20 =	sor.u32 @!p1 $0x1C09, s25;
	s25 =	sld [smem:$0x7E4]  }
0x220: {  	s2 =	sand.u32 @!p1 $0x1FFFFF80, s2  }
0x221: {  	s2 =	sadd.s32 @!p1 s6, s2  }
0x222: {  	[hbm:s2], [sflag:s20] =	dma.local @!p1 [hbm:s25], $0x80  }
0x223: {  	s2 =	sadd.s32 $0x4007, s30  }
0x224: {  	p0 =	sge.s32 s2, s16  }
0x225: {  	p2 =	slt.s32 @!p0 s24, $0x8  }
0x226: {  	p3 =	por p2, p0  }
0x227: {  	s20 =	simm.s32 @!p1 $0x9;
	p3 =	slt.s32 @!p3 s2, s10  }
0x228: {  	_ =	swait.ge @!p1 [sflag:s20], $0x80;
	p2 =	por @!p0 p3, p2  }
0x229: {  	[sflag:s20] =	ssyncset.done @!p1 $0x0;
	p0 =	por p2, p0  }
0x22a: {  	[sflag:s20] =	ssyncadd.s32 @!p1 $0xFFFFFF80;
	s23 =	sshll.u32 @!p0 s3, $0x6  }
0x22b: {  	s2 =	sshll.u32 @!p0 s2, $0x7;
	s20 =	sor.u32 @!p0 $0x1C09, s23;
	s23 =	sld [smem:$0x7E5]  }
0x22c: {  	s2 =	sand.u32 @!p0 $0x1FFFFF80, s2  }
0x22d: {  	s2 =	sadd.s32 @!p0 s6, s2  }
0x22e: {  	[hbm:s2], [sflag:s20] =	dma.local @!p0 [hbm:s23], $0x80  }
0x22f: {  	s2 =	simm.s32 @!p0 $0x9  }
0x230: {  	_ =	swait.ge @!p0 [sflag:s2], $0x80  }
0x231: {  	(v2sf) =	vpush v0, $0x5;
	_ =	sdelay $0x1  }
0x232: {  	(v2sf) =	vpush v1, $0x5;
	_ =	sdelay $0xc  }
0x233: {  	s26 =	spop (v2sf)  }
0x234: {  	s20 =	sadd.s32 $0x5000, s26  }
0x235: {  	s24 =	spop (v2sf);
	p1 =	sge.s32 s20, s16  }
0x236: {  	p2 =	slt.s32 @!p1 s24, $0x1  }
0x237: {  	p3 =	por p2, p1  }
0x238: {  	p3 =	slt.s32 @!p3 s20, s10  }
0x239: {  	p2 =	por @!p1 p3, p2  }
0x23a: {  	p1 =	por p2, p1  }
0x23b: {  	[sflag:s2] =	ssyncset.done @!p0 $0x0;
	s20 =	sshll.u32 @!p1 s20, $0x7  }
0x23c: {  	[sflag:s2] =	ssyncadd.s32 @!p0 $0xFFFFFF80;
	s25 =	sshll.u32 @!p1 s3, $0x6;
	s20 =	sand.u32 @!p1 $0x1FFFFF80, s20  }
0x23d: {  	s2 =	sadd.s32 @!p1 s6, s20;
	s20 =	sor.u32 @!p1 $0x1C09, s25;
	s25 =	sld [smem:$0x7E6]  }
0x23e: {  	_ =	sdelay $0x1  }
0x23f: {  	[hbm:s2], [sflag:s20] =	dma.local @!p1 [hbm:s25], $0x80  }
0x240: {  	s2 =	sadd.s32 $0x5001, s26  }
0x241: {  	p0 =	sge.s32 s2, s16  }
0x242: {  	p2 =	slt.s32 @!p0 s24, $0x2  }
0x243: {  	p3 =	por p2, p0  }
0x244: {  	s20 =	simm.s32 @!p1 $0x9;
	p3 =	slt.s32 @!p3 s2, s10  }
0x245: {  	_ =	swait.ge @!p1 [sflag:s20], $0x80;
	p2 =	por @!p0 p3, p2  }
0x246: {  	[sflag:s20] =	ssyncset.done @!p1 $0x0;
	p0 =	por p2, p0  }
0x247: {  	[sflag:s20] =	ssyncadd.s32 @!p1 $0xFFFFFF80;
	s25 =	sshll.u32 @!p0 s3, $0x6  }
0x248: {  	s2 =	sshll.u32 @!p0 s2, $0x7;
	s20 =	sor.u32 @!p0 $0x1C09, s25;
	s25 =	sld [smem:$0x7E7]  }
0x249: {  	s2 =	sand.u32 @!p0 $0x1FFFFF80, s2  }
0x24a: {  	s2 =	sadd.s32 @!p0 s6, s2  }
0x24b: {  	[hbm:s2], [sflag:s20] =	dma.local @!p0 [hbm:s25], $0x80  }
0x24c: {  	s2 =	sadd.s32 $0x5002, s26  }
0x24d: {  	p1 =	sge.s32 s2, s16  }
0x24e: {  	p2 =	slt.s32 @!p1 s24, $0x3  }
0x24f: {  	p3 =	por p2, p1  }
0x250: {  	s20 =	simm.s32 @!p0 $0x9;
	p3 =	slt.s32 @!p3 s2, s10  }
0x251: {  	_ =	swait.ge @!p0 [sflag:s20], $0x80;
	p2 =	por @!p1 p3, p2  }
0x252: {  	[sflag:s20] =	ssyncset.done @!p0 $0x0;
	p1 =	por p2, p1  }
0x253: {  	[sflag:s20] =	ssyncadd.s32 @!p0 $0xFFFFFF80;
	s25 =	sshll.u32 @!p1 s3, $0x6  }
0x254: {  	s2 =	sshll.u32 @!p1 s2, $0x7;
	s20 =	sor.u32 @!p1 $0x1C09, s25;
	s25 =	sld [smem:$0x7E8]  }
0x255: {  	s2 =	sand.u32 @!p1 $0x1FFFFF80, s2  }
0x256: {  	s2 =	sadd.s32 @!p1 s6, s2  }
0x257: {  	[hbm:s2], [sflag:s20] =	dma.local @!p1 [hbm:s25], $0x80  }
0x258: {  	s2 =	sadd.s32 $0x5003, s26  }
0x259: {  	p0 =	sge.s32 s2, s16  }
0x25a: {  	p2 =	slt.s32 @!p0 s24, $0x4  }
0x25b: {  	p3 =	por p2, p0  }
0x25c: {  	s20 =	simm.s32 @!p1 $0x9;
	p3 =	slt.s32 @!p3 s2, s10  }
0x25d: {  	_ =	swait.ge @!p1 [sflag:s20], $0x80;
	p2 =	por @!p0 p3, p2  }
0x25e: {  	[sflag:s20] =	ssyncset.done @!p1 $0x0;
	p0 =	por p2, p0  }
0x25f: {  	[sflag:s20] =	ssyncadd.s32 @!p1 $0xFFFFFF80;
	s25 =	sshll.u32 @!p0 s3, $0x6  }
0x260: {  	s2 =	sshll.u32 @!p0 s2, $0x7;
	s20 =	sor.u32 @!p0 $0x1C09, s25;
	s25 =	sld [smem:$0x7E9]  }
0x261: {  	s2 =	sand.u32 @!p0 $0x1FFFFF80, s2  }
0x262: {  	s2 =	sadd.s32 @!p0 s6, s2  }
0x263: {  	[hbm:s2], [sflag:s20] =	dma.local @!p0 [hbm:s25], $0x80  }
0x264: {  	s2 =	sadd.s32 $0x5004, s26  }
0x265: {  	p1 =	sge.s32 s2, s16  }
0x266: {  	p2 =	slt.s32 @!p1 s24, $0x5  }
0x267: {  	p3 =	por p2, p1  }
0x268: {  	s20 =	simm.s32 @!p0 $0x9;
	p3 =	slt.s32 @!p3 s2, s10  }
0x269: {  	_ =	swait.ge @!p0 [sflag:s20], $0x80;
	p2 =	por @!p1 p3, p2  }
0x26a: {  	[sflag:s20] =	ssyncset.done @!p0 $0x0;
	p1 =	por p2, p1  }
0x26b: {  	[sflag:s20] =	ssyncadd.s32 @!p0 $0xFFFFFF80;
	s25 =	sshll.u32 @!p1 s3, $0x6  }
0x26c: {  	s2 =	sshll.u32 @!p1 s2, $0x7;
	s20 =	sor.u32 @!p1 $0x1C09, s25;
	s25 =	sld [smem:$0x7EA]  }
0x26d: {  	s2 =	sand.u32 @!p1 $0x1FFFFF80, s2  }
0x26e: {  	s2 =	sadd.s32 @!p1 s6, s2  }
0x26f: {  	[hbm:s2], [sflag:s20] =	dma.local @!p1 [hbm:s25], $0x80  }
0x270: {  	s2 =	sadd.s32 $0x5005, s26  }
0x271: {  	p0 =	sge.s32 s2, s16  }
0x272: {  	p2 =	slt.s32 @!p0 s24, $0x6  }
0x273: {  	p3 =	por p2, p0  }
0x274: {  	s20 =	simm.s32 @!p1 $0x9;
	p3 =	slt.s32 @!p3 s2, s10  }
0x275: {  	_ =	swait.ge @!p1 [sflag:s20], $0x80;
	p2 =	por @!p0 p3, p2  }
0x276: {  	[sflag:s20] =	ssyncset.done @!p1 $0x0;
	p0 =	por p2, p0  }
0x277: {  	[sflag:s20] =	ssyncadd.s32 @!p1 $0xFFFFFF80;
	s25 =	sshll.u32 @!p0 s3, $0x6  }
0x278: {  	s2 =	sshll.u32 @!p0 s2, $0x7;
	s20 =	sor.u32 @!p0 $0x1C09, s25;
	s25 =	sld [smem:$0x7EB]  }
0x279: {  	s2 =	sand.u32 @!p0 $0x1FFFFF80, s2  }
0x27a: {  	s2 =	sadd.s32 @!p0 s6, s2  }
0x27b: {  	[hbm:s2], [sflag:s20] =	dma.local @!p0 [hbm:s25], $0x80  }
0x27c: {  	s2 =	sadd.s32 $0x5006, s26  }
0x27d: {  	p1 =	sge.s32 s2, s16  }
0x27e: {  	p2 =	slt.s32 @!p1 s24, $0x7  }
0x27f: {  	p3 =	por p2, p1  }
0x280: {  	s20 =	simm.s32 @!p0 $0x9;
	p3 =	slt.s32 @!p3 s2, s10  }
0x281: {  	_ =	swait.ge @!p0 [sflag:s20], $0x80;
	p2 =	por @!p1 p3, p2  }
0x282: {  	[sflag:s20] =	ssyncset.done @!p0 $0x0;
	p1 =	por p2, p1  }
0x283: {  	[sflag:s20] =	ssyncadd.s32 @!p0 $0xFFFFFF80;
	s25 =	sshll.u32 @!p1 s3, $0x6  }
0x284: {  	s2 =	sshll.u32 @!p1 s2, $0x7;
	s20 =	sor.u32 @!p1 $0x1C09, s25;
	s25 =	sld [smem:$0x7EC]  }
0x285: {  	s2 =	sand.u32 @!p1 $0x1FFFFF80, s2  }
0x286: {  	s2 =	sadd.s32 @!p1 s6, s2  }
0x287: {  	[hbm:s2], [sflag:s20] =	dma.local @!p1 [hbm:s25], $0x80  }
0x288: {  	s2 =	sadd.s32 $0x5007, s26  }
0x289: {  	p0 =	sge.s32 s2, s16  }
0x28a: {  	p2 =	slt.s32 @!p0 s24, $0x8  }
0x28b: {  	p3 =	por p2, p0  }
0x28c: {  	s20 =	simm.s32 @!p1 $0x9;
	p3 =	slt.s32 @!p3 s2, s10  }
0x28d: {  	_ =	swait.ge @!p1 [sflag:s20], $0x80;
	p2 =	por @!p0 p3, p2  }
0x28e: {  	[sflag:s20] =	ssyncset.done @!p1 $0x0;
	p0 =	por p2, p0  }
0x28f: {  	[sflag:s20] =	ssyncadd.s32 @!p1 $0xFFFFFF80;
	s23 =	sshll.u32 @!p0 s3, $0x6  }
0x290: {  	s2 =	sshll.u32 @!p0 s2, $0x7;
	s20 =	sor.u32 @!p0 $0x1C09, s23;
	s23 =	sld [smem:$0x7ED]  }
0x291: {  	s2 =	sand.u32 @!p0 $0x1FFFFF80, s2  }
0x292: {  	s2 =	sadd.s32 @!p0 s6, s2  }
0x293: {  	[hbm:s2], [sflag:s20] =	dma.local @!p0 [hbm:s23], $0x80  }
0x294: {  	s2 =	simm.s32 @!p0 $0x9  }
0x295: {  	_ =	swait.ge @!p0 [sflag:s2], $0x80  }
0x296: {  	(v2sf) =	vpush v0, $0x6;
	_ =	sdelay $0x1  }
0x297: {  	(v2sf) =	vpush v1, $0x6;
	_ =	sdelay $0xc  }
0x298: {  	s28 =	spop (v2sf)  }
0x299: {  	s20 =	sadd.s32 $0x6000, s28  }
0x29a: {  	s24 =	spop (v2sf);
	p1 =	sge.s32 s20, s16  }
0x29b: {  	p2 =	slt.s32 @!p1 s24, $0x1  }
0x29c: {  	p3 =	por p2, p1  }
0x29d: {  	p3 =	slt.s32 @!p3 s20, s10  }
0x29e: {  	p2 =	por @!p1 p3, p2  }
0x29f: {  	p1 =	por p2, p1  }
0x2a0: {  	[sflag:s2] =	ssyncset.done @!p0 $0x0;
	s20 =	sshll.u32 @!p1 s20, $0x7  }
0x2a1: {  	[sflag:s2] =	ssyncadd.s32 @!p0 $0xFFFFFF80;
	s25 =	sshll.u32 @!p1 s3, $0x6;
	s20 =	sand.u32 @!p1 $0x1FFFFF80, s20  }
0x2a2: {  	s2 =	sadd.s32 @!p1 s6, s20;
	s20 =	sor.u32 @!p1 $0x1C09, s25;
	s25 =	sld [smem:$0x7EE]  }
0x2a3: {  	_ =	sdelay $0x1  }
0x2a4: {  	[hbm:s2], [sflag:s20] =	dma.local @!p1 [hbm:s25], $0x80  }
0x2a5: {  	s2 =	sadd.s32 $0x6001, s28  }
0x2a6: {  	p0 =	sge.s32 s2, s16  }
0x2a7: {  	p2 =	slt.s32 @!p0 s24, $0x2  }
0x2a8: {  	p3 =	por p2, p0  }
0x2a9: {  	s20 =	simm.s32 @!p1 $0x9;
	p3 =	slt.s32 @!p3 s2, s10  }
0x2aa: {  	_ =	swait.ge @!p1 [sflag:s20], $0x80;
	p2 =	por @!p0 p3, p2  }
0x2ab: {  	[sflag:s20] =	ssyncset.done @!p1 $0x0;
	p0 =	por p2, p0  }
0x2ac: {  	[sflag:s20] =	ssyncadd.s32 @!p1 $0xFFFFFF80;
	s25 =	sshll.u32 @!p0 s3, $0x6  }
0x2ad: {  	s2 =	sshll.u32 @!p0 s2, $0x7;
	s20 =	sor.u32 @!p0 $0x1C09, s25;
	s25 =	sld [smem:$0x7EF]  }
0x2ae: {  	s2 =	sand.u32 @!p0 $0x1FFFFF80, s2  }
0x2af: {  	s2 =	sadd.s32 @!p0 s6, s2  }
0x2b0: {  	[hbm:s2], [sflag:s20] =	dma.local @!p0 [hbm:s25], $0x80  }
0x2b1: {  	s2 =	sadd.s32 $0x6002, s28  }
0x2b2: {  	p1 =	sge.s32 s2, s16  }
0x2b3: {  	p2 =	slt.s32 @!p1 s24, $0x3  }
0x2b4: {  	p3 =	por p2, p1  }
0x2b5: {  	s20 =	simm.s32 @!p0 $0x9;
	p3 =	slt.s32 @!p3 s2, s10  }
0x2b6: {  	_ =	swait.ge @!p0 [sflag:s20], $0x80;
	p2 =	por @!p1 p3, p2  }
0x2b7: {  	[sflag:s20] =	ssyncset.done @!p0 $0x0;
	p1 =	por p2, p1  }
0x2b8: {  	[sflag:s20] =	ssyncadd.s32 @!p0 $0xFFFFFF80;
	s25 =	sshll.u32 @!p1 s3, $0x6  }
0x2b9: {  	s2 =	sshll.u32 @!p1 s2, $0x7;
	s20 =	sor.u32 @!p1 $0x1C09, s25;
	s25 =	sld [smem:$0x7F0]  }
0x2ba: {  	s2 =	sand.u32 @!p1 $0x1FFFFF80, s2  }
0x2bb: {  	s2 =	sadd.s32 @!p1 s6, s2  }
0x2bc: {  	[hbm:s2], [sflag:s20] =	dma.local @!p1 [hbm:s25], $0x80  }
0x2bd: {  	s2 =	sadd.s32 $0x6003, s28  }
0x2be: {  	p0 =	sge.s32 s2, s16  }
0x2bf: {  	p2 =	slt.s32 @!p0 s24, $0x4  }
0x2c0: {  	p3 =	por p2, p0  }
0x2c1: {  	s20 =	simm.s32 @!p1 $0x9;
	p3 =	slt.s32 @!p3 s2, s10  }
0x2c2: {  	_ =	swait.ge @!p1 [sflag:s20], $0x80;
	p2 =	por @!p0 p3, p2  }
0x2c3: {  	[sflag:s20] =	ssyncset.done @!p1 $0x0;
	p0 =	por p2, p0  }
0x2c4: {  	[sflag:s20] =	ssyncadd.s32 @!p1 $0xFFFFFF80;
	s25 =	sshll.u32 @!p0 s3, $0x6  }
0x2c5: {  	s2 =	sshll.u32 @!p0 s2, $0x7;
	s20 =	sor.u32 @!p0 $0x1C09, s25;
	s25 =	sld [smem:$0x7F1]  }
0x2c6: {  	s2 =	sand.u32 @!p0 $0x1FFFFF80, s2  }
0x2c7: {  	s2 =	sadd.s32 @!p0 s6, s2  }
0x2c8: {  	[hbm:s2], [sflag:s20] =	dma.local @!p0 [hbm:s25], $0x80  }
0x2c9: {  	s2 =	sadd.s32 $0x6004, s28  }
0x2ca: {  	p1 =	sge.s32 s2, s16  }
0x2cb: {  	p2 =	slt.s32 @!p1 s24, $0x5  }
0x2cc: {  	p3 =	por p2, p1  }
0x2cd: {  	s20 =	simm.s32 @!p0 $0x9;
	p3 =	slt.s32 @!p3 s2, s10  }
0x2ce: {  	_ =	swait.ge @!p0 [sflag:s20], $0x80;
	p2 =	por @!p1 p3, p2  }
0x2cf: {  	[sflag:s20] =	ssyncset.done @!p0 $0x0;
	p1 =	por p2, p1  }
0x2d0: {  	[sflag:s20] =	ssyncadd.s32 @!p0 $0xFFFFFF80;
	s25 =	sshll.u32 @!p1 s3, $0x6  }
0x2d1: {  	s2 =	sshll.u32 @!p1 s2, $0x7;
	s20 =	sor.u32 @!p1 $0x1C09, s25;
	s25 =	sld [smem:$0x7F2]  }
0x2d2: {  	s2 =	sand.u32 @!p1 $0x1FFFFF80, s2  }
0x2d3: {  	s2 =	sadd.s32 @!p1 s6, s2  }
0x2d4: {  	[hbm:s2], [sflag:s20] =	dma.local @!p1 [hbm:s25], $0x80  }
0x2d5: {  	s2 =	sadd.s32 $0x6005, s28  }
0x2d6: {  	p0 =	sge.s32 s2, s16  }
0x2d7: {  	p2 =	slt.s32 @!p0 s24, $0x6  }
0x2d8: {  	p3 =	por p2, p0  }
0x2d9: {  	s20 =	simm.s32 @!p1 $0x9;
	p3 =	slt.s32 @!p3 s2, s10  }
0x2da: {  	_ =	swait.ge @!p1 [sflag:s20], $0x80;
	p2 =	por @!p0 p3, p2  }
0x2db: {  	[sflag:s20] =	ssyncset.done @!p1 $0x0;
	p0 =	por p2, p0  }
0x2dc: {  	[sflag:s20] =	ssyncadd.s32 @!p1 $0xFFFFFF80;
	s25 =	sshll.u32 @!p0 s3, $0x6  }
0x2dd: {  	s2 =	sshll.u32 @!p0 s2, $0x7;
	s20 =	sor.u32 @!p0 $0x1C09, s25;
	s25 =	sld [smem:$0x7F3]  }
0x2de: {  	s2 =	sand.u32 @!p0 $0x1FFFFF80, s2  }
0x2df: {  	s2 =	sadd.s32 @!p0 s6, s2  }
0x2e0: {  	[hbm:s2], [sflag:s20] =	dma.local @!p0 [hbm:s25], $0x80  }
0x2e1: {  	s2 =	sadd.s32 $0x6006, s28  }
0x2e2: {  	p1 =	sge.s32 s2, s16  }
0x2e3: {  	p2 =	slt.s32 @!p1 s24, $0x7  }
0x2e4: {  	p3 =	por p2, p1  }
0x2e5: {  	s20 =	simm.s32 @!p0 $0x9;
	p3 =	slt.s32 @!p3 s2, s10  }
0x2e6: {  	_ =	swait.ge @!p0 [sflag:s20], $0x80;
	p2 =	por @!p1 p3, p2  }
0x2e7: {  	[sflag:s20] =	ssyncset.done @!p0 $0x0;
	p1 =	por p2, p1  }
0x2e8: {  	[sflag:s20] =	ssyncadd.s32 @!p0 $0xFFFFFF80;
	s25 =	sshll.u32 @!p1 s3, $0x6  }
0x2e9: {  	s2 =	sshll.u32 @!p1 s2, $0x7;
	s20 =	sor.u32 @!p1 $0x1C09, s25;
	s25 =	sld [smem:$0x7F4]  }
0x2ea: {  	s2 =	sand.u32 @!p1 $0x1FFFFF80, s2  }
0x2eb: {  	s2 =	sadd.s32 @!p1 s6, s2  }
0x2ec: {  	[hbm:s2], [sflag:s20] =	dma.local @!p1 [hbm:s25], $0x80  }
0x2ed: {  	s2 =	sadd.s32 $0x6007, s28  }
0x2ee: {  	p0 =	sge.s32 s2, s16  }
0x2ef: {  	p2 =	slt.s32 @!p0 s24, $0x8  }
0x2f0: {  	p3 =	por p2, p0  }
0x2f1: {  	s20 =	simm.s32 @!p1 $0x9;
	p3 =	slt.s32 @!p3 s2, s10  }
0x2f2: {  	_ =	swait.ge @!p1 [sflag:s20], $0x80;
	p2 =	por @!p0 p3, p2  }
0x2f3: {  	[sflag:s20] =	ssyncset.done @!p1 $0x0;
	p0 =	por p2, p0  }
0x2f4: {  	[sflag:s20] =	ssyncadd.s32 @!p1 $0xFFFFFF80;
	s23 =	sshll.u32 @!p0 s3, $0x6  }
0x2f5: {  	s2 =	sshll.u32 @!p0 s2, $0x7;
	s20 =	sor.u32 @!p0 $0x1C09, s23;
	s23 =	sld [smem:$0x7F5]  }
0x2f6: {  	s2 =	sand.u32 @!p0 $0x1FFFFF80, s2  }
0x2f7: {  	s2 =	sadd.s32 @!p0 s6, s2  }
0x2f8: {  	[hbm:s2], [sflag:s20] =	dma.local @!p0 [hbm:s23], $0x80  }
0x2f9: {  	s2 =	simm.s32 @!p0 $0x9  }
0x2fa: {  	_ =	swait.ge @!p0 [sflag:s2], $0x80  }
0x2fb: {  	(v2sf) =	vpush v0, $0x7;
	_ =	sdelay $0x1  }
0x2fc: {  	(v2sf) =	vpush v1, $0x7;
	_ =	sdelay $0xc  }
0x2fd: {  	s29 =	spop (v2sf)  }
0x2fe: {  	s20 =	sadd.s32 $0x7000, s29  }
0x2ff: {  	s23 =	spop (v2sf);
	p1 =	sge.s32 s20, s16  }
0x300: {  	p2 =	slt.s32 @!p1 s23, $0x1  }
0x301: {  	p3 =	por p2, p1  }
0x302: {  	p3 =	slt.s32 @!p3 s20, s10  }
0x303: {  	p2 =	por @!p1 p3, p2  }
0x304: {  	p1 =	por p2, p1  }
0x305: {  	[sflag:s2] =	ssyncset.done @!p0 $0x0;
	s20 =	sshll.u32 @!p1 s20, $0x7  }
0x306: {  	[sflag:s2] =	ssyncadd.s32 @!p0 $0xFFFFFF80;
	s25 =	sshll.u32 @!p1 s3, $0x6;
	s20 =	sand.u32 @!p1 $0x1FFFFF80, s20  }
0x307: {  	s2 =	sadd.s32 @!p1 s6, s20;
	s20 =	sor.u32 @!p1 $0x1C09, s25;
	s25 =	sld [smem:$0x7F6]  }
0x308: {  	_ =	sdelay $0x1  }
0x309: {  	[hbm:s2], [sflag:s20] =	dma.local @!p1 [hbm:s25], $0x80  }
0x30a: {  	s2 =	sadd.s32 $0x7001, s29  }
0x30b: {  	p0 =	sge.s32 s2, s16  }
0x30c: {  	p2 =	slt.s32 @!p0 s23, $0x2  }
0x30d: {  	p3 =	por p2, p0  }
0x30e: {  	s20 =	simm.s32 @!p1 $0x9;
	p3 =	slt.s32 @!p3 s2, s10  }
0x30f: {  	_ =	swait.ge @!p1 [sflag:s20], $0x80;
	p2 =	por @!p0 p3, p2  }
0x310: {  	[sflag:s20] =	ssyncset.done @!p1 $0x0;
	p0 =	por p2, p0  }
0x311: {  	[sflag:s20] =	ssyncadd.s32 @!p1 $0xFFFFFF80;
	s25 =	sshll.u32 @!p0 s3, $0x6  }
0x312: {  	s2 =	sshll.u32 @!p0 s2, $0x7;
	s20 =	sor.u32 @!p0 $0x1C09, s25;
	s25 =	sld [smem:$0x7F7]  }
0x313: {  	s2 =	sand.u32 @!p0 $0x1FFFFF80, s2  }
0x314: {  	s2 =	sadd.s32 @!p0 s6, s2  }
0x315: {  	[hbm:s2], [sflag:s20] =	dma.local @!p0 [hbm:s25], $0x80  }
0x316: {  	s2 =	sadd.s32 $0x7002, s29  }
0x317: {  	p1 =	sge.s32 s2, s16  }
0x318: {  	p2 =	slt.s32 @!p1 s23, $0x3  }
0x319: {  	p3 =	por p2, p1  }
0x31a: {  	s20 =	simm.s32 @!p0 $0x9;
	p3 =	slt.s32 @!p3 s2, s10  }
0x31b: {  	_ =	swait.ge @!p0 [sflag:s20], $0x80;
	p2 =	por @!p1 p3, p2  }
0x31c: {  	[sflag:s20] =	ssyncset.done @!p0 $0x0;
	p1 =	por p2, p1  }
0x31d: {  	[sflag:s20] =	ssyncadd.s32 @!p0 $0xFFFFFF80;
	s25 =	sshll.u32 @!p1 s3, $0x6  }
0x31e: {  	s2 =	sshll.u32 @!p1 s2, $0x7;
	s20 =	sor.u32 @!p1 $0x1C09, s25;
	s25 =	sld [smem:$0x7F8]  }
0x31f: {  	s2 =	sand.u32 @!p1 $0x1FFFFF80, s2  }
0x320: {  	s2 =	sadd.s32 @!p1 s6, s2  }
0x321: {  	[hbm:s2], [sflag:s20] =	dma.local @!p1 [hbm:s25], $0x80  }
0x322: {  	s2 =	sadd.s32 $0x7003, s29  }
0x323: {  	p0 =	sge.s32 s2, s16  }
0x324: {  	p2 =	slt.s32 @!p0 s23, $0x4  }
0x325: {  	p3 =	por p2, p0  }
0x326: {  	s20 =	simm.s32 @!p1 $0x9;
	p3 =	slt.s32 @!p3 s2, s10  }
0x327: {  	_ =	swait.ge @!p1 [sflag:s20], $0x80;
	p2 =	por @!p0 p3, p2  }
0x328: {  	[sflag:s20] =	ssyncset.done @!p1 $0x0;
	p0 =	por p2, p0  }
0x329: {  	[sflag:s20] =	ssyncadd.s32 @!p1 $0xFFFFFF80;
	s25 =	sshll.u32 @!p0 s3, $0x6  }
0x32a: {  	s2 =	sshll.u32 @!p0 s2, $0x7;
	s20 =	sor.u32 @!p0 $0x1C09, s25;
	s25 =	sld [smem:$0x7F9]  }
0x32b: {  	s2 =	sand.u32 @!p0 $0x1FFFFF80, s2  }
0x32c: {  	s2 =	sadd.s32 @!p0 s6, s2  }
0x32d: {  	[hbm:s2], [sflag:s20] =	dma.local @!p0 [hbm:s25], $0x80  }
0x32e: {  	s2 =	sadd.s32 $0x7004, s29  }
0x32f: {  	p1 =	sge.s32 s2, s16  }
0x330: {  	p2 =	slt.s32 @!p1 s23, $0x5  }
0x331: {  	p3 =	por p2, p1  }
0x332: {  	s20 =	simm.s32 @!p0 $0x9;
	p3 =	slt.s32 @!p3 s2, s10  }
0x333: {  	_ =	swait.ge @!p0 [sflag:s20], $0x80;
	p2 =	por @!p1 p3, p2  }
0x334: {  	[sflag:s20] =	ssyncset.done @!p0 $0x0;
	p1 =	por p2, p1  }
0x335: {  	[sflag:s20] =	ssyncadd.s32 @!p0 $0xFFFFFF80;
	s25 =	sshll.u32 @!p1 s3, $0x6  }
0x336: {  	s2 =	sshll.u32 @!p1 s2, $0x7;
	s20 =	sor.u32 @!p1 $0x1C09, s25;
	s25 =	sld [smem:$0x7FA]  }
0x337: {  	s2 =	sand.u32 @!p1 $0x1FFFFF80, s2  }
0x338: {  	s2 =	sadd.s32 @!p1 s6, s2  }
0x339: {  	[hbm:s2], [sflag:s20] =	dma.local @!p1 [hbm:s25], $0x80  }
0x33a: {  	s2 =	sadd.s32 $0x7005, s29  }
0x33b: {  	p0 =	sge.s32 s2, s16  }
0x33c: {  	p2 =	slt.s32 @!p0 s23, $0x6  }
0x33d: {  	p3 =	por p2, p0  }
0x33e: {  	s20 =	simm.s32 @!p1 $0x9;
	p3 =	slt.s32 @!p3 s2, s10  }
0x33f: {  	_ =	swait.ge @!p1 [sflag:s20], $0x80;
	p2 =	por @!p0 p3, p2  }
0x340: {  	[sflag:s20] =	ssyncset.done @!p1 $0x0;
	p0 =	por p2, p0  }
0x341: {  	[sflag:s20] =	ssyncadd.s32 @!p1 $0xFFFFFF80;
	s25 =	sshll.u32 @!p0 s3, $0x6  }
0x342: {  	s2 =	sshll.u32 @!p0 s2, $0x7;
	s20 =	sor.u32 @!p0 $0x1C09, s25;
	s25 =	sld [smem:$0x7FB]  }
0x343: {  	s2 =	sand.u32 @!p0 $0x1FFFFF80, s2  }
0x344: {  	s2 =	sadd.s32 @!p0 s6, s2  }
0x345: {  	[hbm:s2], [sflag:s20] =	dma.local @!p0 [hbm:s25], $0x80  }
0x346: {  	s2 =	sadd.s32 $0x7006, s29  }
0x347: {  	p1 =	sge.s32 s2, s16  }
0x348: {  	p2 =	slt.s32 @!p1 s23, $0x7  }
0x349: {  	s20 =	simm.s32 @!p0 $0x9;
	p3 =	por p2, p1  }
0x34a: {  	_ =	swait.ge @!p0 [sflag:s20], $0x80;
	p3 =	slt.s32 @!p3 s2, s10  }
0x34b: {  	s24 =	sadd.s32 $0x7007, s29;
	[sflag:s20] =	ssyncset.done @!p0 $0x0;
	p3 =	por @!p1 p3, p2  }
0x34c: {  	[sflag:s20] =	ssyncadd.s32 @!p0 $0xFFFFFF80;
	p2 =	sge.s32 s24, s16;
	p1 =	por p3, p1  }
0x34d: {  	p4 =	slt.s32 @!p2 s23, $0x8;
	s23 =	sld [smem:$0x7FC];
	s2 =	sshll.u32 @!p1 s2, $0x7  }
0x34e: {  	p0 =	por p4, p2;
	s20 =	sshll.u32 @!p1 s3, $0x6;
	s2 =	sand.u32 @!p1 $0x1FFFFF80, s2  }
0x34f: {  	p0 =	slt.s32 @!p0 s24, s10;
	s20 =	sor.u32 @!p1 $0x1C09, s20;
	s2 =	sadd.s32 @!p1 s6, s2  }
0x350: {  	[hbm:s2], [sflag:s20] =	dma.local @!p1 [hbm:s23], $0x80  }
0x351: {  	p0 =	por @!p2 p0, p4;
	s2 =	simm.s32 @!p1 $0x9  }
0x352: {  	p0 =	por p0, p2;
	_ =	swait.ge @!p1 [sflag:s2], $0x80  }
0x353: {  	s20 =	sshll.u32 @!p0 s24, $0x7;
	[sflag:s2] =	ssyncset.done @!p1 $0x0  }
0x354: {  	s23 =	sshll.u32 @!p0 s3, $0x6;
	s20 =	sand.u32 @!p0 $0x1FFFFF80, s20;
	[sflag:s2] =	ssyncadd.s32 @!p1 $0xFFFFFF80  }
0x355: {  	s2 =	sadd.s32 @!p0 s6, s20;
	s20 =	sor.u32 @!p0 $0x1C09, s23;
	s23 =	sld [smem:$0x7FD]  }
0x356: {  	_ =	sdelay $0x1  }
0x357: {  	[hbm:s2], [sflag:s20] =	dma.local @!p0 [hbm:s23], $0x80  }
0x358: {  	s2 =	simm.s32 @!p0 $0x9  }
0x359: {  	_ =	swait.ge @!p0 [sflag:s2], $0x80  }
0x35a: {  	s22 =	sadd.s32 $0x1, s22;
	s30 =	rddreg [dreg:$0xe]  }
0x35b: {  	p1 =	sne.s32 s22, s30  }
.Ltmp1:
0x35c: {  	_ = 	snop;
	(pc) =	sbr.rel @!p1 .LBB2_27-.Ltmp1, $3  }
0x35d: {  	_ =	sdelay $0x1  }
0x35e: {  	[sflag:s2] =	ssyncset.done @!p0 $0x0  }
0x35f: {  	[sflag:s2] =	ssyncadd.s32 @!p0 $0xFFFFFF80  }
.LBB2_1:
0x360: {  	s23 =	simm.s32 $0x10  }
0x361: {  	s25 =	sadd.s32 $0x0, s8;
	s24 =	simm.s32 $0x200;
	s2 =	simm.s32 $0x0  }
.LBB2_2:
0x362: {  	[tilespmem:s2], [sflag:$0x1] =	stream.linear.gather [hbm4b:s25+s7], $0x80, $0x38;
	[tilespmem:$0x10100] =	vst v63  }
0x363: {  	s20 =	smov.u32 s23;
	s2 =	smov.u32 s24;
	p0 =	sne.s32 s23, $0x7F0  }
.Ltmp2:
0x364: {  	s23 =	sadd.s32 $0x10, s23;
	(pc) =	sbr.rel @p0 .LBB2_2-.Ltmp2, $2  }
0x365: {  	_ =	sdelay $0x2  }
0x366: {  	s24 =	sadd.s32 $0x200, s24;
	s25 =	sadd.s32 s20, s8  }
0x367: {  	[tilespmem:s2], [sflag:$0x1] =	stream.linear.gather [hbm4b:s25+s7], $0x80, $0x38;
	[tilespmem:$0x10100] =	vst v63  }
0x368: {  	s23 =	simm.s32 $0x80  }
0x369: {  	s24 =	simm.s32 $0x10;
	s2 =	sadd.s32 $0x0, s11;
	s25 =	simm.s32 $0x280  }
.LBB2_4:
0x36a: {  	[tilespmem:s23], [sflag:$0x2] =	stream.linear.gather [hbm4b:s2+s7], $0x80, $0x38;
	[tilespmem:$0x10100] =	vst v63  }
0x36b: {  	s2 =	smov.u32 s24;
	s23 =	smov.u32 s25;
	p0 =	sne.s32 s24, $0x7F0  }
.Ltmp3:
0x36c: {  	s24 =	sadd.s32 $0x10, s24;
	(pc) =	sbr.rel @p0 .LBB2_4-.Ltmp3, $2  }
0x36d: {  	_ =	sdelay $0x2  }
0x36e: {  	s25 =	sadd.s32 $0x200, s25;
	s2 =	sadd.s32 s2, s11  }
0x36f: {  	[tilespmem:s23], [sflag:$0x2] =	stream.linear.gather [hbm4b:s2+s7], $0x80, $0x38;
	[tilespmem:$0x10100] =	vst v63  }
0x370: {  	s23 =	simm.s32 $0x0;
	s28 =	rddreg [dreg:$0x2];
	s20 =	simm.s32 $0x10000  }
0x371: {  	[tilespmem:s20], [sflag:$0x9] =	stream.linear.gather [hbm4b:s28+s23], $0x8, $0x38;
	[tilespmem:$0x10100] =	vst v63  }
0x372: {  	_ =	swait.ge [sflag:s31], $0x8  }
0x373: {  	[sflag:s31] =	ssyncset.done $0x0  }
0x374: {  	[sflag:s31] =	ssyncadd.s32 $0xFFFFFFF8  }
0x375: {  	s30 =	simm.s32 $0x10080;
	s29 =	rddreg [dreg:$0x3]  }
0x376: {  	[tilespmem:s30], [sflag:$0x9] =	stream.linear.gather [hbm4b:s29+s23], $0x8, $0x38;
	[tilespmem:$0x10100] =	vst v63  }
0x377: {  	_ =	swait.ge [sflag:s31], $0x8  }
0x378: {  	[sflag:s31] =	ssyncset.done $0x0  }
0x379: {  	[sflag:s31] =	ssyncadd.s32 $0xFFFFFFF8  }
.LBB2_6:
0x37a: {  	s24 =	sshll.u32 s23, $0x10  }
0x37b: {  	s2 =	sor.u32 s9, s24  }
0x37c: {  	_ =	swait.ge [sflag:s1], $0x4000;
	s28 =	simm.s32 $0x10;
	s25 =	sshrl.u32 s2, $0x3  }
0x37d: {  	s29 =	simm.s32 $0x200;
	[sflag:s1] =	ssyncset.done $0x0;
	s26 =	sadd.s32 s6, s25  }
0x37e: {  	[sflag:s1] =	ssyncadd.s32 $0xFFFFC000;
	s2 =	simm.s32 $0x0;
	s30 =	sadd.s32 $0x0, s26  }
.LBB2_7:
0x37f: {  	[hbm4b:s30+s7] =	stream.linear.scatter [tilespmem:s2], [sflag:$0x5], $0x80, $0x38;
	[tilespmem:$0x10100] =	vst v63  }
0x380: {  	s20 =	smov.u32 s28;
	s2 =	smov.u32 s29;
	p0 =	sne.s32 s28, $0x7F0  }
.Ltmp4:
0x381: {  	s28 =	sadd.s32 $0x10, s28;
	(pc) =	sbr.rel @p0 .LBB2_7-.Ltmp4, $2  }
0x382: {  	_ =	sdelay $0x2  }
0x383: {  	s29 =	sadd.s32 $0x200, s29;
	s30 =	sadd.s32 s20, s26  }
0x384: {  	[hbm4b:s30+s7] =	stream.linear.scatter [tilespmem:s2], [sflag:$0x5], $0x80, $0x38;
	[tilespmem:$0x10100] =	vst v63  }
0x385: {  	p0 =	seq.s32 s23, $0x0  }
0x386: {  	s20 =	sadd.s32 s12, s24;
	s2 =	simm.s32 @!p0 $0x7  }
0x387: {  	s29 =	simm.s32 $0x100;
	s26 =	sshrl.u32 s20, $0x3;
	_ =	swait.ge @!p0 [sflag:s2], $0x4000  }
0x388: {  	s30 =	simm.s32 $0x10;
	s28 =	sadd.s32 s0, s26;
	[sflag:s2] =	ssyncset.done @!p0 $0x0  }
0x389: {  	s20 =	sadd.s32 $0x0, s28;
	[sflag:s2] =	ssyncadd.s32 @!p0 $0xFFFFC000;
	s2 =	simm.s32 $0x300  }
.LBB2_9:
0x38a: {  	[tilespmem:s29], [sflag:$0x3] =	stream.linear.gather [hbm4b:s20+s7], $0x80, $0x38;
	[tilespmem:$0x10100] =	vst v63  }
0x38b: {  	s20 =	smov.u32 s30;
	s29 =	smov.u32 s2;
	p1 =	sne.s32 s30, $0x7F0  }
.Ltmp5:
0x38c: {  	s30 =	sadd.s32 $0x10, s30;
	(pc) =	sbr.rel @p1 .LBB2_9-.Ltmp5, $2  }
0x38d: {  	_ =	sdelay $0x2  }
0x38e: {  	s2 =	sadd.s32 $0x200, s2;
	s20 =	sadd.s32 s20, s28  }
0x38f: {  	[tilespmem:s29], [sflag:$0x3] =	stream.linear.gather [hbm4b:s20+s7], $0x80, $0x38;
	[tilespmem:$0x10100] =	vst v63  }
0x390: {  	s2 =	sadd.s32 s25, s6;
	s28 =	simm.s32 $0x80;
	_ =	swait.ge [sflag:s4], $0x4000  }
0x391: {  	s29 =	simm.s32 $0x10;
	s25 =	sadd.s32 $0x800, s2;
	[sflag:s4] =	ssyncset.done $0x0  }
0x392: {  	s2 =	simm.s32 $0x280;
	s20 =	sadd.s32 $0x0, s25;
	[sflag:s4] =	ssyncadd.s32 $0xFFFFC000  }
.LBB2_11:
0x393: {  	[hbm4b:s20+s7] =	stream.linear.scatter [tilespmem:s28], [sflag:$0x6], $0x80, $0x38;
	[tilespmem:$0x10100] =	vst v63  }
0x394: {  	s20 =	smov.u32 s29;
	s28 =	smov.u32 s2;
	p1 =	sne.s32 s29, $0x7F0  }
.Ltmp6:
0x395: {  	s29 =	sadd.s32 $0x10, s29;
	(pc) =	sbr.rel @p1 .LBB2_11-.Ltmp6, $2  }
0x396: {  	_ =	sdelay $0x2  }
0x397: {  	s2 =	sadd.s32 $0x200, s2;
	s20 =	sadd.s32 s20, s25  }
0x398: {  	[hbm4b:s20+s7] =	stream.linear.scatter [tilespmem:s28], [sflag:$0x6], $0x80, $0x38;
	[tilespmem:$0x10100] =	vst v63  }
0x399: {  	s2 =	simm.s32 @!p0 $0x8;
	s25 =	sadd.s32 s13, s24  }
0x39a: {  	s29 =	simm.s32 $0x180;
	_ =	swait.ge @!p0 [sflag:s2], $0x4000;
	s25 =	sshrl.u32 s25, $0x3  }
0x39b: {  	s30 =	simm.s32 $0x10;
	[sflag:s2] =	ssyncset.done @!p0 $0x0;
	s28 =	sadd.s32 s0, s25  }
0x39c: {  	[sflag:s2] =	ssyncadd.s32 @!p0 $0xFFFFC000;
	s20 =	sadd.s32 $0x0, s28;
	s2 =	simm.s32 $0x380  }
.LBB2_13:
0x39d: {  	[tilespmem:s29], [sflag:$0x4] =	stream.linear.gather [hbm4b:s20+s7], $0x80, $0x38;
	[tilespmem:$0x10100] =	vst v63  }
0x39e: {  	s20 =	smov.u32 s30;
	s29 =	smov.u32 s2;
	p0 =	sne.s32 s30, $0x7F0  }
.Ltmp7:
0x39f: {  	s30 =	sadd.s32 $0x10, s30;
	(pc) =	sbr.rel @p0 .LBB2_13-.Ltmp7, $2  }
0x3a0: {  	_ =	sdelay $0x2  }
0x3a1: {  	s2 =	sadd.s32 $0x200, s2;
	s20 =	sadd.s32 s20, s28  }
0x3a2: {  	[tilespmem:s29], [sflag:$0x4] =	stream.linear.gather [hbm4b:s20+s7], $0x80, $0x38;
	[tilespmem:$0x10100] =	vst v63  }
0x3a3: {  	s26 =	sadd.s32 s6, s26;
	_ =	swait.ge [sflag:s5], $0x4000  }
0x3a4: {  	s28 =	simm.s32 $0x100;
	s29 =	simm.s32 $0x10;
	[sflag:s5] =	ssyncset.done $0x0  }
0x3a5: {  	s2 =	simm.s32 $0x300;
	s20 =	sadd.s32 $0x0, s26;
	[sflag:s5] =	ssyncadd.s32 $0xFFFFC000  }
.LBB2_15:
0x3a6: {  	[hbm4b:s20+s7] =	stream.linear.scatter [tilespmem:s28], [sflag:$0x7], $0x80, $0x38;
	[tilespmem:$0x10100] =	vst v63  }
0x3a7: {  	s20 =	smov.u32 s29;
	s28 =	smov.u32 s2;
	p0 =	sne.s32 s29, $0x7F0  }
.Ltmp8:
0x3a8: {  	s29 =	sadd.s32 $0x10, s29;
	(pc) =	sbr.rel @p0 .LBB2_15-.Ltmp8, $2  }
0x3a9: {  	_ =	sdelay $0x2  }
0x3aa: {  	s2 =	sadd.s32 $0x200, s2;
	s20 =	sadd.s32 s20, s26  }
0x3ab: {  	p0 =	seq.s32 s23, $0xF  }
.Ltmp9:
0x3ac: {  	_ = 	snop;
	(pc) =	sbr.rel @p0 .LBB2_20-.Ltmp9, $2  }
0x3ad: {  	_ =	sdelay $0x2  }
0x3ae: {  	[hbm4b:s20+s7] =	stream.linear.scatter [tilespmem:s28], [sflag:$0x7], $0x80, $0x38;
	[tilespmem:$0x10100] =	vst v63  }
0x3af: {  	s2 =	sadd.s32 s24, s14  }
0x3b0: {  	_ =	swait.ge [sflag:s18], $0x4000;
	s28 =	simm.s32 $0x0;
	s2 =	sshrl.u32 s2, $0x3  }
0x3b1: {  	s29 =	simm.s32 $0x10;
	[sflag:s18] =	ssyncset.done $0x0;
	s26 =	sadd.s32 s0, s2  }
0x3b2: {  	[sflag:s18] =	ssyncadd.s32 $0xFFFFC000;
	s2 =	simm.s32 $0x200;
	s20 =	sadd.s32 $0x0, s26  }
.LBB2_18:
0x3b3: {  	[tilespmem:s28], [sflag:$0x1] =	stream.linear.gather [hbm4b:s20+s7], $0x80, $0x38;
	[tilespmem:$0x10100] =	vst v63  }
0x3b4: {  	s20 =	smov.u32 s29;
	s28 =	smov.u32 s2;
	p1 =	sne.s32 s29, $0x7F0  }
.Ltmp10:
0x3b5: {  	s29 =	sadd.s32 $0x10, s29;
	(pc) =	sbr.rel @p1 .LBB2_18-.Ltmp10, $2  }
0x3b6: {  	_ =	sdelay $0x2  }
0x3b7: {  	s2 =	sadd.s32 $0x200, s2;
	s20 =	sadd.s32 s20, s26  }
0x3b8: {  	[tilespmem:s28], [sflag:$0x1] =	stream.linear.gather [hbm4b:s20+s7], $0x80, $0x38;
	[tilespmem:$0x10100] =	vst v63  }
.LBB2_20:
0x3b9: {  	_ =	swait.ge [sflag:s17], $0x4000;
	s25 =	sadd.s32 s6, s25  }
0x3ba: {  	s26 =	simm.s32 $0x180;
	s28 =	simm.s32 $0x10;
	[sflag:s17] =	ssyncset.done $0x0  }
0x3bb: {  	s2 =	simm.s32 $0x380;
	s20 =	sadd.s32 $0x0, s25;
	[sflag:s17] =	ssyncadd.s32 $0xFFFFC000  }
.LBB2_21:
0x3bc: {  	[hbm4b:s20+s7] =	stream.linear.scatter [tilespmem:s26], [sflag:$0x8], $0x80, $0x38;
	[tilespmem:$0x10100] =	vst v63  }
0x3bd: {  	s20 =	smov.u32 s28;
	s26 =	smov.u32 s2;
	p1 =	sne.s32 s28, $0x7F0  }
.Ltmp11:
0x3be: {  	s28 =	sadd.s32 $0x10, s28;
	(pc) =	sbr.rel @p1 .LBB2_21-.Ltmp11, $2  }
0x3bf: {  	_ =	sdelay $0x2  }
0x3c0: {  	s2 =	sadd.s32 $0x200, s2;
	s20 =	sadd.s32 s20, s25  }
.Ltmp12:
0x3c1: {  	(pc) =	sbr.rel @p0 .LBB2_26-.Ltmp12, $2  }
0x3c2: {  	_ =	sdelay $0x2  }
0x3c3: {  	[hbm4b:s20+s7] =	stream.linear.scatter [tilespmem:s26], [sflag:$0x8], $0x80, $0x38;
	[tilespmem:$0x10100] =	vst v63  }
0x3c4: {  	s2 =	sadd.s32 s24, s15  }
0x3c5: {  	_ =	swait.ge [sflag:s19], $0x4000;
	s25 =	simm.s32 $0x80;
	s2 =	sshrl.u32 s2, $0x3  }
0x3c6: {  	s26 =	simm.s32 $0x10;
	[sflag:s19] =	ssyncset.done $0x0;
	s24 =	sadd.s32 s0, s2  }
0x3c7: {  	[sflag:s19] =	ssyncadd.s32 $0xFFFFC000;
	s2 =	simm.s32 $0x280;
	s20 =	sadd.s32 $0x0, s24  }
.LBB2_24:
0x3c8: {  	[tilespmem:s25], [sflag:$0x2] =	stream.linear.gather [hbm4b:s20+s7], $0x80, $0x38;
	[tilespmem:$0x10100] =	vst v63  }
0x3c9: {  	s20 =	smov.u32 s26;
	s25 =	smov.u32 s2;
	p0 =	sne.s32 s26, $0x7F0  }
.Ltmp13:
0x3ca: {  	s26 =	sadd.s32 $0x10, s26;
	(pc) =	sbr.rel @p0 .LBB2_24-.Ltmp13, $2  }
0x3cb: {  	_ =	sdelay $0x2  }
0x3cc: {  	s2 =	sadd.s32 $0x200, s2;
	s20 =	sadd.s32 s20, s24  }
.Ltmp14:
0x3cd: {  	(pc) =	sbr.rel .LBB2_6-.Ltmp14, $3  }
0x3ce: {  	_ =	sdelay $0x1  }
0x3cf: {  	[tilespmem:s25], [sflag:$0x2] =	stream.linear.gather [hbm4b:s20+s7], $0x80, $0x38;
	[tilespmem:$0x10100] =	vst v63  }
0x3d0: {  	s23 =	sadd.s32 $0x1, s23  }
.LBB2_27:
0x3d1: {  	_ =	sfence.sel $0x180000  }
0x3d2: {  	[bflag:$0x0] =	sbarrier.arrive $0xFFFF  }
0x3d3: {  	_ =	strace $0x90000047  }
0x3d4: {  	[bflag:$0x2] =	sbarrier.arrive $0xFFFF  }
0x3d5: {  	p0 =	sne.s32 s3, $0x0;
	s0 =	rddreg [dreg:$0x5]  }
0x3d6: {  	s0 =	sadd.s32 @!p0 $0x100000, s0  }
0x3d7: {  	[sflag:s0] =	ssyncadd.tile.s32 @!p0 $0x1;
	_ =	shalt  }
.Lfunc_end2:
_tile_overlayer_lowered:
.L_overlay_start_2:
0x3d8: {  	(tag) =	ssettag $0x2  }
0x3d9: {  	s0 =	rddreg [dreg:$0x0];
	s2 =	stileid.u32  }
0x3da: {  	s1 =	rddreg [dreg:$0x1];
	p0 =	sne.s32 s2, $0x0  }
0x3db: {  	s3 =	rddreg [dreg:$0x2];
	[bflag:$0x3] =	sbarrier.arrive $0xFFFF;
	s2 =	simm.s32 @!p0 $0x1C09  }
0x3dc: {  	[timem:s3], [sflag:s2] =	dma.local @!p0 [hbm:s0], s1  }
0x3dd: {  	s0 =	simm.s32 @!p0 $0x9  }
0x3de: {  	_ =	swait.ge @!p0 [sflag:s0], s1  }
0x3df: {  	s1 =	ssub.s32 @!p0 $0x0, s1;
	[sflag:s0] =	ssyncset.done @!p0 $0x0  }
0x3e0: {  	[sflag:s0] =	ssyncadd.s32 @!p0 s1  }
0x3e1: {  	[bflag:$0x3] =	sbarrier.arrive $0xFFFF  }
0x3e2: {  	_ =	shalt  }

</sc_bundles>
